<compile_context>
chip_gen: v7x
topology: tpu7x:2x2x1
jax: 0.10.2.dev20260603
libtpu: 0.0.44.dev20260713+nightly
codegen_flags: <defaults>
</compile_context>

<pallas_src>
import functools

import jax
import jax.numpy as jnp
from jax import lax
from jax.experimental import pallas as pl
from jax.experimental.pallas import tpu as pltpu
from jax.experimental.pallas import tpu_sc as plsc

D = 16
T = 4
NW = 32
CHUNK = 128
L = 50

_mesh = plsc.VectorSubcoreMesh(core_axis_name="c", subcore_axis_name="s")

NCOL = 7813
NFULL = NCOL - 1


@functools.partial(
    pl.kernel,
    mesh=_mesh,
    compiler_params=pltpu.CompilerParams(
        use_tc_tiling_on_sc=True, needs_layout_passes=False
    ),
    out_type=jax.ShapeDtypeStruct((125000, 128), jnp.float32),
    scratch_types=[
        pltpu.VMEM((8, 2, 8, 129), jnp.float32),
        pltpu.VMEM((8, D, 128), jnp.float32),
        pltpu.SemaphoreType.DMA,
        pltpu.SemaphoreType.DMA,
    ],
)
def _detranspose(tt_hbm, tail_hbm, out_hbm, stage_v, trans_v, isem, osem):
    wid = lax.axis_index("s") * 2 + lax.axis_index("c")
    nfull = jnp.where(wid < NFULL - 244 * 32, 245, 244)
    lane = jnp.arange(16, dtype=jnp.int32)
    dtv = lane // 8
    dlv = lane % 8
    NB = 8

    def fire(c, buf):
        for dt in range(2):
            pltpu.async_copy(
                tt_hbm.at[pl.ds(dt * 8, 8), pl.ds(c * 128, 128)],
                stage_v.at[buf, dt, :, pl.ds(0, 128)],
                isem,
            )

    def wait_in(c, buf):
        for dt in range(2):
            pltpu.make_async_copy(
                tt_hbm.at[pl.ds(dt * 8, 8), pl.ds(c * 128, 128)],
                stage_v.at[buf, dt, :, pl.ds(0, 128)],
                isem,
            ).wait()

    for p in range(NB - 1):
        fire(wid + p * 32, p)

    def col_body(k, carry):
        b = lax.rem(k, NB)
        c = wid + k * 32

        @pl.when(k + NB - 1 < nfull)
        def _():
            fire(c + (NB - 1) * 32, lax.rem(k + NB - 1, NB))

        wait_in(c, b)

        @pl.when(k >= NB)
        def _():
            pltpu.make_async_copy(
                trans_v.at[b], out_hbm.at[pl.ds((c - NB * 32) * 16, 16), :], osem
            ).wait()

        sb = stage_v.at[b]
        tb = trans_v.at[b]

        @plsc.parallel_loop(0, 8, unroll=8)
        def vtx(j):
            col = plsc.load_gather(sb, [dtv, dlv, jnp.full((16,), j, jnp.int32)])
            tb[lax.div(j, 8), pl.ds(lax.rem(j, 8) * 16, 16)] = col

        pltpu.async_copy(trans_v.at[b], out_hbm.at[pl.ds(c * 16, 16), :], osem)
        return carry

    lax.fori_loop(0, nfull, col_body, 0)

    for dk in range(NB, 0, -1):
        k = nfull - dk
        b = lax.rem(k, NB)
        c = wid + k * 32
        pltpu.make_async_copy(
            trans_v.at[b], out_hbm.at[pl.ds(c * 16, 16), :], osem
        ).wait()

    @pl.when(wid == (NFULL % 32))
    def _():
        pltpu.sync_copy(tail_hbm, trans_v.at[0, pl.ds(0, 8), :])
        pltpu.sync_copy(
            trans_v.at[0, pl.ds(0, 8), :], out_hbm.at[pl.ds(NFULL * 16, 8), :]
        )


@functools.partial(
    pl.kernel,
    mesh=_mesh,
    compiler_params=pltpu.CompilerParams(
        use_tc_tiling_on_sc=False, needs_layout_passes=False
    ),
    out_type=jax.ShapeDtypeStruct((T, L, 2, NW, 8, 128), jnp.float32),
    scratch_types=[
        pltpu.VMEM((L, CHUNK), jnp.int32),
        pltpu.VMEM((4, CHUNK, D), jnp.float32),
        pltpu.VMEM((4, T, D, CHUNK), jnp.float32),
        pltpu.SemaphoreType.DMA,
        pltpu.SemaphoreType.DMA,
    ],
)
def _lif_embed(table_hbm, ids_hbm, out_hbm, ids_v, rows_v, outs_v, gsem, ssem):
    wid = lax.axis_index("s") * 2 + lax.axis_index("c")
    NB = 4
    pltpu.sync_copy(ids_hbm.at[:, pl.ds(wid * CHUNK, CHUNK)], ids_v)
    for p in range(NB - 1):
        pltpu.async_copy(table_hbm.at[ids_v.at[p]], rows_v.at[p], gsem)

    lane = jnp.arange(16, dtype=jnp.int32)

    def chunk_body(l, carry):
        b = lax.rem(l, NB)

        @pl.when(l + NB - 1 < L)
        def _():
            pltpu.async_copy(
                table_hbm.at[ids_v.at[l + NB - 1]],
                rows_v.at[lax.rem(l + NB - 1, NB)],
                gsem,
            )

        pltpu.make_async_copy(table_hbm.at[ids_v.at[l]], rows_v.at[b], gsem).wait()

        @pl.when(l >= NB)
        def _():
            for t in range(T):
                for dt in range(2):
                    pltpu.make_async_copy(
                        outs_v.at[b, t, pl.ds(dt * 8, 8), :],
                        out_hbm.at[t, l - NB, dt, wid],
                        ssem,
                    ).wait()

        rows = rows_v.at[b]

        @plsc.parallel_loop(0, CHUNK, unroll=8)
        def tok(k):
            d = lax.div(k, 8)
            jj = lax.rem(k, 8)
            tok_i = jj * 16 + lane
            pd = lax.rem(d + lane, 16)
            e = plsc.load_gather(rows, [tok_i, pd])
            m = e
            for t in range(T):
                s = jnp.where(m >= 1.0, 1.0, 0.0)
                plsc.store_scatter(outs_v.at[b, t], [pd, tok_i], s)
                if t < T - 1:
                    m = (m - s) * 0.5 + e

        for t in range(T):
            for dt in range(2):
                pltpu.async_copy(
                    outs_v.at[b, t, pl.ds(dt * 8, 8), :],
                    out_hbm.at[t, l, dt, wid],
                    ssem,
                )
        return carry

    lax.fori_loop(0, L, chunk_body, 0)

    for ll in range(L - 4, L):
        for t in range(T):
            for dt in range(2):
                pltpu.make_async_copy(
                    outs_v.at[ll % 4, t, pl.ds(dt * 8, 8), :],
                    out_hbm.at[t, ll, dt, wid],
                    ssem,
                ).wait()


def kernel(input_ids, embedding_weight):
    B, Lx = input_ids.shape
    ids_t = input_ids.astype(jnp.int32).T
    tail = embedding_weight[NFULL * 128:].reshape(8, 128)
    table_g = _detranspose(embedding_weight.T, tail)
    out6 = _lif_embed(table_g.reshape(1000000, 16), ids_t)
    return out6.transpose(0, 3, 5, 1, 2, 4).reshape(T, B, Lx, D)

# --- scband reference (transcript-rebuilt; emitter-appended) ---
"""Pipeline reference for scband-spiking-embedding-84155589198552 (READ-ONLY COPY).

The authoritative reference and input builder live on the scoring server;
editing this copy changes nothing except your own understanding.
"""

import jax, jax.numpy as jnp
import numpy as np

VOCAB = 1000000
EMBED_DIM = 16
TIMESTEPS = 4
THRESHOLD = 1.0
DECAY = 0.5
SURROGATE_ALPHA = 4.0


def setup_inputs(seed: int = 0) -> dict:
    key = jax.random.key(seed)
    k1, k2 = jax.random.split(key)
    input_ids = jax.random.randint(k1, (4096, 50), 0, VOCAB, dtype=jnp.int64)
    embedding_weight = jax.random.normal(k2, (VOCAB, EMBED_DIM), dtype=jnp.float32)
    return {"input_ids": input_ids, "embedding_weight": embedding_weight}


def reference(input_ids, embedding_weight):
    # nn.Embedding lookup -> gather
    emb = jnp.take(embedding_weight, input_ids, axis=0)  # [B, L, D]
    # RateCoding: repeat the analog input across T timesteps as injected current
    x = jnp.broadcast_to(emb[None], (TIMESTEPS,) + emb.shape)  # [T, B, L, D]

    # LifNeuron: leaky integrate-and-fire with soft reset, straight-through surrogate spike
    def step(mem, xt):
        mem = mem * DECAY + xt
        hard = (mem >= THRESHOLD).astype(jnp.float32)
        soft = jax.nn.sigmoid((mem - THRESHOLD) * SURROGATE_ALPHA)
        spike = jax.lax.stop_gradient(hard - soft) + soft
        mem = mem - spike * THRESHOLD
        return mem, spike

    mem0 = jnp.zeros_like(emb)
    _, spikes = jax.lax.scan(step, mem0, x)
    return spikes  # [T, B, L, D]

if __name__ == "__main__":
    import jax
    _d = setup_inputs()
    print(jax.jit(kernel)(*tuple(_d.values())))

</pallas_src>

<mosaic_0001>
#map = affine_map<(d0, d1) -> (0, 0)>
#map1 = affine_map<(d0, d1) -> (0, 0, 0, 0, 0, 0)>
module attributes {stable_mosaic.version = 14 : i64} {
  func.func @_lif_embed(%arg0: i32, %arg1: i32, %arg2: memref<1000000x16xf32, #tpu.memory_space<hbm>>, %arg3: memref<50x4096xi32, #tpu.memory_space<hbm>>, %arg4: memref<4x50x2x32x8x128xf32, #tpu.memory_space<hbm>>, %arg5: memref<50x128xi32, #tpu.memory_space<vmem>>, %arg6: memref<4x128x16xf32, #tpu.memory_space<vmem>>, %arg7: memref<4x4x16x128xf32, #tpu.memory_space<vmem>>, %arg8: memref<!tpu.dma_semaphore, #tpu.memory_space<semaphore_mem>>, %arg9: memref<!tpu.dma_semaphore, #tpu.memory_space<semaphore_mem>>) attributes {dimension_semantics = [#tpu.dimension_semantics<core_parallel>, #tpu.dimension_semantics<subcore_parallel>], iteration_bounds = array<i64: 2, 16>, scalar_prefetch = 0 : i64, scratch_operands = 5 : i64, tpu.core_type = #tpu.core_type<sc_vector_subcore>, window_params = [{transform_indices = #map}, {transform_indices = #map}, {transform_indices = #map1}]} {
    %mul3A = arith.constant 2 : i32
    %mul3A_0 = arith.muli %arg1, %mul3A : i32
    %add3A = arith.addi %mul3A_0, %arg0 : i32
    %mul3A_1 = arith.constant 128 : i32
    %mul3A_2 = arith.muli %add3A, %mul3A_1 : i32
    "tpu.region"() ({
      %run_scoped3A = tpu.sem_alloc : memref<!tpu.dma_semaphore, #tpu.memory_space<semaphore_mem>>
      %dma_start3A_714 = arith.constant 0 : i32
      %dma_start3A_715 = tpu.memref_slice %arg3[%dma_start3A_714, %mul3A_2] : memref<50x4096xi32, #tpu.memory_space<hbm>> -> memref<50x128xi32, #tpu.memory_space<hbm>>
      %dma_start3A_716 = arith.constant 0 : i32
      %dma_start3A_717 = tpu.memref_slice %arg3[%dma_start3A_716, %mul3A_2] : memref<50x4096xi32, #tpu.memory_space<hbm>> -> memref<50x128xi32, #tpu.memory_space<hbm>>
      tpu.enqueue_dma source(%dma_start3A_717 : memref<50x128xi32, #tpu.memory_space<hbm>>) target(%arg5 : memref<50x128xi32, #tpu.memory_space<vmem>>) target_semaphore(%run_scoped3A : memref<!tpu.dma_semaphore, #tpu.memory_space<semaphore_mem>>)
      %dma_wait3A_718 = arith.constant 0 : i32
      %dma_wait3A_719 = tpu.memref_slice %arg3[%dma_wait3A_718, %mul3A_2] : memref<50x4096xi32, #tpu.memory_space<hbm>> -> memref<50x128xi32, #tpu.memory_space<hbm>>
      %dma_wait3A_720 = arith.constant 0 : i32
      %dma_wait3A_721 = tpu.memref_slice %arg3[%dma_wait3A_720, %mul3A_2] : memref<50x4096xi32, #tpu.memory_space<hbm>> -> memref<50x128xi32, #tpu.memory_space<hbm>>
      tpu.wait_dma2 semaphore(%run_scoped3A : memref<!tpu.dma_semaphore, #tpu.memory_space<semaphore_mem>>) src(%dma_wait3A_721 : memref<50x128xi32, #tpu.memory_space<hbm>>) dst(%arg5 : memref<50x128xi32, #tpu.memory_space<vmem>>)
      tpu.yield
    }) : () -> ()
    %dma_start3A = arith.constant 0 : i32
    %dma_start3A_3 = arith.constant 0 : i32
    %dma_start3A_4 = arith.constant 0 : i32
    %dma_start3A_5 = arith.constant 0 : i32
    %dma_start3A_6 = tpu.memref_slice %arg6[%dma_start3A_3, %dma_start3A_4, %dma_start3A_5] : memref<4x128x16xf32, #tpu.memory_space<vmem>> -> memref<1x128x16xf32, #tpu.memory_space<vmem>>
    %dma_start3A_7 = tpu.memref_squeeze %dma_start3A_6 : memref<1x128x16xf32, #tpu.memory_space<vmem>> -> memref<128x16xf32, #tpu.memory_space<vmem>>
    %dma_start3A_8 = arith.constant 0 : i32
    %dma_start3A_9 = tpu.memref_slice %arg5[%dma_start3A, %dma_start3A_8] : memref<50x128xi32, #tpu.memory_space<vmem>> -> memref<1x128xi32, #tpu.memory_space<vmem>>
    %dma_start3A_10 = tpu.memref_squeeze %dma_start3A_9 : memref<1x128xi32, #tpu.memory_space<vmem>> -> memref<128xi32, #tpu.memory_space<vmem>>
    %dma_start3A_11 = arith.constant 0 : i32
    %dma_start3A_12 = arith.constant 0 : i32
    %dma_start3A_13 = tpu.memref_slice %arg2[%dma_start3A_11, %dma_start3A_12] : memref<1000000x16xf32, #tpu.memory_space<hbm>> -> memref<1000000x16xf32, #tpu.memory_space<hbm>>
    tpu.enqueue_indirect_dma source(%dma_start3A_13 : memref<1000000x16xf32, #tpu.memory_space<hbm>>) target(%dma_start3A_7 : memref<128x16xf32, #tpu.memory_space<vmem>>) offsets(%dma_start3A_10 : memref<128xi32, #tpu.memory_space<vmem>>) semaphore(%arg8 : memref<!tpu.dma_semaphore, #tpu.memory_space<semaphore_mem>>)
    %dma_start3A_14 = arith.constant 1 : i32
    %dma_start3A_15 = arith.constant 1 : i32
    %dma_start3A_16 = arith.constant 0 : i32
    %dma_start3A_17 = arith.constant 0 : i32
    %dma_start3A_18 = tpu.memref_slice %arg6[%dma_start3A_15, %dma_start3A_16, %dma_start3A_17] : memref<4x128x16xf32, #tpu.memory_space<vmem>> -> memref<1x128x16xf32, #tpu.memory_space<vmem>>
    %dma_start3A_19 = tpu.memref_squeeze %dma_start3A_18 : memref<1x128x16xf32, #tpu.memory_space<vmem>> -> memref<128x16xf32, #tpu.memory_space<vmem>>
    %dma_start3A_20 = arith.constant 0 : i32
    %dma_start3A_21 = tpu.memref_slice %arg5[%dma_start3A_14, %dma_start3A_20] : memref<50x128xi32, #tpu.memory_space<vmem>> -> memref<1x128xi32, #tpu.memory_space<vmem>>
    %dma_start3A_22 = tpu.memref_squeeze %dma_start3A_21 : memref<1x128xi32, #tpu.memory_space<vmem>> -> memref<128xi32, #tpu.memory_space<vmem>>
    %dma_start3A_23 = arith.constant 0 : i32
    %dma_start3A_24 = arith.constant 0 : i32
    %dma_start3A_25 = tpu.memref_slice %arg2[%dma_start3A_23, %dma_start3A_24] : memref<1000000x16xf32, #tpu.memory_space<hbm>> -> memref<1000000x16xf32, #tpu.memory_space<hbm>>
    tpu.enqueue_indirect_dma source(%dma_start3A_25 : memref<1000000x16xf32, #tpu.memory_space<hbm>>) target(%dma_start3A_19 : memref<128x16xf32, #tpu.memory_space<vmem>>) offsets(%dma_start3A_22 : memref<128xi32, #tpu.memory_space<vmem>>) semaphore(%arg8 : memref<!tpu.dma_semaphore, #tpu.memory_space<semaphore_mem>>)
    %dma_start3A_26 = arith.constant 2 : i32
    %dma_start3A_27 = arith.constant 2 : i32
    %dma_start3A_28 = arith.constant 0 : i32
    %dma_start3A_29 = arith.constant 0 : i32
    %dma_start3A_30 = tpu.memref_slice %arg6[%dma_start3A_27, %dma_start3A_28, %dma_start3A_29] : memref<4x128x16xf32, #tpu.memory_space<vmem>> -> memref<1x128x16xf32, #tpu.memory_space<vmem>>
    %dma_start3A_31 = tpu.memref_squeeze %dma_start3A_30 : memref<1x128x16xf32, #tpu.memory_space<vmem>> -> memref<128x16xf32, #tpu.memory_space<vmem>>
    %dma_start3A_32 = arith.constant 0 : i32
    %dma_start3A_33 = tpu.memref_slice %arg5[%dma_start3A_26, %dma_start3A_32] : memref<50x128xi32, #tpu.memory_space<vmem>> -> memref<1x128xi32, #tpu.memory_space<vmem>>
    %dma_start3A_34 = tpu.memref_squeeze %dma_start3A_33 : memref<1x128xi32, #tpu.memory_space<vmem>> -> memref<128xi32, #tpu.memory_space<vmem>>
    %dma_start3A_35 = arith.constant 0 : i32
    %dma_start3A_36 = arith.constant 0 : i32
    %dma_start3A_37 = tpu.memref_slice %arg2[%dma_start3A_35, %dma_start3A_36] : memref<1000000x16xf32, #tpu.memory_space<hbm>> -> memref<1000000x16xf32, #tpu.memory_space<hbm>>
    tpu.enqueue_indirect_dma source(%dma_start3A_37 : memref<1000000x16xf32, #tpu.memory_space<hbm>>) target(%dma_start3A_31 : memref<128x16xf32, #tpu.memory_space<vmem>>) offsets(%dma_start3A_34 : memref<128xi32, #tpu.memory_space<vmem>>) semaphore(%arg8 : memref<!tpu.dma_semaphore, #tpu.memory_space<semaphore_mem>>)
    %iota3A = tpu.iota {dimensions = array<i32: 0>} : vector<16xi32>
    %scan3A = arith.constant 0 : i32
    %scan3A_38 = arith.constant 0 : i32
    %scan3A_39 = arith.constant 50 : i32
    %scan3A_40 = arith.addi %scan3A_38, %scan3A_39 : i32
    %scan3A_41 = arith.constant 1 : i32
    scf.for %scan3A_714 = %scan3A_38 to %scan3A_40 step %scan3A_41  : i32 {
      %rem3A = arith.constant 4 : i32
      %rem3A_715 = arith.remsi %scan3A_714, %rem3A : i32
      %add3A_716 = arith.constant 4 : i32
      %add3A_717 = arith.addi %scan3A_714, %add3A_716 : i32
      %sub3A = arith.constant 1 : i32
      %sub3A_718 = arith.subi %add3A_717, %sub3A : i32
      %lt3A = arith.constant 50 : i32
      %lt3A_719 = arith.cmpi slt, %sub3A_718, %lt3A : i32
      %convert_element_type3A = arith.extui %lt3A_719 : i1 to i32
      %cond3A = arith.constant 0 : i32
      %cond3A_720 = arith.cmpi ne, %convert_element_type3A, %cond3A : i32
      scf.if %cond3A_720 {
        %add3A_889 = arith.constant 4 : i32
        %add3A_890 = arith.addi %scan3A_714, %add3A_889 : i32
        %sub3A_891 = arith.constant 1 : i32
        %sub3A_892 = arith.subi %add3A_890, %sub3A_891 : i32
        %add3A_893 = arith.constant 4 : i32
        %add3A_894 = arith.addi %scan3A_714, %add3A_893 : i32
        %sub3A_895 = arith.constant 1 : i32
        %sub3A_896 = arith.subi %add3A_894, %sub3A_895 : i32
        %rem3A_897 = arith.constant 4 : i32
        %rem3A_898 = arith.remsi %sub3A_896, %rem3A_897 : i32
        %dma_start3A_899 = arith.constant 0 : i32
        %dma_start3A_900 = arith.constant 0 : i32
        %dma_start3A_901 = tpu.memref_slice %arg6[%rem3A_898, %dma_start3A_899, %dma_start3A_900] : memref<4x128x16xf32, #tpu.memory_space<vmem>> -> memref<1x128x16xf32, #tpu.memory_space<vmem>>
        %dma_start3A_902 = tpu.memref_squeeze %dma_start3A_901 : memref<1x128x16xf32, #tpu.memory_space<vmem>> -> memref<128x16xf32, #tpu.memory_space<vmem>>
        %dma_start3A_903 = arith.constant 0 : i32
        %dma_start3A_904 = tpu.memref_slice %arg5[%sub3A_892, %dma_start3A_903] : memref<50x128xi32, #tpu.memory_space<vmem>> -> memref<1x128xi32, #tpu.memory_space<vmem>>
        %dma_start3A_905 = tpu.memref_squeeze %dma_start3A_904 : memref<1x128xi32, #tpu.memory_space<vmem>> -> memref<128xi32, #tpu.memory_space<vmem>>
        %dma_start3A_906 = arith.constant 0 : i32
        %dma_start3A_907 = arith.constant 0 : i32
        %dma_start3A_908 = tpu.memref_slice %arg2[%dma_start3A_906, %dma_start3A_907] : memref<1000000x16xf32, #tpu.memory_space<hbm>> -> memref<1000000x16xf32, #tpu.memory_space<hbm>>
        tpu.enqueue_indirect_dma source(%dma_start3A_908 : memref<1000000x16xf32, #tpu.memory_space<hbm>>) target(%dma_start3A_902 : memref<128x16xf32, #tpu.memory_space<vmem>>) offsets(%dma_start3A_905 : memref<128xi32, #tpu.memory_space<vmem>>) semaphore(%arg8 : memref<!tpu.dma_semaphore, #tpu.memory_space<semaphore_mem>>)
      } else {
      }
      %dma_wait3A_721 = arith.constant 0 : i32
      %dma_wait3A_722 = arith.constant 0 : i32
      %dma_wait3A_723 = tpu.memref_slice %arg6[%rem3A_715, %dma_wait3A_721, %dma_wait3A_722] : memref<4x128x16xf32, #tpu.memory_space<vmem>> -> memref<1x128x16xf32, #tpu.memory_space<vmem>>
      %dma_wait3A_724 = tpu.memref_squeeze %dma_wait3A_723 : memref<1x128x16xf32, #tpu.memory_space<vmem>> -> memref<128x16xf32, #tpu.memory_space<vmem>>
      %dma_wait3A_725 = arith.constant 0 : i32
      %dma_wait3A_726 = tpu.memref_slice %arg5[%scan3A_714, %dma_wait3A_725] : memref<50x128xi32, #tpu.memory_space<vmem>> -> memref<1x128xi32, #tpu.memory_space<vmem>>
      %dma_wait3A_727 = tpu.memref_squeeze %dma_wait3A_726 : memref<1x128xi32, #tpu.memory_space<vmem>> -> memref<128xi32, #tpu.memory_space<vmem>>
      %dma_wait3A_728 = arith.constant 0 : i32
      %dma_wait3A_729 = arith.constant 0 : i32
      %dma_wait3A_730 = tpu.memref_slice %arg2[%dma_wait3A_728, %dma_wait3A_729] : memref<1000000x16xf32, #tpu.memory_space<hbm>> -> memref<1000000x16xf32, #tpu.memory_space<hbm>>
      tpu.wait_indirect_dma semaphore(%arg8 : memref<!tpu.dma_semaphore, #tpu.memory_space<semaphore_mem>>) src(%dma_wait3A_730 : memref<1000000x16xf32, #tpu.memory_space<hbm>>) dst(%dma_wait3A_724 : memref<128x16xf32, #tpu.memory_space<vmem>>)
      %ge3A = arith.constant 4 : i32
      %ge3A_731 = arith.cmpi sge, %scan3A_714, %ge3A : i32
      %convert_element_type3A_732 = arith.extui %ge3A_731 : i1 to i32
      %cond3A_733 = arith.constant 0 : i32
      %cond3A_734 = arith.cmpi ne, %convert_element_type3A_732, %cond3A_733 : i32
      scf.if %cond3A_734 {
        %sub3A_889 = arith.constant 4 : i32
        %sub3A_890 = arith.subi %scan3A_714, %sub3A_889 : i32
        %dma_wait3A_891 = arith.constant 0 : i32
        %dma_wait3A_892 = arith.constant 0 : i32
        %dma_wait3A_893 = arith.constant 0 : i32
        %dma_wait3A_894 = arith.constant 0 : i32
        %dma_wait3A_895 = arith.constant 0 : i32
        %dma_wait3A_896 = tpu.memref_slice %arg7[%rem3A_715, %dma_wait3A_891, %dma_wait3A_894, %dma_wait3A_895] : memref<4x4x16x128xf32, #tpu.memory_space<vmem>> -> memref<1x1x8x128xf32, #tpu.memory_space<vmem>>
        %dma_wait3A_897 = tpu.memref_squeeze %dma_wait3A_896 : memref<1x1x8x128xf32, #tpu.memory_space<vmem>> -> memref<8x128xf32, #tpu.memory_space<vmem>>
        %dma_wait3A_898 = arith.constant 0 : i32
        %dma_wait3A_899 = arith.constant 0 : i32
        %dma_wait3A_900 = tpu.memref_slice %arg4[%dma_wait3A_892, %sub3A_890, %dma_wait3A_893, %add3A, %dma_wait3A_898, %dma_wait3A_899] : memref<4x50x2x32x8x128xf32, #tpu.memory_space<hbm>> -> memref<1x1x1x1x8x128xf32, #tpu.memory_space<hbm>>
        %dma_wait3A_901 = tpu.memref_squeeze %dma_wait3A_900 : memref<1x1x1x1x8x128xf32, #tpu.memory_space<hbm>> -> memref<8x128xf32, #tpu.memory_space<hbm>>
        %dma_wait3A_902 = arith.constant 0 : i32
        %dma_wait3A_903 = arith.constant 0 : i32
        %dma_wait3A_904 = tpu.memref_slice %arg4[%dma_wait3A_892, %sub3A_890, %dma_wait3A_893, %add3A, %dma_wait3A_902, %dma_wait3A_903] : memref<4x50x2x32x8x128xf32, #tpu.memory_space<hbm>> -> memref<1x1x1x1x8x128xf32, #tpu.memory_space<hbm>>
        %dma_wait3A_905 = tpu.memref_squeeze %dma_wait3A_904 : memref<1x1x1x1x8x128xf32, #tpu.memory_space<hbm>> -> memref<8x128xf32, #tpu.memory_space<hbm>>
        %dma_wait3A_906 = arith.constant 0 : i32
        %dma_wait3A_907 = arith.constant 0 : i32
        %dma_wait3A_908 = tpu.memref_slice %arg7[%rem3A_715, %dma_wait3A_891, %dma_wait3A_906, %dma_wait3A_907] : memref<4x4x16x128xf32, #tpu.memory_space<vmem>> -> memref<1x1x8x128xf32, #tpu.memory_space<vmem>>
        %dma_wait3A_909 = tpu.memref_squeeze %dma_wait3A_908 : memref<1x1x8x128xf32, #tpu.memory_space<vmem>> -> memref<8x128xf32, #tpu.memory_space<vmem>>
        tpu.wait_dma2 semaphore(%arg9 : memref<!tpu.dma_semaphore, #tpu.memory_space<semaphore_mem>>) src(%dma_wait3A_909 : memref<8x128xf32, #tpu.memory_space<vmem>>) dst(%dma_wait3A_905 : memref<8x128xf32, #tpu.memory_space<hbm>>)
        %sub3A_910 = arith.constant 4 : i32
        %sub3A_911 = arith.subi %scan3A_714, %sub3A_910 : i32
        %dma_wait3A_912 = arith.constant 0 : i32
        %dma_wait3A_913 = arith.constant 0 : i32
        %dma_wait3A_914 = arith.constant 1 : i32
        %dma_wait3A_915 = arith.constant 8 : i32
        %dma_wait3A_916 = arith.constant 0 : i32
        %dma_wait3A_917 = tpu.memref_slice %arg7[%rem3A_715, %dma_wait3A_912, %dma_wait3A_915, %dma_wait3A_916] : memref<4x4x16x128xf32, #tpu.memory_space<vmem>> -> memref<1x1x8x128xf32, #tpu.memory_space<vmem>>
        %dma_wait3A_918 = tpu.memref_squeeze %dma_wait3A_917 : memref<1x1x8x128xf32, #tpu.memory_space<vmem>> -> memref<8x128xf32, #tpu.memory_space<vmem>>
        %dma_wait3A_919 = arith.constant 0 : i32
        %dma_wait3A_920 = arith.constant 0 : i32
        %dma_wait3A_921 = tpu.memref_slice %arg4[%dma_wait3A_913, %sub3A_911, %dma_wait3A_914, %add3A, %dma_wait3A_919, %dma_wait3A_920] : memref<4x50x2x32x8x128xf32, #tpu.memory_space<hbm>> -> memref<1x1x1x1x8x128xf32, #tpu.memory_space<hbm>>
        %dma_wait3A_922 = tpu.memref_squeeze %dma_wait3A_921 : memref<1x1x1x1x8x128xf32, #tpu.memory_space<hbm>> -> memref<8x128xf32, #tpu.memory_space<hbm>>
        %dma_wait3A_923 = arith.constant 0 : i32
        %dma_wait3A_924 = arith.constant 0 : i32
        %dma_wait3A_925 = tpu.memref_slice %arg4[%dma_wait3A_913, %sub3A_911, %dma_wait3A_914, %add3A, %dma_wait3A_923, %dma_wait3A_924] : memref<4x50x2x32x8x128xf32, #tpu.memory_space<hbm>> -> memref<1x1x1x1x8x128xf32, #tpu.memory_space<hbm>>
        %dma_wait3A_926 = tpu.memref_squeeze %dma_wait3A_925 : memref<1x1x1x1x8x128xf32, #tpu.memory_space<hbm>> -> memref<8x128xf32, #tpu.memory_space<hbm>>
        %dma_wait3A_927 = arith.constant 8 : i32
        %dma_wait3A_928 = arith.constant 0 : i32
        %dma_wait3A_929 = tpu.memref_slice %arg7[%rem3A_715, %dma_wait3A_912, %dma_wait3A_927, %dma_wait3A_928] : memref<4x4x16x128xf32, #tpu.memory_space<vmem>> -> memref<1x1x8x128xf32, #tpu.memory_space<vmem>>
        %dma_wait3A_930 = tpu.memref_squeeze %dma_wait3A_929 : memref<1x1x8x128xf32, #tpu.memory_space<vmem>> -> memref<8x128xf32, #tpu.memory_space<vmem>>
        tpu.wait_dma2 semaphore(%arg9 : memref<!tpu.dma_semaphore, #tpu.memory_space<semaphore_mem>>) src(%dma_wait3A_930 : memref<8x128xf32, #tpu.memory_space<vmem>>) dst(%dma_wait3A_926 : memref<8x128xf32, #tpu.memory_space<hbm>>)
        %sub3A_931 = arith.constant 4 : i32
        %sub3A_932 = arith.subi %scan3A_714, %sub3A_931 : i32
        %dma_wait3A_933 = arith.constant 1 : i32
        %dma_wait3A_934 = arith.constant 1 : i32
        %dma_wait3A_935 = arith.constant 0 : i32
        %dma_wait3A_936 = arith.constant 0 : i32
        %dma_wait3A_937 = arith.constant 0 : i32
        %dma_wait3A_938 = tpu.memref_slice %arg7[%rem3A_715, %dma_wait3A_933, %dma_wait3A_936, %dma_wait3A_937] : memref<4x4x16x128xf32, #tpu.memory_space<vmem>> -> memref<1x1x8x128xf32, #tpu.memory_space<vmem>>
        %dma_wait3A_939 = tpu.memref_squeeze %dma_wait3A_938 : memref<1x1x8x128xf32, #tpu.memory_space<vmem>> -> memref<8x128xf32, #tpu.memory_space<vmem>>
        %dma_wait3A_940 = arith.constant 0 : i32
        %dma_wait3A_941 = arith.constant 0 : i32
        %dma_wait3A_942 = tpu.memref_slice %arg4[%dma_wait3A_934, %sub3A_932, %dma_wait3A_935, %add3A, %dma_wait3A_940, %dma_wait3A_941] : memref<4x50x2x32x8x128xf32, #tpu.memory_space<hbm>> -> memref<1x1x1x1x8x128xf32, #tpu.memory_space<hbm>>
        %dma_wait3A_943 = tpu.memref_squeeze %dma_wait3A_942 : memref<1x1x1x1x8x128xf32, #tpu.memory_space<hbm>> -> memref<8x128xf32, #tpu.memory_space<hbm>>
        %dma_wait3A_944 = arith.constant 0 : i32
        %dma_wait3A_945 = arith.constant 0 : i32
        %dma_wait3A_946 = tpu.memref_slice %arg4[%dma_wait3A_934, %sub3A_932, %dma_wait3A_935, %add3A, %dma_wait3A_944, %dma_wait3A_945] : memref<4x50x2x32x8x128xf32, #tpu.memory_space<hbm>> -> memref<1x1x1x1x8x128xf32, #tpu.memory_space<hbm>>
        %dma_wait3A_947 = tpu.memref_squeeze %dma_wait3A_946 : memref<1x1x1x1x8x128xf32, #tpu.memory_space<hbm>> -> memref<8x128xf32, #tpu.memory_space<hbm>>
        %dma_wait3A_948 = arith.constant 0 : i32
        %dma_wait3A_949 = arith.constant 0 : i32
        %dma_wait3A_950 = tpu.memref_slice %arg7[%rem3A_715, %dma_wait3A_933, %dma_wait3A_948, %dma_wait3A_949] : memref<4x4x16x128xf32, #tpu.memory_space<vmem>> -> memref<1x1x8x128xf32, #tpu.memory_space<vmem>>
        %dma_wait3A_951 = tpu.memref_squeeze %dma_wait3A_950 : memref<1x1x8x128xf32, #tpu.memory_space<vmem>> -> memref<8x128xf32, #tpu.memory_space<vmem>>
        tpu.wait_dma2 semaphore(%arg9 : memref<!tpu.dma_semaphore, #tpu.memory_space<semaphore_mem>>) src(%dma_wait3A_951 : memref<8x128xf32, #tpu.memory_space<vmem>>) dst(%dma_wait3A_947 : memref<8x128xf32, #tpu.memory_space<hbm>>)
        %sub3A_952 = arith.constant 4 : i32
        %sub3A_953 = arith.subi %scan3A_714, %sub3A_952 : i32
        %dma_wait3A_954 = arith.constant 1 : i32
        %dma_wait3A_955 = arith.constant 1 : i32
        %dma_wait3A_956 = arith.constant 1 : i32
        %dma_wait3A_957 = arith.constant 8 : i32
        %dma_wait3A_958 = arith.constant 0 : i32
        %dma_wait3A_959 = tpu.memref_slice %arg7[%rem3A_715, %dma_wait3A_954, %dma_wait3A_957, %dma_wait3A_958] : memref<4x4x16x128xf32, #tpu.memory_space<vmem>> -> memref<1x1x8x128xf32, #tpu.memory_space<vmem>>
        %dma_wait3A_960 = tpu.memref_squeeze %dma_wait3A_959 : memref<1x1x8x128xf32, #tpu.memory_space<vmem>> -> memref<8x128xf32, #tpu.memory_space<vmem>>
        %dma_wait3A_961 = arith.constant 0 : i32
        %dma_wait3A_962 = arith.constant 0 : i32
        %dma_wait3A_963 = tpu.memref_slice %arg4[%dma_wait3A_955, %sub3A_953, %dma_wait3A_956, %add3A, %dma_wait3A_961, %dma_wait3A_962] : memref<4x50x2x32x8x128xf32, #tpu.memory_space<hbm>> -> memref<1x1x1x1x8x128xf32, #tpu.memory_space<hbm>>
        %dma_wait3A_964 = tpu.memref_squeeze %dma_wait3A_963 : memref<1x1x1x1x8x128xf32, #tpu.memory_space<hbm>> -> memref<8x128xf32, #tpu.memory_space<hbm>>
        %dma_wait3A_965 = arith.constant 0 : i32
        %dma_wait3A_966 = arith.constant 0 : i32
        %dma_wait3A_967 = tpu.memref_slice %arg4[%dma_wait3A_955, %sub3A_953, %dma_wait3A_956, %add3A, %dma_wait3A_965, %dma_wait3A_966] : memref<4x50x2x32x8x128xf32, #tpu.memory_space<hbm>> -> memref<1x1x1x1x8x128xf32, #tpu.memory_space<hbm>>
        %dma_wait3A_968 = tpu.memref_squeeze %dma_wait3A_967 : memref<1x1x1x1x8x128xf32, #tpu.memory_space<hbm>> -> memref<8x128xf32, #tpu.memory_space<hbm>>
        %dma_wait3A_969 = arith.constant 8 : i32
        %dma_wait3A_970 = arith.constant 0 : i32
        %dma_wait3A_971 = tpu.memref_slice %arg7[%rem3A_715, %dma_wait3A_954, %dma_wait3A_969, %dma_wait3A_970] : memref<4x4x16x128xf32, #tpu.memory_space<vmem>> -> memref<1x1x8x128xf32, #tpu.memory_space<vmem>>
        %dma_wait3A_972 = tpu.memref_squeeze %dma_wait3A_971 : memref<1x1x8x128xf32, #tpu.memory_space<vmem>> -> memref<8x128xf32, #tpu.memory_space<vmem>>
        tpu.wait_dma2 semaphore(%arg9 : memref<!tpu.dma_semaphore, #tpu.memory_space<semaphore_mem>>) src(%dma_wait3A_972 : memref<8x128xf32, #tpu.memory_space<vmem>>) dst(%dma_wait3A_968 : memref<8x128xf32, #tpu.memory_space<hbm>>)
        %sub3A_973 = arith.constant 4 : i32
        %sub3A_974 = arith.subi %scan3A_714, %sub3A_973 : i32
        %dma_wait3A_975 = arith.constant 2 : i32
        %dma_wait3A_976 = arith.constant 2 : i32
        %dma_wait3A_977 = arith.constant 0 : i32
        %dma_wait3A_978 = arith.constant 0 : i32
        %dma_wait3A_979 = arith.constant 0 : i32
        %dma_wait3A_980 = tpu.memref_slice %arg7[%rem3A_715, %dma_wait3A_975, %dma_wait3A_978, %dma_wait3A_979] : memref<4x4x16x128xf32, #tpu.memory_space<vmem>> -> memref<1x1x8x128xf32, #tpu.memory_space<vmem>>
        %dma_wait3A_981 = tpu.memref_squeeze %dma_wait3A_980 : memref<1x1x8x128xf32, #tpu.memory_space<vmem>> -> memref<8x128xf32, #tpu.memory_space<vmem>>
        %dma_wait3A_982 = arith.constant 0 : i32
        %dma_wait3A_983 = arith.constant 0 : i32
        %dma_wait3A_984 = tpu.memref_slice %arg4[%dma_wait3A_976, %sub3A_974, %dma_wait3A_977, %add3A, %dma_wait3A_982, %dma_wait3A_983] : memref<4x50x2x32x8x128xf32, #tpu.memory_space<hbm>> -> memref<1x1x1x1x8x128xf32, #tpu.memory_space<hbm>>
        %dma_wait3A_985 = tpu.memref_squeeze %dma_wait3A_984 : memref<1x1x1x1x8x128xf32, #tpu.memory_space<hbm>> -> memref<8x128xf32, #tpu.memory_space<hbm>>
        %dma_wait3A_986 = arith.constant 0 : i32
        %dma_wait3A_987 = arith.constant 0 : i32
        %dma_wait3A_988 = tpu.memref_slice %arg4[%dma_wait3A_976, %sub3A_974, %dma_wait3A_977, %add3A, %dma_wait3A_986, %dma_wait3A_987] : memref<4x50x2x32x8x128xf32, #tpu.memory_space<hbm>> -> memref<1x1x1x1x8x128xf32, #tpu.memory_space<hbm>>
        %dma_wait3A_989 = tpu.memref_squeeze %dma_wait3A_988 : memref<1x1x1x1x8x128xf32, #tpu.memory_space<hbm>> -> memref<8x128xf32, #tpu.memory_space<hbm>>
        %dma_wait3A_990 = arith.constant 0 : i32
        %dma_wait3A_991 = arith.constant 0 : i32
        %dma_wait3A_992 = tpu.memref_slice %arg7[%rem3A_715, %dma_wait3A_975, %dma_wait3A_990, %dma_wait3A_991] : memref<4x4x16x128xf32, #tpu.memory_space<vmem>> -> memref<1x1x8x128xf32, #tpu.memory_space<vmem>>
        %dma_wait3A_993 = tpu.memref_squeeze %dma_wait3A_992 : memref<1x1x8x128xf32, #tpu.memory_space<vmem>> -> memref<8x128xf32, #tpu.memory_space<vmem>>
        tpu.wait_dma2 semaphore(%arg9 : memref<!tpu.dma_semaphore, #tpu.memory_space<semaphore_mem>>) src(%dma_wait3A_993 : memref<8x128xf32, #tpu.memory_space<vmem>>) dst(%dma_wait3A_989 : memref<8x128xf32, #tpu.memory_space<hbm>>)
        %sub3A_994 = arith.constant 4 : i32
        %sub3A_995 = arith.subi %scan3A_714, %sub3A_994 : i32
        %dma_wait3A_996 = arith.constant 2 : i32
        %dma_wait3A_997 = arith.constant 2 : i32
        %dma_wait3A_998 = arith.constant 1 : i32
        %dma_wait3A_999 = arith.constant 8 : i32
        %dma_wait3A_1000 = arith.constant 0 : i32
        %dma_wait3A_1001 = tpu.memref_slice %arg7[%rem3A_715, %dma_wait3A_996, %dma_wait3A_999, %dma_wait3A_1000] : memref<4x4x16x128xf32, #tpu.memory_space<vmem>> -> memref<1x1x8x128xf32, #tpu.memory_space<vmem>>
        %dma_wait3A_1002 = tpu.memref_squeeze %dma_wait3A_1001 : memref<1x1x8x128xf32, #tpu.memory_space<vmem>> -> memref<8x128xf32, #tpu.memory_space<vmem>>
        %dma_wait3A_1003 = arith.constant 0 : i32
        %dma_wait3A_1004 = arith.constant 0 : i32
        %dma_wait3A_1005 = tpu.memref_slice %arg4[%dma_wait3A_997, %sub3A_995, %dma_wait3A_998, %add3A, %dma_wait3A_1003, %dma_wait3A_1004] : memref<4x50x2x32x8x128xf32, #tpu.memory_space<hbm>> -> memref<1x1x1x1x8x128xf32, #tpu.memory_space<hbm>>
        %dma_wait3A_1006 = tpu.memref_squeeze %dma_wait3A_1005 : memref<1x1x1x1x8x128xf32, #tpu.memory_space<hbm>> -> memref<8x128xf32, #tpu.memory_space<hbm>>
        %dma_wait3A_1007 = arith.constant 0 : i32
        %dma_wait3A_1008 = arith.constant 0 : i32
        %dma_wait3A_1009 = tpu.memref_slice %arg4[%dma_wait3A_997, %sub3A_995, %dma_wait3A_998, %add3A, %dma_wait3A_1007, %dma_wait3A_1008] : memref<4x50x2x32x8x128xf32, #tpu.memory_space<hbm>> -> memref<1x1x1x1x8x128xf32, #tpu.memory_space<hbm>>
        %dma_wait3A_1010 = tpu.memref_squeeze %dma_wait3A_1009 : memref<1x1x1x1x8x128xf32, #tpu.memory_space<hbm>> -> memref<8x128xf32, #tpu.memory_space<hbm>>
        %dma_wait3A_1011 = arith.constant 8 : i32
        %dma_wait3A_1012 = arith.constant 0 : i32
        %dma_wait3A_1013 = tpu.memref_slice %arg7[%rem3A_715, %dma_wait3A_996, %dma_wait3A_1011, %dma_wait3A_1012] : memref<4x4x16x128xf32, #tpu.memory_space<vmem>> -> memref<1x1x8x128xf32, #tpu.memory_space<vmem>>
        %dma_wait3A_1014 = tpu.memref_squeeze %dma_wait3A_1013 : memref<1x1x8x128xf32, #tpu.memory_space<vmem>> -> memref<8x128xf32, #tpu.memory_space<vmem>>
        tpu.wait_dma2 semaphore(%arg9 : memref<!tpu.dma_semaphore, #tpu.memory_space<semaphore_mem>>) src(%dma_wait3A_1014 : memref<8x128xf32, #tpu.memory_space<vmem>>) dst(%dma_wait3A_1010 : memref<8x128xf32, #tpu.memory_space<hbm>>)
        %sub3A_1015 = arith.constant 4 : i32
        %sub3A_1016 = arith.subi %scan3A_714, %sub3A_1015 : i32
        %dma_wait3A_1017 = arith.constant 3 : i32
        %dma_wait3A_1018 = arith.constant 3 : i32
        %dma_wait3A_1019 = arith.constant 0 : i32
        %dma_wait3A_1020 = arith.constant 0 : i32
        %dma_wait3A_1021 = arith.constant 0 : i32
        %dma_wait3A_1022 = tpu.memref_slice %arg7[%rem3A_715, %dma_wait3A_1017, %dma_wait3A_1020, %dma_wait3A_1021] : memref<4x4x16x128xf32, #tpu.memory_space<vmem>> -> memref<1x1x8x128xf32, #tpu.memory_space<vmem>>
        %dma_wait3A_1023 = tpu.memref_squeeze %dma_wait3A_1022 : memref<1x1x8x128xf32, #tpu.memory_space<vmem>> -> memref<8x128xf32, #tpu.memory_space<vmem>>
        %dma_wait3A_1024 = arith.constant 0 : i32
        %dma_wait3A_1025 = arith.constant 0 : i32
        %dma_wait3A_1026 = tpu.memref_slice %arg4[%dma_wait3A_1018, %sub3A_1016, %dma_wait3A_1019, %add3A, %dma_wait3A_1024, %dma_wait3A_1025] : memref<4x50x2x32x8x128xf32, #tpu.memory_space<hbm>> -> memref<1x1x1x1x8x128xf32, #tpu.memory_space<hbm>>
        %dma_wait3A_1027 = tpu.memref_squeeze %dma_wait3A_1026 : memref<1x1x1x1x8x128xf32, #tpu.memory_space<hbm>> -> memref<8x128xf32, #tpu.memory_space<hbm>>
        %dma_wait3A_1028 = arith.constant 0 : i32
        %dma_wait3A_1029 = arith.constant 0 : i32
        %dma_wait3A_1030 = tpu.memref_slice %arg4[%dma_wait3A_1018, %sub3A_1016, %dma_wait3A_1019, %add3A, %dma_wait3A_1028, %dma_wait3A_1029] : memref<4x50x2x32x8x128xf32, #tpu.memory_space<hbm>> -> memref<1x1x1x1x8x128xf32, #tpu.memory_space<hbm>>
        %dma_wait3A_1031 = tpu.memref_squeeze %dma_wait3A_1030 : memref<1x1x1x1x8x128xf32, #tpu.memory_space<hbm>> -> memref<8x128xf32, #tpu.memory_space<hbm>>
        %dma_wait3A_1032 = arith.constant 0 : i32
        %dma_wait3A_1033 = arith.constant 0 : i32
        %dma_wait3A_1034 = tpu.memref_slice %arg7[%rem3A_715, %dma_wait3A_1017, %dma_wait3A_1032, %dma_wait3A_1033] : memref<4x4x16x128xf32, #tpu.memory_space<vmem>> -> memref<1x1x8x128xf32, #tpu.memory_space<vmem>>
        %dma_wait3A_1035 = tpu.memref_squeeze %dma_wait3A_1034 : memref<1x1x8x128xf32, #tpu.memory_space<vmem>> -> memref<8x128xf32, #tpu.memory_space<vmem>>
        tpu.wait_dma2 semaphore(%arg9 : memref<!tpu.dma_semaphore, #tpu.memory_space<semaphore_mem>>) src(%dma_wait3A_1035 : memref<8x128xf32, #tpu.memory_space<vmem>>) dst(%dma_wait3A_1031 : memref<8x128xf32, #tpu.memory_space<hbm>>)
        %sub3A_1036 = arith.constant 4 : i32
        %sub3A_1037 = arith.subi %scan3A_714, %sub3A_1036 : i32
        %dma_wait3A_1038 = arith.constant 3 : i32
        %dma_wait3A_1039 = arith.constant 3 : i32
        %dma_wait3A_1040 = arith.constant 1 : i32
        %dma_wait3A_1041 = arith.constant 8 : i32
        %dma_wait3A_1042 = arith.constant 0 : i32
        %dma_wait3A_1043 = tpu.memref_slice %arg7[%rem3A_715, %dma_wait3A_1038, %dma_wait3A_1041, %dma_wait3A_1042] : memref<4x4x16x128xf32, #tpu.memory_space<vmem>> -> memref<1x1x8x128xf32, #tpu.memory_space<vmem>>
        %dma_wait3A_1044 = tpu.memref_squeeze %dma_wait3A_1043 : memref<1x1x8x128xf32, #tpu.memory_space<vmem>> -> memref<8x128xf32, #tpu.memory_space<vmem>>
        %dma_wait3A_1045 = arith.constant 0 : i32
        %dma_wait3A_1046 = arith.constant 0 : i32
        %dma_wait3A_1047 = tpu.memref_slice %arg4[%dma_wait3A_1039, %sub3A_1037, %dma_wait3A_1040, %add3A, %dma_wait3A_1045, %dma_wait3A_1046] : memref<4x50x2x32x8x128xf32, #tpu.memory_space<hbm>> -> memref<1x1x1x1x8x128xf32, #tpu.memory_space<hbm>>
        %dma_wait3A_1048 = tpu.memref_squeeze %dma_wait3A_1047 : memref<1x1x1x1x8x128xf32, #tpu.memory_space<hbm>> -> memref<8x128xf32, #tpu.memory_space<hbm>>
        %dma_wait3A_1049 = arith.constant 0 : i32
        %dma_wait3A_1050 = arith.constant 0 : i32
        %dma_wait3A_1051 = tpu.memref_slice %arg4[%dma_wait3A_1039, %sub3A_1037, %dma_wait3A_1040, %add3A, %dma_wait3A_1049, %dma_wait3A_1050] : memref<4x50x2x32x8x128xf32, #tpu.memory_space<hbm>> -> memref<1x1x1x1x8x128xf32, #tpu.memory_space<hbm>>
        %dma_wait3A_1052 = tpu.memref_squeeze %dma_wait3A_1051 : memref<1x1x1x1x8x128xf32, #tpu.memory_space<hbm>> -> memref<8x128xf32, #tpu.memory_space<hbm>>
        %dma_wait3A_1053 = arith.constant 8 : i32
        %dma_wait3A_1054 = arith.constant 0 : i32
        %dma_wait3A_1055 = tpu.memref_slice %arg7[%rem3A_715, %dma_wait3A_1038, %dma_wait3A_1053, %dma_wait3A_1054] : memref<4x4x16x128xf32, #tpu.memory_space<vmem>> -> memref<1x1x8x128xf32, #tpu.memory_space<vmem>>
        %dma_wait3A_1056 = tpu.memref_squeeze %dma_wait3A_1055 : memref<1x1x8x128xf32, #tpu.memory_space<vmem>> -> memref<8x128xf32, #tpu.memory_space<vmem>>
        tpu.wait_dma2 semaphore(%arg9 : memref<!tpu.dma_semaphore, #tpu.memory_space<semaphore_mem>>) src(%dma_wait3A_1056 : memref<8x128xf32, #tpu.memory_space<vmem>>) dst(%dma_wait3A_1052 : memref<8x128xf32, #tpu.memory_space<hbm>>)
      } else {
      }
      %parallel_loop3A = arith.constant 0 : i32
      %parallel_loop3A_735 = arith.constant 128 : i32
      %parallel_loop3A_736 = arith.constant 1 : i32
      scf.for %parallel_loop3A_889 = %parallel_loop3A to %parallel_loop3A_735 step %parallel_loop3A_736  : i32 {
        %parallel_loop3A_890 = arith.constant 8 : i32
        %parallel_loop3A_891 = arith.divsi %parallel_loop3A_889, %parallel_loop3A_890 : i32
        %parallel_loop3A_892 = arith.constant 8 : i32
        %parallel_loop3A_893 = arith.remsi %parallel_loop3A_889, %parallel_loop3A_892 : i32
        %parallel_loop3A_894 = arith.constant 16 : i32
        %parallel_loop3A_895 = arith.muli %parallel_loop3A_893, %parallel_loop3A_894 : i32
        %parallel_loop3A_896 = vector.broadcast %parallel_loop3A_895 : i32 to vector<16xi32>
        %parallel_loop3A_897 = arith.addi %parallel_loop3A_896, %iota3A : vector<16xi32>
        %parallel_loop3A_898 = vector.broadcast %parallel_loop3A_891 : i32 to vector<16xi32>
        %parallel_loop3A_899 = arith.addi %parallel_loop3A_898, %iota3A : vector<16xi32>
        %parallel_loop3A_900 = arith.constant 16 : i32
        %parallel_loop3A_901 = vector.broadcast %parallel_loop3A_900 : i32 to vector<16xi32>
        %parallel_loop3A_902 = arith.remsi %parallel_loop3A_899, %parallel_loop3A_901 : vector<16xi32>
        %parallel_loop3A_903 = arith.constant 0 : i32
        %parallel_loop3A_904 = arith.constant 0 : i32
        %parallel_loop3A_905 = tpu.memref_slice %arg6[%rem3A_715, %parallel_loop3A_903, %parallel_loop3A_904] : memref<4x128x16xf32, #tpu.memory_space<vmem>> -> memref<1x128x16xf32, #tpu.memory_space<vmem>>
        %parallel_loop3A_906 = tpu.memref_squeeze %parallel_loop3A_905 : memref<1x128x16xf32, #tpu.memory_space<vmem>> -> memref<128x16xf32, #tpu.memory_space<vmem>>
        %parallel_loop3A_907 = tpu.vector_load_idx %parallel_loop3A_906[%parallel_loop3A_897, %parallel_loop3A_902] : memref<128x16xf32, #tpu.memory_space<vmem>>[vector<16xi32>, vector<16xi32>], vector<16xf32>,
        %parallel_loop3A_908 = arith.constant 1.000000e+00 : f32
        %parallel_loop3A_909 = vector.broadcast %parallel_loop3A_908 : f32 to vector<16xf32>
        %parallel_loop3A_910 = arith.cmpf oge, %parallel_loop3A_907, %parallel_loop3A_909 : vector<16xf32>
        %parallel_loop3A_911 = arith.constant 1.000000e+00 : f32
        %parallel_loop3A_912 = arith.constant 0.000000e+00 : f32
        %parallel_loop3A_913 = vector.broadcast %parallel_loop3A_911 : f32 to vector<16xf32>
        %parallel_loop3A_914 = vector.broadcast %parallel_loop3A_912 : f32 to vector<16xf32>
        %parallel_loop3A_915 = arith.select %parallel_loop3A_910, %parallel_loop3A_913, %parallel_loop3A_914 : vector<16xi1>, vector<16xf32>
        %parallel_loop3A_916 = arith.constant 0 : i32
        %parallel_loop3A_917 = arith.constant 0 : i32
        %parallel_loop3A_918 = arith.constant 0 : i32
        %parallel_loop3A_919 = tpu.memref_slice %arg7[%rem3A_715, %parallel_loop3A_916, %parallel_loop3A_917, %parallel_loop3A_918] : memref<4x4x16x128xf32, #tpu.memory_space<vmem>> -> memref<1x1x16x128xf32, #tpu.memory_space<vmem>>
        %parallel_loop3A_920 = tpu.memref_squeeze %parallel_loop3A_919 : memref<1x1x16x128xf32, #tpu.memory_space<vmem>> -> memref<16x128xf32, #tpu.memory_space<vmem>>
        tpu.vector_store_idx %parallel_loop3A_920[%parallel_loop3A_902, %parallel_loop3A_897], %parallel_loop3A_915 : memref<16x128xf32, #tpu.memory_space<vmem>>[vector<16xi32>, vector<16xi32>], vector<16xf32>,
        %parallel_loop3A_921 = arith.subf %parallel_loop3A_907, %parallel_loop3A_915 : vector<16xf32>
        %parallel_loop3A_922 = arith.constant 5.000000e-01 : f32
        %parallel_loop3A_923 = vector.broadcast %parallel_loop3A_922 : f32 to vector<16xf32>
        %parallel_loop3A_924 = arith.mulf %parallel_loop3A_921, %parallel_loop3A_923 : vector<16xf32>
        %parallel_loop3A_925 = arith.addf %parallel_loop3A_924, %parallel_loop3A_907 : vector<16xf32>
        %parallel_loop3A_926 = arith.constant 1.000000e+00 : f32
        %parallel_loop3A_927 = vector.broadcast %parallel_loop3A_926 : f32 to vector<16xf32>
        %parallel_loop3A_928 = arith.cmpf oge, %parallel_loop3A_925, %parallel_loop3A_927 : vector<16xf32>
        %parallel_loop3A_929 = arith.constant 1.000000e+00 : f32
        %parallel_loop3A_930 = arith.constant 0.000000e+00 : f32
        %parallel_loop3A_931 = vector.broadcast %parallel_loop3A_929 : f32 to vector<16xf32>
        %parallel_loop3A_932 = vector.broadcast %parallel_loop3A_930 : f32 to vector<16xf32>
        %parallel_loop3A_933 = arith.select %parallel_loop3A_928, %parallel_loop3A_931, %parallel_loop3A_932 : vector<16xi1>, vector<16xf32>
        %parallel_loop3A_934 = arith.constant 1 : i32
        %parallel_loop3A_935 = arith.constant 0 : i32
        %parallel_loop3A_936 = arith.constant 0 : i32
        %parallel_loop3A_937 = tpu.memref_slice %arg7[%rem3A_715, %parallel_loop3A_934, %parallel_loop3A_935, %parallel_loop3A_936] : memref<4x4x16x128xf32, #tpu.memory_space<vmem>> -> memref<1x1x16x128xf32, #tpu.memory_space<vmem>>
        %parallel_loop3A_938 = tpu.memref_squeeze %parallel_loop3A_937 : memref<1x1x16x128xf32, #tpu.memory_space<vmem>> -> memref<16x128xf32, #tpu.memory_space<vmem>>
        tpu.vector_store_idx %parallel_loop3A_938[%parallel_loop3A_902, %parallel_loop3A_897], %parallel_loop3A_933 : memref<16x128xf32, #tpu.memory_space<vmem>>[vector<16xi32>, vector<16xi32>], vector<16xf32>,
        %parallel_loop3A_939 = arith.subf %parallel_loop3A_925, %parallel_loop3A_933 : vector<16xf32>
        %parallel_loop3A_940 = arith.constant 5.000000e-01 : f32
        %parallel_loop3A_941 = vector.broadcast %parallel_loop3A_940 : f32 to vector<16xf32>
        %parallel_loop3A_942 = arith.mulf %parallel_loop3A_939, %parallel_loop3A_941 : vector<16xf32>
        %parallel_loop3A_943 = arith.addf %parallel_loop3A_942, %parallel_loop3A_907 : vector<16xf32>
        %parallel_loop3A_944 = arith.constant 1.000000e+00 : f32
        %parallel_loop3A_945 = vector.broadcast %parallel_loop3A_944 : f32 to vector<16xf32>
        %parallel_loop3A_946 = arith.cmpf oge, %parallel_loop3A_943, %parallel_loop3A_945 : vector<16xf32>
        %parallel_loop3A_947 = arith.constant 1.000000e+00 : f32
        %parallel_loop3A_948 = arith.constant 0.000000e+00 : f32
        %parallel_loop3A_949 = vector.broadcast %parallel_loop3A_947 : f32 to vector<16xf32>
        %parallel_loop3A_950 = vector.broadcast %parallel_loop3A_948 : f32 to vector<16xf32>
        %parallel_loop3A_951 = arith.select %parallel_loop3A_946, %parallel_loop3A_949, %parallel_loop3A_950 : vector<16xi1>, vector<16xf32>
        %parallel_loop3A_952 = arith.constant 2 : i32
        %parallel_loop3A_953 = arith.constant 0 : i32
        %parallel_loop3A_954 = arith.constant 0 : i32
        %parallel_loop3A_955 = tpu.memref_slice %arg7[%rem3A_715, %parallel_loop3A_952, %parallel_loop3A_953, %parallel_loop3A_954] : memref<4x4x16x128xf32, #tpu.memory_space<vmem>> -> memref<1x1x16x128xf32, #tpu.memory_space<vmem>>
        %parallel_loop3A_956 = tpu.memref_squeeze %parallel_loop3A_955 : memref<1x1x16x128xf32, #tpu.memory_space<vmem>> -> memref<16x128xf32, #tpu.memory_space<vmem>>
        tpu.vector_store_idx %parallel_loop3A_956[%parallel_loop3A_902, %parallel_loop3A_897], %parallel_loop3A_951 : memref<16x128xf32, #tpu.memory_space<vmem>>[vector<16xi32>, vector<16xi32>], vector<16xf32>,
        %parallel_loop3A_957 = arith.subf %parallel_loop3A_943, %parallel_loop3A_951 : vector<16xf32>
        %parallel_loop3A_958 = arith.constant 5.000000e-01 : f32
        %parallel_loop3A_959 = vector.broadcast %parallel_loop3A_958 : f32 to vector<16xf32>
        %parallel_loop3A_960 = arith.mulf %parallel_loop3A_957, %parallel_loop3A_959 : vector<16xf32>
        %parallel_loop3A_961 = arith.addf %parallel_loop3A_960, %parallel_loop3A_907 : vector<16xf32>
        %parallel_loop3A_962 = arith.constant 1.000000e+00 : f32
        %parallel_loop3A_963 = vector.broadcast %parallel_loop3A_962 : f32 to vector<16xf32>
        %parallel_loop3A_964 = arith.cmpf oge, %parallel_loop3A_961, %parallel_loop3A_963 : vector<16xf32>
        %parallel_loop3A_965 = arith.constant 1.000000e+00 : f32
        %parallel_loop3A_966 = arith.constant 0.000000e+00 : f32
        %parallel_loop3A_967 = vector.broadcast %parallel_loop3A_965 : f32 to vector<16xf32>
        %parallel_loop3A_968 = vector.broadcast %parallel_loop3A_966 : f32 to vector<16xf32>
        %parallel_loop3A_969 = arith.select %parallel_loop3A_964, %parallel_loop3A_967, %parallel_loop3A_968 : vector<16xi1>, vector<16xf32>
        %parallel_loop3A_970 = arith.constant 3 : i32
        %parallel_loop3A_971 = arith.constant 0 : i32
        %parallel_loop3A_972 = arith.constant 0 : i32
        %parallel_loop3A_973 = tpu.memref_slice %arg7[%rem3A_715, %parallel_loop3A_970, %parallel_loop3A_971, %parallel_loop3A_972] : memref<4x4x16x128xf32, #tpu.memory_space<vmem>> -> memref<1x1x16x128xf32, #tpu.memory_space<vmem>>
        %parallel_loop3A_974 = tpu.memref_squeeze %parallel_loop3A_973 : memref<1x1x16x128xf32, #tpu.memory_space<vmem>> -> memref<16x128xf32, #tpu.memory_space<vmem>>
        tpu.vector_store_idx %parallel_loop3A_974[%parallel_loop3A_902, %parallel_loop3A_897], %parallel_loop3A_969 : memref<16x128xf32, #tpu.memory_space<vmem>>[vector<16xi32>, vector<16xi32>], vector<16xf32>,
      } {sc.loop_unroll_factor = 8 : i64, sc.parallel_access}
      %dma_start3A_737 = arith.constant 0 : i32
      %dma_start3A_738 = arith.constant 0 : i32
      %dma_start3A_739 = arith.constant 0 : i32
      %dma_start3A_740 = arith.constant 0 : i32
      %dma_start3A_741 = arith.constant 0 : i32
      %dma_start3A_742 = tpu.memref_slice %arg7[%rem3A_715, %dma_start3A_737, %dma_start3A_740, %dma_start3A_741] : memref<4x4x16x128xf32, #tpu.memory_space<vmem>> -> memref<1x1x8x128xf32, #tpu.memory_space<vmem>>
      %dma_start3A_743 = tpu.memref_squeeze %dma_start3A_742 : memref<1x1x8x128xf32, #tpu.memory_space<vmem>> -> memref<8x128xf32, #tpu.memory_space<vmem>>
      %dma_start3A_744 = arith.constant 0 : i32
      %dma_start3A_745 = arith.constant 0 : i32
      %dma_start3A_746 = tpu.memref_slice %arg4[%dma_start3A_738, %scan3A_714, %dma_start3A_739, %add3A, %dma_start3A_744, %dma_start3A_745] : memref<4x50x2x32x8x128xf32, #tpu.memory_space<hbm>> -> memref<1x1x1x1x8x128xf32, #tpu.memory_space<hbm>>
      %dma_start3A_747 = tpu.memref_squeeze %dma_start3A_746 : memref<1x1x1x1x8x128xf32, #tpu.memory_space<hbm>> -> memref<8x128xf32, #tpu.memory_space<hbm>>
      %dma_start3A_748 = arith.constant 0 : i32
      %dma_start3A_749 = arith.constant 0 : i32
      %dma_start3A_750 = tpu.memref_slice %arg4[%dma_start3A_738, %scan3A_714, %dma_start3A_739, %add3A, %dma_start3A_748, %dma_start3A_749] : memref<4x50x2x32x8x128xf32, #tpu.memory_space<hbm>> -> memref<1x1x1x1x8x128xf32, #tpu.memory_space<hbm>>
      %dma_start3A_751 = tpu.memref_squeeze %dma_start3A_750 : memref<1x1x1x1x8x128xf32, #tpu.memory_space<hbm>> -> memref<8x128xf32, #tpu.memory_space<hbm>>
      %dma_start3A_752 = arith.constant 0 : i32
      %dma_start3A_753 = arith.constant 0 : i32
      %dma_start3A_754 = tpu.memref_slice %arg7[%rem3A_715, %dma_start3A_737, %dma_start3A_752, %dma_start3A_753] : memref<4x4x16x128xf32, #tpu.memory_space<vmem>> -> memref<1x1x8x128xf32, #tpu.memory_space<vmem>>
      %dma_start3A_755 = tpu.memref_squeeze %dma_start3A_754 : memref<1x1x8x128xf32, #tpu.memory_space<vmem>> -> memref<8x128xf32, #tpu.memory_space<vmem>>
      tpu.enqueue_dma source(%dma_start3A_755 : memref<8x128xf32, #tpu.memory_space<vmem>>) target(%dma_start3A_751 : memref<8x128xf32, #tpu.memory_space<hbm>>) target_semaphore(%arg9 : memref<!tpu.dma_semaphore, #tpu.memory_space<semaphore_mem>>)
      %dma_start3A_756 = arith.constant 0 : i32
      %dma_start3A_757 = arith.constant 0 : i32
      %dma_start3A_758 = arith.constant 1 : i32
      %dma_start3A_759 = arith.constant 8 : i32
      %dma_start3A_760 = arith.constant 0 : i32
      %dma_start3A_761 = tpu.memref_slice %arg7[%rem3A_715, %dma_start3A_756, %dma_start3A_759, %dma_start3A_760] : memref<4x4x16x128xf32, #tpu.memory_space<vmem>> -> memref<1x1x8x128xf32, #tpu.memory_space<vmem>>
      %dma_start3A_762 = tpu.memref_squeeze %dma_start3A_761 : memref<1x1x8x128xf32, #tpu.memory_space<vmem>> -> memref<8x128xf32, #tpu.memory_space<vmem>>
      %dma_start3A_763 = arith.constant 0 : i32
      %dma_start3A_764 = arith.constant 0 : i32
      %dma_start3A_765 = tpu.memref_slice %arg4[%dma_start3A_757, %scan3A_714, %dma_start3A_758, %add3A, %dma_start3A_763, %dma_start3A_764] : memref<4x50x2x32x8x128xf32, #tpu.memory_space<hbm>> -> memref<1x1x1x1x8x128xf32, #tpu.memory_space<hbm>>
      %dma_start3A_766 = tpu.memref_squeeze %dma_start3A_765 : memref<1x1x1x1x8x128xf32, #tpu.memory_space<hbm>> -> memref<8x128xf32, #tpu.memory_space<hbm>>
      %dma_start3A_767 = arith.constant 0 : i32
      %dma_start3A_768 = arith.constant 0 : i32
      %dma_start3A_769 = tpu.memref_slice %arg4[%dma_start3A_757, %scan3A_714, %dma_start3A_758, %add3A, %dma_start3A_767, %dma_start3A_768] : memref<4x50x2x32x8x128xf32, #tpu.memory_space<hbm>> -> memref<1x1x1x1x8x128xf32, #tpu.memory_space<hbm>>
      %dma_start3A_770 = tpu.memref_squeeze %dma_start3A_769 : memref<1x1x1x1x8x128xf32, #tpu.memory_space<hbm>> -> memref<8x128xf32, #tpu.memory_space<hbm>>
      %dma_start3A_771 = arith.constant 8 : i32
      %dma_start3A_772 = arith.constant 0 : i32
      %dma_start3A_773 = tpu.memref_slice %arg7[%rem3A_715, %dma_start3A_756, %dma_start3A_771, %dma_start3A_772] : memref<4x4x16x128xf32, #tpu.memory_space<vmem>> -> memref<1x1x8x128xf32, #tpu.memory_space<vmem>>
      %dma_start3A_774 = tpu.memref_squeeze %dma_start3A_773 : memref<1x1x8x128xf32, #tpu.memory_space<vmem>> -> memref<8x128xf32, #tpu.memory_space<vmem>>
      tpu.enqueue_dma source(%dma_start3A_774 : memref<8x128xf32, #tpu.memory_space<vmem>>) target(%dma_start3A_770 : memref<8x128xf32, #tpu.memory_space<hbm>>) target_semaphore(%arg9 : memref<!tpu.dma_semaphore, #tpu.memory_space<semaphore_mem>>)
      %dma_start3A_775 = arith.constant 1 : i32
      %dma_start3A_776 = arith.constant 1 : i32
      %dma_start3A_777 = arith.constant 0 : i32
      %dma_start3A_778 = arith.constant 0 : i32
      %dma_start3A_779 = arith.constant 0 : i32
      %dma_start3A_780 = tpu.memref_slice %arg7[%rem3A_715, %dma_start3A_775, %dma_start3A_778, %dma_start3A_779] : memref<4x4x16x128xf32, #tpu.memory_space<vmem>> -> memref<1x1x8x128xf32, #tpu.memory_space<vmem>>
      %dma_start3A_781 = tpu.memref_squeeze %dma_start3A_780 : memref<1x1x8x128xf32, #tpu.memory_space<vmem>> -> memref<8x128xf32, #tpu.memory_space<vmem>>
      %dma_start3A_782 = arith.constant 0 : i32
      %dma_start3A_783 = arith.constant 0 : i32
      %dma_start3A_784 = tpu.memref_slice %arg4[%dma_start3A_776, %scan3A_714, %dma_start3A_777, %add3A, %dma_start3A_782, %dma_start3A_783] : memref<4x50x2x32x8x128xf32, #tpu.memory_space<hbm>> -> memref<1x1x1x1x8x128xf32, #tpu.memory_space<hbm>>
      %dma_start3A_785 = tpu.memref_squeeze %dma_start3A_784 : memref<1x1x1x1x8x128xf32, #tpu.memory_space<hbm>> -> memref<8x128xf32, #tpu.memory_space<hbm>>
      %dma_start3A_786 = arith.constant 0 : i32
      %dma_start3A_787 = arith.constant 0 : i32
      %dma_start3A_788 = tpu.memref_slice %arg4[%dma_start3A_776, %scan3A_714, %dma_start3A_777, %add3A, %dma_start3A_786, %dma_start3A_787] : memref<4x50x2x32x8x128xf32, #tpu.memory_space<hbm>> -> memref<1x1x1x1x8x128xf32, #tpu.memory_space<hbm>>
      %dma_start3A_789 = tpu.memref_squeeze %dma_start3A_788 : memref<1x1x1x1x8x128xf32, #tpu.memory_space<hbm>> -> memref<8x128xf32, #tpu.memory_space<hbm>>
      %dma_start3A_790 = arith.constant 0 : i32
      %dma_start3A_791 = arith.constant 0 : i32
      %dma_start3A_792 = tpu.memref_slice %arg7[%rem3A_715, %dma_start3A_775, %dma_start3A_790, %dma_start3A_791] : memref<4x4x16x128xf32, #tpu.memory_space<vmem>> -> memref<1x1x8x128xf32, #tpu.memory_space<vmem>>
      %dma_start3A_793 = tpu.memref_squeeze %dma_start3A_792 : memref<1x1x8x128xf32, #tpu.memory_space<vmem>> -> memref<8x128xf32, #tpu.memory_space<vmem>>
      tpu.enqueue_dma source(%dma_start3A_793 : memref<8x128xf32, #tpu.memory_space<vmem>>) target(%dma_start3A_789 : memref<8x128xf32, #tpu.memory_space<hbm>>) target_semaphore(%arg9 : memref<!tpu.dma_semaphore, #tpu.memory_space<semaphore_mem>>)
      %dma_start3A_794 = arith.constant 1 : i32
      %dma_start3A_795 = arith.constant 1 : i32
      %dma_start3A_796 = arith.constant 1 : i32
      %dma_start3A_797 = arith.constant 8 : i32
      %dma_start3A_798 = arith.constant 0 : i32
      %dma_start3A_799 = tpu.memref_slice %arg7[%rem3A_715, %dma_start3A_794, %dma_start3A_797, %dma_start3A_798] : memref<4x4x16x128xf32, #tpu.memory_space<vmem>> -> memref<1x1x8x128xf32, #tpu.memory_space<vmem>>
      %dma_start3A_800 = tpu.memref_squeeze %dma_start3A_799 : memref<1x1x8x128xf32, #tpu.memory_space<vmem>> -> memref<8x128xf32, #tpu.memory_space<vmem>>
      %dma_start3A_801 = arith.constant 0 : i32
      %dma_start3A_802 = arith.constant 0 : i32
      %dma_start3A_803 = tpu.memref_slice %arg4[%dma_start3A_795, %scan3A_714, %dma_start3A_796, %add3A, %dma_start3A_801, %dma_start3A_802] : memref<4x50x2x32x8x128xf32, #tpu.memory_space<hbm>> -> memref<1x1x1x1x8x128xf32, #tpu.memory_space<hbm>>
      %dma_start3A_804 = tpu.memref_squeeze %dma_start3A_803 : memref<1x1x1x1x8x128xf32, #tpu.memory_space<hbm>> -> memref<8x128xf32, #tpu.memory_space<hbm>>
      %dma_start3A_805 = arith.constant 0 : i32
      %dma_start3A_806 = arith.constant 0 : i32
      %dma_start3A_807 = tpu.memref_slice %arg4[%dma_start3A_795, %scan3A_714, %dma_start3A_796, %add3A, %dma_start3A_805, %dma_start3A_806] : memref<4x50x2x32x8x128xf32, #tpu.memory_space<hbm>> -> memref<1x1x1x1x8x128xf32, #tpu.memory_space<hbm>>
      %dma_start3A_808 = tpu.memref_squeeze %dma_start3A_807 : memref<1x1x1x1x8x128xf32, #tpu.memory_space<hbm>> -> memref<8x128xf32, #tpu.memory_space<hbm>>
      %dma_start3A_809 = arith.constant 8 : i32
      %dma_start3A_810 = arith.constant 0 : i32
      %dma_start3A_811 = tpu.memref_slice %arg7[%rem3A_715, %dma_start3A_794, %dma_start3A_809, %dma_start3A_810] : memref<4x4x16x128xf32, #tpu.memory_space<vmem>> -> memref<1x1x8x128xf32, #tpu.memory_space<vmem>>
      %dma_start3A_812 = tpu.memref_squeeze %dma_start3A_811 : memref<1x1x8x128xf32, #tpu.memory_space<vmem>> -> memref<8x128xf32, #tpu.memory_space<vmem>>
      tpu.enqueue_dma source(%dma_start3A_812 : memref<8x128xf32, #tpu.memory_space<vmem>>) target(%dma_start3A_808 : memref<8x128xf32, #tpu.memory_space<hbm>>) target_semaphore(%arg9 : memref<!tpu.dma_semaphore, #tpu.memory_space<semaphore_mem>>)
      %dma_start3A_813 = arith.constant 2 : i32
      %dma_start3A_814 = arith.constant 2 : i32
      %dma_start3A_815 = arith.constant 0 : i32
      %dma_start3A_816 = arith.constant 0 : i32
      %dma_start3A_817 = arith.constant 0 : i32
      %dma_start3A_818 = tpu.memref_slice %arg7[%rem3A_715, %dma_start3A_813, %dma_start3A_816, %dma_start3A_817] : memref<4x4x16x128xf32, #tpu.memory_space<vmem>> -> memref<1x1x8x128xf32, #tpu.memory_space<vmem>>
      %dma_start3A_819 = tpu.memref_squeeze %dma_start3A_818 : memref<1x1x8x128xf32, #tpu.memory_space<vmem>> -> memref<8x128xf32, #tpu.memory_space<vmem>>
      %dma_start3A_820 = arith.constant 0 : i32
      %dma_start3A_821 = arith.constant 0 : i32
      %dma_start3A_822 = tpu.memref_slice %arg4[%dma_start3A_814, %scan3A_714, %dma_start3A_815, %add3A, %dma_start3A_820, %dma_start3A_821] : memref<4x50x2x32x8x128xf32, #tpu.memory_space<hbm>> -> memref<1x1x1x1x8x128xf32, #tpu.memory_space<hbm>>
      %dma_start3A_823 = tpu.memref_squeeze %dma_start3A_822 : memref<1x1x1x1x8x128xf32, #tpu.memory_space<hbm>> -> memref<8x128xf32, #tpu.memory_space<hbm>>
      %dma_start3A_824 = arith.constant 0 : i32
      %dma_start3A_825 = arith.constant 0 : i32
      %dma_start3A_826 = tpu.memref_slice %arg4[%dma_start3A_814, %scan3A_714, %dma_start3A_815, %add3A, %dma_start3A_824, %dma_start3A_825] : memref<4x50x2x32x8x128xf32, #tpu.memory_space<hbm>> -> memref<1x1x1x1x8x128xf32, #tpu.memory_space<hbm>>
      %dma_start3A_827 = tpu.memref_squeeze %dma_start3A_826 : memref<1x1x1x1x8x128xf32, #tpu.memory_space<hbm>> -> memref<8x128xf32, #tpu.memory_space<hbm>>
      %dma_start3A_828 = arith.constant 0 : i32
      %dma_start3A_829 = arith.constant 0 : i32
      %dma_start3A_830 = tpu.memref_slice %arg7[%rem3A_715, %dma_start3A_813, %dma_start3A_828, %dma_start3A_829] : memref<4x4x16x128xf32, #tpu.memory_space<vmem>> -> memref<1x1x8x128xf32, #tpu.memory_space<vmem>>
      %dma_start3A_831 = tpu.memref_squeeze %dma_start3A_830 : memref<1x1x8x128xf32, #tpu.memory_space<vmem>> -> memref<8x128xf32, #tpu.memory_space<vmem>>
      tpu.enqueue_dma source(%dma_start3A_831 : memref<8x128xf32, #tpu.memory_space<vmem>>) target(%dma_start3A_827 : memref<8x128xf32, #tpu.memory_space<hbm>>) target_semaphore(%arg9 : memref<!tpu.dma_semaphore, #tpu.memory_space<semaphore_mem>>)
      %dma_start3A_832 = arith.constant 2 : i32
      %dma_start3A_833 = arith.constant 2 : i32
      %dma_start3A_834 = arith.constant 1 : i32
      %dma_start3A_835 = arith.constant 8 : i32
      %dma_start3A_836 = arith.constant 0 : i32
      %dma_start3A_837 = tpu.memref_slice %arg7[%rem3A_715, %dma_start3A_832, %dma_start3A_835, %dma_start3A_836] : memref<4x4x16x128xf32, #tpu.memory_space<vmem>> -> memref<1x1x8x128xf32, #tpu.memory_space<vmem>>
      %dma_start3A_838 = tpu.memref_squeeze %dma_start3A_837 : memref<1x1x8x128xf32, #tpu.memory_space<vmem>> -> memref<8x128xf32, #tpu.memory_space<vmem>>
      %dma_start3A_839 = arith.constant 0 : i32
      %dma_start3A_840 = arith.constant 0 : i32
      %dma_start3A_841 = tpu.memref_slice %arg4[%dma_start3A_833, %scan3A_714, %dma_start3A_834, %add3A, %dma_start3A_839, %dma_start3A_840] : memref<4x50x2x32x8x128xf32, #tpu.memory_space<hbm>> -> memref<1x1x1x1x8x128xf32, #tpu.memory_space<hbm>>
      %dma_start3A_842 = tpu.memref_squeeze %dma_start3A_841 : memref<1x1x1x1x8x128xf32, #tpu.memory_space<hbm>> -> memref<8x128xf32, #tpu.memory_space<hbm>>
      %dma_start3A_843 = arith.constant 0 : i32
      %dma_start3A_844 = arith.constant 0 : i32
      %dma_start3A_845 = tpu.memref_slice %arg4[%dma_start3A_833, %scan3A_714, %dma_start3A_834, %add3A, %dma_start3A_843, %dma_start3A_844] : memref<4x50x2x32x8x128xf32, #tpu.memory_space<hbm>> -> memref<1x1x1x1x8x128xf32, #tpu.memory_space<hbm>>
      %dma_start3A_846 = tpu.memref_squeeze %dma_start3A_845 : memref<1x1x1x1x8x128xf32, #tpu.memory_space<hbm>> -> memref<8x128xf32, #tpu.memory_space<hbm>>
      %dma_start3A_847 = arith.constant 8 : i32
      %dma_start3A_848 = arith.constant 0 : i32
      %dma_start3A_849 = tpu.memref_slice %arg7[%rem3A_715, %dma_start3A_832, %dma_start3A_847, %dma_start3A_848] : memref<4x4x16x128xf32, #tpu.memory_space<vmem>> -> memref<1x1x8x128xf32, #tpu.memory_space<vmem>>
      %dma_start3A_850 = tpu.memref_squeeze %dma_start3A_849 : memref<1x1x8x128xf32, #tpu.memory_space<vmem>> -> memref<8x128xf32, #tpu.memory_space<vmem>>
      tpu.enqueue_dma source(%dma_start3A_850 : memref<8x128xf32, #tpu.memory_space<vmem>>) target(%dma_start3A_846 : memref<8x128xf32, #tpu.memory_space<hbm>>) target_semaphore(%arg9 : memref<!tpu.dma_semaphore, #tpu.memory_space<semaphore_mem>>)
      %dma_start3A_851 = arith.constant 3 : i32
      %dma_start3A_852 = arith.constant 3 : i32
      %dma_start3A_853 = arith.constant 0 : i32
      %dma_start3A_854 = arith.constant 0 : i32
      %dma_start3A_855 = arith.constant 0 : i32
      %dma_start3A_856 = tpu.memref_slice %arg7[%rem3A_715, %dma_start3A_851, %dma_start3A_854, %dma_start3A_855] : memref<4x4x16x128xf32, #tpu.memory_space<vmem>> -> memref<1x1x8x128xf32, #tpu.memory_space<vmem>>
      %dma_start3A_857 = tpu.memref_squeeze %dma_start3A_856 : memref<1x1x8x128xf32, #tpu.memory_space<vmem>> -> memref<8x128xf32, #tpu.memory_space<vmem>>
      %dma_start3A_858 = arith.constant 0 : i32
      %dma_start3A_859 = arith.constant 0 : i32
      %dma_start3A_860 = tpu.memref_slice %arg4[%dma_start3A_852, %scan3A_714, %dma_start3A_853, %add3A, %dma_start3A_858, %dma_start3A_859] : memref<4x50x2x32x8x128xf32, #tpu.memory_space<hbm>> -> memref<1x1x1x1x8x128xf32, #tpu.memory_space<hbm>>
      %dma_start3A_861 = tpu.memref_squeeze %dma_start3A_860 : memref<1x1x1x1x8x128xf32, #tpu.memory_space<hbm>> -> memref<8x128xf32, #tpu.memory_space<hbm>>
      %dma_start3A_862 = arith.constant 0 : i32
      %dma_start3A_863 = arith.constant 0 : i32
      %dma_start3A_864 = tpu.memref_slice %arg4[%dma_start3A_852, %scan3A_714, %dma_start3A_853, %add3A, %dma_start3A_862, %dma_start3A_863] : memref<4x50x2x32x8x128xf32, #tpu.memory_space<hbm>> -> memref<1x1x1x1x8x128xf32, #tpu.memory_space<hbm>>
      %dma_start3A_865 = tpu.memref_squeeze %dma_start3A_864 : memref<1x1x1x1x8x128xf32, #tpu.memory_space<hbm>> -> memref<8x128xf32, #tpu.memory_space<hbm>>
      %dma_start3A_866 = arith.constant 0 : i32
      %dma_start3A_867 = arith.constant 0 : i32
      %dma_start3A_868 = tpu.memref_slice %arg7[%rem3A_715, %dma_start3A_851, %dma_start3A_866, %dma_start3A_867] : memref<4x4x16x128xf32, #tpu.memory_space<vmem>> -> memref<1x1x8x128xf32, #tpu.memory_space<vmem>>
      %dma_start3A_869 = tpu.memref_squeeze %dma_start3A_868 : memref<1x1x8x128xf32, #tpu.memory_space<vmem>> -> memref<8x128xf32, #tpu.memory_space<vmem>>
      tpu.enqueue_dma source(%dma_start3A_869 : memref<8x128xf32, #tpu.memory_space<vmem>>) target(%dma_start3A_865 : memref<8x128xf32, #tpu.memory_space<hbm>>) target_semaphore(%arg9 : memref<!tpu.dma_semaphore, #tpu.memory_space<semaphore_mem>>)
      %dma_start3A_870 = arith.constant 3 : i32
      %dma_start3A_871 = arith.constant 3 : i32
      %dma_start3A_872 = arith.constant 1 : i32
      %dma_start3A_873 = arith.constant 8 : i32
      %dma_start3A_874 = arith.constant 0 : i32
      %dma_start3A_875 = tpu.memref_slice %arg7[%rem3A_715, %dma_start3A_870, %dma_start3A_873, %dma_start3A_874] : memref<4x4x16x128xf32, #tpu.memory_space<vmem>> -> memref<1x1x8x128xf32, #tpu.memory_space<vmem>>
      %dma_start3A_876 = tpu.memref_squeeze %dma_start3A_875 : memref<1x1x8x128xf32, #tpu.memory_space<vmem>> -> memref<8x128xf32, #tpu.memory_space<vmem>>
      %dma_start3A_877 = arith.constant 0 : i32
      %dma_start3A_878 = arith.constant 0 : i32
      %dma_start3A_879 = tpu.memref_slice %arg4[%dma_start3A_871, %scan3A_714, %dma_start3A_872, %add3A, %dma_start3A_877, %dma_start3A_878] : memref<4x50x2x32x8x128xf32, #tpu.memory_space<hbm>> -> memref<1x1x1x1x8x128xf32, #tpu.memory_space<hbm>>
      %dma_start3A_880 = tpu.memref_squeeze %dma_start3A_879 : memref<1x1x1x1x8x128xf32, #tpu.memory_space<hbm>> -> memref<8x128xf32, #tpu.memory_space<hbm>>
      %dma_start3A_881 = arith.constant 0 : i32
      %dma_start3A_882 = arith.constant 0 : i32
      %dma_start3A_883 = tpu.memref_slice %arg4[%dma_start3A_871, %scan3A_714, %dma_start3A_872, %add3A, %dma_start3A_881, %dma_start3A_882] : memref<4x50x2x32x8x128xf32, #tpu.memory_space<hbm>> -> memref<1x1x1x1x8x128xf32, #tpu.memory_space<hbm>>
      %dma_start3A_884 = tpu.memref_squeeze %dma_start3A_883 : memref<1x1x1x1x8x128xf32, #tpu.memory_space<hbm>> -> memref<8x128xf32, #tpu.memory_space<hbm>>
      %dma_start3A_885 = arith.constant 8 : i32
      %dma_start3A_886 = arith.constant 0 : i32
      %dma_start3A_887 = tpu.memref_slice %arg7[%rem3A_715, %dma_start3A_870, %dma_start3A_885, %dma_start3A_886] : memref<4x4x16x128xf32, #tpu.memory_space<vmem>> -> memref<1x1x8x128xf32, #tpu.memory_space<vmem>>
      %dma_start3A_888 = tpu.memref_squeeze %dma_start3A_887 : memref<1x1x8x128xf32, #tpu.memory_space<vmem>> -> memref<8x128xf32, #tpu.memory_space<vmem>>
      tpu.enqueue_dma source(%dma_start3A_888 : memref<8x128xf32, #tpu.memory_space<vmem>>) target(%dma_start3A_884 : memref<8x128xf32, #tpu.memory_space<hbm>>) target_semaphore(%arg9 : memref<!tpu.dma_semaphore, #tpu.memory_space<semaphore_mem>>)
    }
    %scan3A_42 = arith.constant 50 : i32
    %dma_wait3A = arith.constant 2 : i32
    %dma_wait3A_43 = arith.constant 0 : i32
    %dma_wait3A_44 = arith.constant 0 : i32
    %dma_wait3A_45 = arith.constant 46 : i32
    %dma_wait3A_46 = arith.constant 0 : i32
    %dma_wait3A_47 = arith.constant 0 : i32
    %dma_wait3A_48 = arith.constant 0 : i32
    %dma_wait3A_49 = tpu.memref_slice %arg7[%dma_wait3A, %dma_wait3A_43, %dma_wait3A_47, %dma_wait3A_48] : memref<4x4x16x128xf32, #tpu.memory_space<vmem>> -> memref<1x1x8x128xf32, #tpu.memory_space<vmem>>
    %dma_wait3A_50 = tpu.memref_squeeze %dma_wait3A_49 : memref<1x1x8x128xf32, #tpu.memory_space<vmem>> -> memref<8x128xf32, #tpu.memory_space<vmem>>
    %dma_wait3A_51 = arith.constant 0 : i32
    %dma_wait3A_52 = arith.constant 0 : i32
    %dma_wait3A_53 = tpu.memref_slice %arg4[%dma_wait3A_44, %dma_wait3A_45, %dma_wait3A_46, %add3A, %dma_wait3A_51, %dma_wait3A_52] : memref<4x50x2x32x8x128xf32, #tpu.memory_space<hbm>> -> memref<1x1x1x1x8x128xf32, #tpu.memory_space<hbm>>
    %dma_wait3A_54 = tpu.memref_squeeze %dma_wait3A_53 : memref<1x1x1x1x8x128xf32, #tpu.memory_space<hbm>> -> memref<8x128xf32, #tpu.memory_space<hbm>>
    %dma_wait3A_55 = arith.constant 0 : i32
    %dma_wait3A_56 = arith.constant 0 : i32
    %dma_wait3A_57 = tpu.memref_slice %arg4[%dma_wait3A_44, %dma_wait3A_45, %dma_wait3A_46, %add3A, %dma_wait3A_55, %dma_wait3A_56] : memref<4x50x2x32x8x128xf32, #tpu.memory_space<hbm>> -> memref<1x1x1x1x8x128xf32, #tpu.memory_space<hbm>>
    %dma_wait3A_58 = tpu.memref_squeeze %dma_wait3A_57 : memref<1x1x1x1x8x128xf32, #tpu.memory_space<hbm>> -> memref<8x128xf32, #tpu.memory_space<hbm>>
    %dma_wait3A_59 = arith.constant 0 : i32
    %dma_wait3A_60 = arith.constant 0 : i32
    %dma_wait3A_61 = tpu.memref_slice %arg7[%dma_wait3A, %dma_wait3A_43, %dma_wait3A_59, %dma_wait3A_60] : memref<4x4x16x128xf32, #tpu.memory_space<vmem>> -> memref<1x1x8x128xf32, #tpu.memory_space<vmem>>
    %dma_wait3A_62 = tpu.memref_squeeze %dma_wait3A_61 : memref<1x1x8x128xf32, #tpu.memory_space<vmem>> -> memref<8x128xf32, #tpu.memory_space<vmem>>
    tpu.wait_dma2 semaphore(%arg9 : memref<!tpu.dma_semaphore, #tpu.memory_space<semaphore_mem>>) src(%dma_wait3A_62 : memref<8x128xf32, #tpu.memory_space<vmem>>) dst(%dma_wait3A_58 : memref<8x128xf32, #tpu.memory_space<hbm>>)
    %dma_wait3A_63 = arith.constant 2 : i32
    %dma_wait3A_64 = arith.constant 0 : i32
    %dma_wait3A_65 = arith.constant 0 : i32
    %dma_wait3A_66 = arith.constant 46 : i32
    %dma_wait3A_67 = arith.constant 1 : i32
    %dma_wait3A_68 = arith.constant 8 : i32
    %dma_wait3A_69 = arith.constant 0 : i32
    %dma_wait3A_70 = tpu.memref_slice %arg7[%dma_wait3A_63, %dma_wait3A_64, %dma_wait3A_68, %dma_wait3A_69] : memref<4x4x16x128xf32, #tpu.memory_space<vmem>> -> memref<1x1x8x128xf32, #tpu.memory_space<vmem>>
    %dma_wait3A_71 = tpu.memref_squeeze %dma_wait3A_70 : memref<1x1x8x128xf32, #tpu.memory_space<vmem>> -> memref<8x128xf32, #tpu.memory_space<vmem>>
    %dma_wait3A_72 = arith.constant 0 : i32
    %dma_wait3A_73 = arith.constant 0 : i32
    %dma_wait3A_74 = tpu.memref_slice %arg4[%dma_wait3A_65, %dma_wait3A_66, %dma_wait3A_67, %add3A, %dma_wait3A_72, %dma_wait3A_73] : memref<4x50x2x32x8x128xf32, #tpu.memory_space<hbm>> -> memref<1x1x1x1x8x128xf32, #tpu.memory_space<hbm>>
    %dma_wait3A_75 = tpu.memref_squeeze %dma_wait3A_74 : memref<1x1x1x1x8x128xf32, #tpu.memory_space<hbm>> -> memref<8x128xf32, #tpu.memory_space<hbm>>
    %dma_wait3A_76 = arith.constant 0 : i32
    %dma_wait3A_77 = arith.constant 0 : i32
    %dma_wait3A_78 = tpu.memref_slice %arg4[%dma_wait3A_65, %dma_wait3A_66, %dma_wait3A_67, %add3A, %dma_wait3A_76, %dma_wait3A_77] : memref<4x50x2x32x8x128xf32, #tpu.memory_space<hbm>> -> memref<1x1x1x1x8x128xf32, #tpu.memory_space<hbm>>
    %dma_wait3A_79 = tpu.memref_squeeze %dma_wait3A_78 : memref<1x1x1x1x8x128xf32, #tpu.memory_space<hbm>> -> memref<8x128xf32, #tpu.memory_space<hbm>>
    %dma_wait3A_80 = arith.constant 8 : i32
    %dma_wait3A_81 = arith.constant 0 : i32
    %dma_wait3A_82 = tpu.memref_slice %arg7[%dma_wait3A_63, %dma_wait3A_64, %dma_wait3A_80, %dma_wait3A_81] : memref<4x4x16x128xf32, #tpu.memory_space<vmem>> -> memref<1x1x8x128xf32, #tpu.memory_space<vmem>>
    %dma_wait3A_83 = tpu.memref_squeeze %dma_wait3A_82 : memref<1x1x8x128xf32, #tpu.memory_space<vmem>> -> memref<8x128xf32, #tpu.memory_space<vmem>>
    tpu.wait_dma2 semaphore(%arg9 : memref<!tpu.dma_semaphore, #tpu.memory_space<semaphore_mem>>) src(%dma_wait3A_83 : memref<8x128xf32, #tpu.memory_space<vmem>>) dst(%dma_wait3A_79 : memref<8x128xf32, #tpu.memory_space<hbm>>)
    %dma_wait3A_84 = arith.constant 2 : i32
    %dma_wait3A_85 = arith.constant 1 : i32
    %dma_wait3A_86 = arith.constant 1 : i32
    %dma_wait3A_87 = arith.constant 46 : i32
    %dma_wait3A_88 = arith.constant 0 : i32
    %dma_wait3A_89 = arith.constant 0 : i32
    %dma_wait3A_90 = arith.constant 0 : i32
    %dma_wait3A_91 = tpu.memref_slice %arg7[%dma_wait3A_84, %dma_wait3A_85, %dma_wait3A_89, %dma_wait3A_90] : memref<4x4x16x128xf32, #tpu.memory_space<vmem>> -> memref<1x1x8x128xf32, #tpu.memory_space<vmem>>
    %dma_wait3A_92 = tpu.memref_squeeze %dma_wait3A_91 : memref<1x1x8x128xf32, #tpu.memory_space<vmem>> -> memref<8x128xf32, #tpu.memory_space<vmem>>
    %dma_wait3A_93 = arith.constant 0 : i32
    %dma_wait3A_94 = arith.constant 0 : i32
    %dma_wait3A_95 = tpu.memref_slice %arg4[%dma_wait3A_86, %dma_wait3A_87, %dma_wait3A_88, %add3A, %dma_wait3A_93, %dma_wait3A_94] : memref<4x50x2x32x8x128xf32, #tpu.memory_space<hbm>> -> memref<1x1x1x1x8x128xf32, #tpu.memory_space<hbm>>
    %dma_wait3A_96 = tpu.memref_squeeze %dma_wait3A_95 : memref<1x1x1x1x8x128xf32, #tpu.memory_space<hbm>> -> memref<8x128xf32, #tpu.memory_space<hbm>>
    %dma_wait3A_97 = arith.constant 0 : i32
    %dma_wait3A_98 = arith.constant 0 : i32
    %dma_wait3A_99 = tpu.memref_slice %arg4[%dma_wait3A_86, %dma_wait3A_87, %dma_wait3A_88, %add3A, %dma_wait3A_97, %dma_wait3A_98] : memref<4x50x2x32x8x128xf32, #tpu.memory_space<hbm>> -> memref<1x1x1x1x8x128xf32, #tpu.memory_space<hbm>>
    %dma_wait3A_100 = tpu.memref_squeeze %dma_wait3A_99 : memref<1x1x1x1x8x128xf32, #tpu.memory_space<hbm>> -> memref<8x128xf32, #tpu.memory_space<hbm>>
    %dma_wait3A_101 = arith.constant 0 : i32
    %dma_wait3A_102 = arith.constant 0 : i32
    %dma_wait3A_103 = tpu.memref_slice %arg7[%dma_wait3A_84, %dma_wait3A_85, %dma_wait3A_101, %dma_wait3A_102] : memref<4x4x16x128xf32, #tpu.memory_space<vmem>> -> memref<1x1x8x128xf32, #tpu.memory_space<vmem>>
    %dma_wait3A_104 = tpu.memref_squeeze %dma_wait3A_103 : memref<1x1x8x128xf32, #tpu.memory_space<vmem>> -> memref<8x128xf32, #tpu.memory_space<vmem>>
    tpu.wait_dma2 semaphore(%arg9 : memref<!tpu.dma_semaphore, #tpu.memory_space<semaphore_mem>>) src(%dma_wait3A_104 : memref<8x128xf32, #tpu.memory_space<vmem>>) dst(%dma_wait3A_100 : memref<8x128xf32, #tpu.memory_space<hbm>>)
    %dma_wait3A_105 = arith.constant 2 : i32
    %dma_wait3A_106 = arith.constant 1 : i32
    %dma_wait3A_107 = arith.constant 1 : i32
    %dma_wait3A_108 = arith.constant 46 : i32
    %dma_wait3A_109 = arith.constant 1 : i32
    %dma_wait3A_110 = arith.constant 8 : i32
    %dma_wait3A_111 = arith.constant 0 : i32
    %dma_wait3A_112 = tpu.memref_slice %arg7[%dma_wait3A_105, %dma_wait3A_106, %dma_wait3A_110, %dma_wait3A_111] : memref<4x4x16x128xf32, #tpu.memory_space<vmem>> -> memref<1x1x8x128xf32, #tpu.memory_space<vmem>>
    %dma_wait3A_113 = tpu.memref_squeeze %dma_wait3A_112 : memref<1x1x8x128xf32, #tpu.memory_space<vmem>> -> memref<8x128xf32, #tpu.memory_space<vmem>>
    %dma_wait3A_114 = arith.constant 0 : i32
    %dma_wait3A_115 = arith.constant 0 : i32
    %dma_wait3A_116 = tpu.memref_slice %arg4[%dma_wait3A_107, %dma_wait3A_108, %dma_wait3A_109, %add3A, %dma_wait3A_114, %dma_wait3A_115] : memref<4x50x2x32x8x128xf32, #tpu.memory_space<hbm>> -> memref<1x1x1x1x8x128xf32, #tpu.memory_space<hbm>>
    %dma_wait3A_117 = tpu.memref_squeeze %dma_wait3A_116 : memref<1x1x1x1x8x128xf32, #tpu.memory_space<hbm>> -> memref<8x128xf32, #tpu.memory_space<hbm>>
    %dma_wait3A_118 = arith.constant 0 : i32
    %dma_wait3A_119 = arith.constant 0 : i32
    %dma_wait3A_120 = tpu.memref_slice %arg4[%dma_wait3A_107, %dma_wait3A_108, %dma_wait3A_109, %add3A, %dma_wait3A_118, %dma_wait3A_119] : memref<4x50x2x32x8x128xf32, #tpu.memory_space<hbm>> -> memref<1x1x1x1x8x128xf32, #tpu.memory_space<hbm>>
    %dma_wait3A_121 = tpu.memref_squeeze %dma_wait3A_120 : memref<1x1x1x1x8x128xf32, #tpu.memory_space<hbm>> -> memref<8x128xf32, #tpu.memory_space<hbm>>
    %dma_wait3A_122 = arith.constant 8 : i32
    %dma_wait3A_123 = arith.constant 0 : i32
    %dma_wait3A_124 = tpu.memref_slice %arg7[%dma_wait3A_105, %dma_wait3A_106, %dma_wait3A_122, %dma_wait3A_123] : memref<4x4x16x128xf32, #tpu.memory_space<vmem>> -> memref<1x1x8x128xf32, #tpu.memory_space<vmem>>
    %dma_wait3A_125 = tpu.memref_squeeze %dma_wait3A_124 : memref<1x1x8x128xf32, #tpu.memory_space<vmem>> -> memref<8x128xf32, #tpu.memory_space<vmem>>
    tpu.wait_dma2 semaphore(%arg9 : memref<!tpu.dma_semaphore, #tpu.memory_space<semaphore_mem>>) src(%dma_wait3A_125 : memref<8x128xf32, #tpu.memory_space<vmem>>) dst(%dma_wait3A_121 : memref<8x128xf32, #tpu.memory_space<hbm>>)
    %dma_wait3A_126 = arith.constant 2 : i32
    %dma_wait3A_127 = arith.constant 2 : i32
    %dma_wait3A_128 = arith.constant 2 : i32
    %dma_wait3A_129 = arith.constant 46 : i32
    %dma_wait3A_130 = arith.constant 0 : i32
    %dma_wait3A_131 = arith.constant 0 : i32
    %dma_wait3A_132 = arith.constant 0 : i32
    %dma_wait3A_133 = tpu.memref_slice %arg7[%dma_wait3A_126, %dma_wait3A_127, %dma_wait3A_131, %dma_wait3A_132] : memref<4x4x16x128xf32, #tpu.memory_space<vmem>> -> memref<1x1x8x128xf32, #tpu.memory_space<vmem>>
    %dma_wait3A_134 = tpu.memref_squeeze %dma_wait3A_133 : memref<1x1x8x128xf32, #tpu.memory_space<vmem>> -> memref<8x128xf32, #tpu.memory_space<vmem>>
    %dma_wait3A_135 = arith.constant 0 : i32
    %dma_wait3A_136 = arith.constant 0 : i32
    %dma_wait3A_137 = tpu.memref_slice %arg4[%dma_wait3A_128, %dma_wait3A_129, %dma_wait3A_130, %add3A, %dma_wait3A_135, %dma_wait3A_136] : memref<4x50x2x32x8x128xf32, #tpu.memory_space<hbm>> -> memref<1x1x1x1x8x128xf32, #tpu.memory_space<hbm>>
    %dma_wait3A_138 = tpu.memref_squeeze %dma_wait3A_137 : memref<1x1x1x1x8x128xf32, #tpu.memory_space<hbm>> -> memref<8x128xf32, #tpu.memory_space<hbm>>
    %dma_wait3A_139 = arith.constant 0 : i32
    %dma_wait3A_140 = arith.constant 0 : i32
    %dma_wait3A_141 = tpu.memref_slice %arg4[%dma_wait3A_128, %dma_wait3A_129, %dma_wait3A_130, %add3A, %dma_wait3A_139, %dma_wait3A_140] : memref<4x50x2x32x8x128xf32, #tpu.memory_space<hbm>> -> memref<1x1x1x1x8x128xf32, #tpu.memory_space<hbm>>
    %dma_wait3A_142 = tpu.memref_squeeze %dma_wait3A_141 : memref<1x1x1x1x8x128xf32, #tpu.memory_space<hbm>> -> memref<8x128xf32, #tpu.memory_space<hbm>>
    %dma_wait3A_143 = arith.constant 0 : i32
    %dma_wait3A_144 = arith.constant 0 : i32
    %dma_wait3A_145 = tpu.memref_slice %arg7[%dma_wait3A_126, %dma_wait3A_127, %dma_wait3A_143, %dma_wait3A_144] : memref<4x4x16x128xf32, #tpu.memory_space<vmem>> -> memref<1x1x8x128xf32, #tpu.memory_space<vmem>>
    %dma_wait3A_146 = tpu.memref_squeeze %dma_wait3A_145 : memref<1x1x8x128xf32, #tpu.memory_space<vmem>> -> memref<8x128xf32, #tpu.memory_space<vmem>>
    tpu.wait_dma2 semaphore(%arg9 : memref<!tpu.dma_semaphore, #tpu.memory_space<semaphore_mem>>) src(%dma_wait3A_146 : memref<8x128xf32, #tpu.memory_space<vmem>>) dst(%dma_wait3A_142 : memref<8x128xf32, #tpu.memory_space<hbm>>)
    %dma_wait3A_147 = arith.constant 2 : i32
    %dma_wait3A_148 = arith.constant 2 : i32
    %dma_wait3A_149 = arith.constant 2 : i32
    %dma_wait3A_150 = arith.constant 46 : i32
    %dma_wait3A_151 = arith.constant 1 : i32
    %dma_wait3A_152 = arith.constant 8 : i32
    %dma_wait3A_153 = arith.constant 0 : i32
    %dma_wait3A_154 = tpu.memref_slice %arg7[%dma_wait3A_147, %dma_wait3A_148, %dma_wait3A_152, %dma_wait3A_153] : memref<4x4x16x128xf32, #tpu.memory_space<vmem>> -> memref<1x1x8x128xf32, #tpu.memory_space<vmem>>
    %dma_wait3A_155 = tpu.memref_squeeze %dma_wait3A_154 : memref<1x1x8x128xf32, #tpu.memory_space<vmem>> -> memref<8x128xf32, #tpu.memory_space<vmem>>
    %dma_wait3A_156 = arith.constant 0 : i32
    %dma_wait3A_157 = arith.constant 0 : i32
    %dma_wait3A_158 = tpu.memref_slice %arg4[%dma_wait3A_149, %dma_wait3A_150, %dma_wait3A_151, %add3A, %dma_wait3A_156, %dma_wait3A_157] : memref<4x50x2x32x8x128xf32, #tpu.memory_space<hbm>> -> memref<1x1x1x1x8x128xf32, #tpu.memory_space<hbm>>
    %dma_wait3A_159 = tpu.memref_squeeze %dma_wait3A_158 : memref<1x1x1x1x8x128xf32, #tpu.memory_space<hbm>> -> memref<8x128xf32, #tpu.memory_space<hbm>>
    %dma_wait3A_160 = arith.constant 0 : i32
    %dma_wait3A_161 = arith.constant 0 : i32
    %dma_wait3A_162 = tpu.memref_slice %arg4[%dma_wait3A_149, %dma_wait3A_150, %dma_wait3A_151, %add3A, %dma_wait3A_160, %dma_wait3A_161] : memref<4x50x2x32x8x128xf32, #tpu.memory_space<hbm>> -> memref<1x1x1x1x8x128xf32, #tpu.memory_space<hbm>>
    %dma_wait3A_163 = tpu.memref_squeeze %dma_wait3A_162 : memref<1x1x1x1x8x128xf32, #tpu.memory_space<hbm>> -> memref<8x128xf32, #tpu.memory_space<hbm>>
    %dma_wait3A_164 = arith.constant 8 : i32
    %dma_wait3A_165 = arith.constant 0 : i32
    %dma_wait3A_166 = tpu.memref_slice %arg7[%dma_wait3A_147, %dma_wait3A_148, %dma_wait3A_164, %dma_wait3A_165] : memref<4x4x16x128xf32, #tpu.memory_space<vmem>> -> memref<1x1x8x128xf32, #tpu.memory_space<vmem>>
    %dma_wait3A_167 = tpu.memref_squeeze %dma_wait3A_166 : memref<1x1x8x128xf32, #tpu.memory_space<vmem>> -> memref<8x128xf32, #tpu.memory_space<vmem>>
    tpu.wait_dma2 semaphore(%arg9 : memref<!tpu.dma_semaphore, #tpu.memory_space<semaphore_mem>>) src(%dma_wait3A_167 : memref<8x128xf32, #tpu.memory_space<vmem>>) dst(%dma_wait3A_163 : memref<8x128xf32, #tpu.memory_space<hbm>>)
    %dma_wait3A_168 = arith.constant 2 : i32
    %dma_wait3A_169 = arith.constant 3 : i32
    %dma_wait3A_170 = arith.constant 3 : i32
    %dma_wait3A_171 = arith.constant 46 : i32
    %dma_wait3A_172 = arith.constant 0 : i32
    %dma_wait3A_173 = arith.constant 0 : i32
    %dma_wait3A_174 = arith.constant 0 : i32
    %dma_wait3A_175 = tpu.memref_slice %arg7[%dma_wait3A_168, %dma_wait3A_169, %dma_wait3A_173, %dma_wait3A_174] : memref<4x4x16x128xf32, #tpu.memory_space<vmem>> -> memref<1x1x8x128xf32, #tpu.memory_space<vmem>>
    %dma_wait3A_176 = tpu.memref_squeeze %dma_wait3A_175 : memref<1x1x8x128xf32, #tpu.memory_space<vmem>> -> memref<8x128xf32, #tpu.memory_space<vmem>>
    %dma_wait3A_177 = arith.constant 0 : i32
    %dma_wait3A_178 = arith.constant 0 : i32
    %dma_wait3A_179 = tpu.memref_slice %arg4[%dma_wait3A_170, %dma_wait3A_171, %dma_wait3A_172, %add3A, %dma_wait3A_177, %dma_wait3A_178] : memref<4x50x2x32x8x128xf32, #tpu.memory_space<hbm>> -> memref<1x1x1x1x8x128xf32, #tpu.memory_space<hbm>>
    %dma_wait3A_180 = tpu.memref_squeeze %dma_wait3A_179 : memref<1x1x1x1x8x128xf32, #tpu.memory_space<hbm>> -> memref<8x128xf32, #tpu.memory_space<hbm>>
    %dma_wait3A_181 = arith.constant 0 : i32
    %dma_wait3A_182 = arith.constant 0 : i32
    %dma_wait3A_183 = tpu.memref_slice %arg4[%dma_wait3A_170, %dma_wait3A_171, %dma_wait3A_172, %add3A, %dma_wait3A_181, %dma_wait3A_182] : memref<4x50x2x32x8x128xf32, #tpu.memory_space<hbm>> -> memref<1x1x1x1x8x128xf32, #tpu.memory_space<hbm>>
    %dma_wait3A_184 = tpu.memref_squeeze %dma_wait3A_183 : memref<1x1x1x1x8x128xf32, #tpu.memory_space<hbm>> -> memref<8x128xf32, #tpu.memory_space<hbm>>
    %dma_wait3A_185 = arith.constant 0 : i32
    %dma_wait3A_186 = arith.constant 0 : i32
    %dma_wait3A_187 = tpu.memref_slice %arg7[%dma_wait3A_168, %dma_wait3A_169, %dma_wait3A_185, %dma_wait3A_186] : memref<4x4x16x128xf32, #tpu.memory_space<vmem>> -> memref<1x1x8x128xf32, #tpu.memory_space<vmem>>
    %dma_wait3A_188 = tpu.memref_squeeze %dma_wait3A_187 : memref<1x1x8x128xf32, #tpu.memory_space<vmem>> -> memref<8x128xf32, #tpu.memory_space<vmem>>
    tpu.wait_dma2 semaphore(%arg9 : memref<!tpu.dma_semaphore, #tpu.memory_space<semaphore_mem>>) src(%dma_wait3A_188 : memref<8x128xf32, #tpu.memory_space<vmem>>) dst(%dma_wait3A_184 : memref<8x128xf32, #tpu.memory_space<hbm>>)
    %dma_wait3A_189 = arith.constant 2 : i32
    %dma_wait3A_190 = arith.constant 3 : i32
    %dma_wait3A_191 = arith.constant 3 : i32
    %dma_wait3A_192 = arith.constant 46 : i32
    %dma_wait3A_193 = arith.constant 1 : i32
    %dma_wait3A_194 = arith.constant 8 : i32
    %dma_wait3A_195 = arith.constant 0 : i32
    %dma_wait3A_196 = tpu.memref_slice %arg7[%dma_wait3A_189, %dma_wait3A_190, %dma_wait3A_194, %dma_wait3A_195] : memref<4x4x16x128xf32, #tpu.memory_space<vmem>> -> memref<1x1x8x128xf32, #tpu.memory_space<vmem>>
    %dma_wait3A_197 = tpu.memref_squeeze %dma_wait3A_196 : memref<1x1x8x128xf32, #tpu.memory_space<vmem>> -> memref<8x128xf32, #tpu.memory_space<vmem>>
    %dma_wait3A_198 = arith.constant 0 : i32
    %dma_wait3A_199 = arith.constant 0 : i32
    %dma_wait3A_200 = tpu.memref_slice %arg4[%dma_wait3A_191, %dma_wait3A_192, %dma_wait3A_193, %add3A, %dma_wait3A_198, %dma_wait3A_199] : memref<4x50x2x32x8x128xf32, #tpu.memory_space<hbm>> -> memref<1x1x1x1x8x128xf32, #tpu.memory_space<hbm>>
    %dma_wait3A_201 = tpu.memref_squeeze %dma_wait3A_200 : memref<1x1x1x1x8x128xf32, #tpu.memory_space<hbm>> -> memref<8x128xf32, #tpu.memory_space<hbm>>
    %dma_wait3A_202 = arith.constant 0 : i32
    %dma_wait3A_203 = arith.constant 0 : i32
    %dma_wait3A_204 = tpu.memref_slice %arg4[%dma_wait3A_191, %dma_wait3A_192, %dma_wait3A_193, %add3A, %dma_wait3A_202, %dma_wait3A_203] : memref<4x50x2x32x8x128xf32, #tpu.memory_space<hbm>> -> memref<1x1x1x1x8x128xf32, #tpu.memory_space<hbm>>
    %dma_wait3A_205 = tpu.memref_squeeze %dma_wait3A_204 : memref<1x1x1x1x8x128xf32, #tpu.memory_space<hbm>> -> memref<8x128xf32, #tpu.memory_space<hbm>>
    %dma_wait3A_206 = arith.constant 8 : i32
    %dma_wait3A_207 = arith.constant 0 : i32
    %dma_wait3A_208 = tpu.memref_slice %arg7[%dma_wait3A_189, %dma_wait3A_190, %dma_wait3A_206, %dma_wait3A_207] : memref<4x4x16x128xf32, #tpu.memory_space<vmem>> -> memref<1x1x8x128xf32, #tpu.memory_space<vmem>>
    %dma_wait3A_209 = tpu.memref_squeeze %dma_wait3A_208 : memref<1x1x8x128xf32, #tpu.memory_space<vmem>> -> memref<8x128xf32, #tpu.memory_space<vmem>>
    tpu.wait_dma2 semaphore(%arg9 : memref<!tpu.dma_semaphore, #tpu.memory_space<semaphore_mem>>) src(%dma_wait3A_209 : memref<8x128xf32, #tpu.memory_space<vmem>>) dst(%dma_wait3A_205 : memref<8x128xf32, #tpu.memory_space<hbm>>)
    %dma_wait3A_210 = arith.constant 3 : i32
    %dma_wait3A_211 = arith.constant 0 : i32
    %dma_wait3A_212 = arith.constant 0 : i32
    %dma_wait3A_213 = arith.constant 47 : i32
    %dma_wait3A_214 = arith.constant 0 : i32
    %dma_wait3A_215 = arith.constant 0 : i32
    %dma_wait3A_216 = arith.constant 0 : i32
    %dma_wait3A_217 = tpu.memref_slice %arg7[%dma_wait3A_210, %dma_wait3A_211, %dma_wait3A_215, %dma_wait3A_216] : memref<4x4x16x128xf32, #tpu.memory_space<vmem>> -> memref<1x1x8x128xf32, #tpu.memory_space<vmem>>
    %dma_wait3A_218 = tpu.memref_squeeze %dma_wait3A_217 : memref<1x1x8x128xf32, #tpu.memory_space<vmem>> -> memref<8x128xf32, #tpu.memory_space<vmem>>
    %dma_wait3A_219 = arith.constant 0 : i32
    %dma_wait3A_220 = arith.constant 0 : i32
    %dma_wait3A_221 = tpu.memref_slice %arg4[%dma_wait3A_212, %dma_wait3A_213, %dma_wait3A_214, %add3A, %dma_wait3A_219, %dma_wait3A_220] : memref<4x50x2x32x8x128xf32, #tpu.memory_space<hbm>> -> memref<1x1x1x1x8x128xf32, #tpu.memory_space<hbm>>
    %dma_wait3A_222 = tpu.memref_squeeze %dma_wait3A_221 : memref<1x1x1x1x8x128xf32, #tpu.memory_space<hbm>> -> memref<8x128xf32, #tpu.memory_space<hbm>>
    %dma_wait3A_223 = arith.constant 0 : i32
    %dma_wait3A_224 = arith.constant 0 : i32
    %dma_wait3A_225 = tpu.memref_slice %arg4[%dma_wait3A_212, %dma_wait3A_213, %dma_wait3A_214, %add3A, %dma_wait3A_223, %dma_wait3A_224] : memref<4x50x2x32x8x128xf32, #tpu.memory_space<hbm>> -> memref<1x1x1x1x8x128xf32, #tpu.memory_space<hbm>>
    %dma_wait3A_226 = tpu.memref_squeeze %dma_wait3A_225 : memref<1x1x1x1x8x128xf32, #tpu.memory_space<hbm>> -> memref<8x128xf32, #tpu.memory_space<hbm>>
    %dma_wait3A_227 = arith.constant 0 : i32
    %dma_wait3A_228 = arith.constant 0 : i32
    %dma_wait3A_229 = tpu.memref_slice %arg7[%dma_wait3A_210, %dma_wait3A_211, %dma_wait3A_227, %dma_wait3A_228] : memref<4x4x16x128xf32, #tpu.memory_space<vmem>> -> memref<1x1x8x128xf32, #tpu.memory_space<vmem>>
    %dma_wait3A_230 = tpu.memref_squeeze %dma_wait3A_229 : memref<1x1x8x128xf32, #tpu.memory_space<vmem>> -> memref<8x128xf32, #tpu.memory_space<vmem>>
    tpu.wait_dma2 semaphore(%arg9 : memref<!tpu.dma_semaphore, #tpu.memory_space<semaphore_mem>>) src(%dma_wait3A_230 : memref<8x128xf32, #tpu.memory_space<vmem>>) dst(%dma_wait3A_226 : memref<8x128xf32, #tpu.memory_space<hbm>>)
    %dma_wait3A_231 = arith.constant 3 : i32
    %dma_wait3A_232 = arith.constant 0 : i32
    %dma_wait3A_233 = arith.constant 0 : i32
    %dma_wait3A_234 = arith.constant 47 : i32
    %dma_wait3A_235 = arith.constant 1 : i32
    %dma_wait3A_236 = arith.constant 8 : i32
    %dma_wait3A_237 = arith.constant 0 : i32
    %dma_wait3A_238 = tpu.memref_slice %arg7[%dma_wait3A_231, %dma_wait3A_232, %dma_wait3A_236, %dma_wait3A_237] : memref<4x4x16x128xf32, #tpu.memory_space<vmem>> -> memref<1x1x8x128xf32, #tpu.memory_space<vmem>>
    %dma_wait3A_239 = tpu.memref_squeeze %dma_wait3A_238 : memref<1x1x8x128xf32, #tpu.memory_space<vmem>> -> memref<8x128xf32, #tpu.memory_space<vmem>>
    %dma_wait3A_240 = arith.constant 0 : i32
    %dma_wait3A_241 = arith.constant 0 : i32
    %dma_wait3A_242 = tpu.memref_slice %arg4[%dma_wait3A_233, %dma_wait3A_234, %dma_wait3A_235, %add3A, %dma_wait3A_240, %dma_wait3A_241] : memref<4x50x2x32x8x128xf32, #tpu.memory_space<hbm>> -> memref<1x1x1x1x8x128xf32, #tpu.memory_space<hbm>>
    %dma_wait3A_243 = tpu.memref_squeeze %dma_wait3A_242 : memref<1x1x1x1x8x128xf32, #tpu.memory_space<hbm>> -> memref<8x128xf32, #tpu.memory_space<hbm>>
    %dma_wait3A_244 = arith.constant 0 : i32
    %dma_wait3A_245 = arith.constant 0 : i32
    %dma_wait3A_246 = tpu.memref_slice %arg4[%dma_wait3A_233, %dma_wait3A_234, %dma_wait3A_235, %add3A, %dma_wait3A_244, %dma_wait3A_245] : memref<4x50x2x32x8x128xf32, #tpu.memory_space<hbm>> -> memref<1x1x1x1x8x128xf32, #tpu.memory_space<hbm>>
    %dma_wait3A_247 = tpu.memref_squeeze %dma_wait3A_246 : memref<1x1x1x1x8x128xf32, #tpu.memory_space<hbm>> -> memref<8x128xf32, #tpu.memory_space<hbm>>
    %dma_wait3A_248 = arith.constant 8 : i32
    %dma_wait3A_249 = arith.constant 0 : i32
    %dma_wait3A_250 = tpu.memref_slice %arg7[%dma_wait3A_231, %dma_wait3A_232, %dma_wait3A_248, %dma_wait3A_249] : memref<4x4x16x128xf32, #tpu.memory_space<vmem>> -> memref<1x1x8x128xf32, #tpu.memory_space<vmem>>
    %dma_wait3A_251 = tpu.memref_squeeze %dma_wait3A_250 : memref<1x1x8x128xf32, #tpu.memory_space<vmem>> -> memref<8x128xf32, #tpu.memory_space<vmem>>
    tpu.wait_dma2 semaphore(%arg9 : memref<!tpu.dma_semaphore, #tpu.memory_space<semaphore_mem>>) src(%dma_wait3A_251 : memref<8x128xf32, #tpu.memory_space<vmem>>) dst(%dma_wait3A_247 : memref<8x128xf32, #tpu.memory_space<hbm>>)
    %dma_wait3A_252 = arith.constant 3 : i32
    %dma_wait3A_253 = arith.constant 1 : i32
    %dma_wait3A_254 = arith.constant 1 : i32
    %dma_wait3A_255 = arith.constant 47 : i32
    %dma_wait3A_256 = arith.constant 0 : i32
    %dma_wait3A_257 = arith.constant 0 : i32
    %dma_wait3A_258 = arith.constant 0 : i32
    %dma_wait3A_259 = tpu.memref_slice %arg7[%dma_wait3A_252, %dma_wait3A_253, %dma_wait3A_257, %dma_wait3A_258] : memref<4x4x16x128xf32, #tpu.memory_space<vmem>> -> memref<1x1x8x128xf32, #tpu.memory_space<vmem>>
    %dma_wait3A_260 = tpu.memref_squeeze %dma_wait3A_259 : memref<1x1x8x128xf32, #tpu.memory_space<vmem>> -> memref<8x128xf32, #tpu.memory_space<vmem>>
    %dma_wait3A_261 = arith.constant 0 : i32
    %dma_wait3A_262 = arith.constant 0 : i32
    %dma_wait3A_263 = tpu.memref_slice %arg4[%dma_wait3A_254, %dma_wait3A_255, %dma_wait3A_256, %add3A, %dma_wait3A_261, %dma_wait3A_262] : memref<4x50x2x32x8x128xf32, #tpu.memory_space<hbm>> -> memref<1x1x1x1x8x128xf32, #tpu.memory_space<hbm>>
    %dma_wait3A_264 = tpu.memref_squeeze %dma_wait3A_263 : memref<1x1x1x1x8x128xf32, #tpu.memory_space<hbm>> -> memref<8x128xf32, #tpu.memory_space<hbm>>
    %dma_wait3A_265 = arith.constant 0 : i32
    %dma_wait3A_266 = arith.constant 0 : i32
    %dma_wait3A_267 = tpu.memref_slice %arg4[%dma_wait3A_254, %dma_wait3A_255, %dma_wait3A_256, %add3A, %dma_wait3A_265, %dma_wait3A_266] : memref<4x50x2x32x8x128xf32, #tpu.memory_space<hbm>> -> memref<1x1x1x1x8x128xf32, #tpu.memory_space<hbm>>
    %dma_wait3A_268 = tpu.memref_squeeze %dma_wait3A_267 : memref<1x1x1x1x8x128xf32, #tpu.memory_space<hbm>> -> memref<8x128xf32, #tpu.memory_space<hbm>>
    %dma_wait3A_269 = arith.constant 0 : i32
    %dma_wait3A_270 = arith.constant 0 : i32
    %dma_wait3A_271 = tpu.memref_slice %arg7[%dma_wait3A_252, %dma_wait3A_253, %dma_wait3A_269, %dma_wait3A_270] : memref<4x4x16x128xf32, #tpu.memory_space<vmem>> -> memref<1x1x8x128xf32, #tpu.memory_space<vmem>>
    %dma_wait3A_272 = tpu.memref_squeeze %dma_wait3A_271 : memref<1x1x8x128xf32, #tpu.memory_space<vmem>> -> memref<8x128xf32, #tpu.memory_space<vmem>>
    tpu.wait_dma2 semaphore(%arg9 : memref<!tpu.dma_semaphore, #tpu.memory_space<semaphore_mem>>) src(%dma_wait3A_272 : memref<8x128xf32, #tpu.memory_space<vmem>>) dst(%dma_wait3A_268 : memref<8x128xf32, #tpu.memory_space<hbm>>)
    %dma_wait3A_273 = arith.constant 3 : i32
    %dma_wait3A_274 = arith.constant 1 : i32
    %dma_wait3A_275 = arith.constant 1 : i32
    %dma_wait3A_276 = arith.constant 47 : i32
    %dma_wait3A_277 = arith.constant 1 : i32
    %dma_wait3A_278 = arith.constant 8 : i32
    %dma_wait3A_279 = arith.constant 0 : i32
    %dma_wait3A_280 = tpu.memref_slice %arg7[%dma_wait3A_273, %dma_wait3A_274, %dma_wait3A_278, %dma_wait3A_279] : memref<4x4x16x128xf32, #tpu.memory_space<vmem>> -> memref<1x1x8x128xf32, #tpu.memory_space<vmem>>
    %dma_wait3A_281 = tpu.memref_squeeze %dma_wait3A_280 : memref<1x1x8x128xf32, #tpu.memory_space<vmem>> -> memref<8x128xf32, #tpu.memory_space<vmem>>
    %dma_wait3A_282 = arith.constant 0 : i32
    %dma_wait3A_283 = arith.constant 0 : i32
    %dma_wait3A_284 = tpu.memref_slice %arg4[%dma_wait3A_275, %dma_wait3A_276, %dma_wait3A_277, %add3A, %dma_wait3A_282, %dma_wait3A_283] : memref<4x50x2x32x8x128xf32, #tpu.memory_space<hbm>> -> memref<1x1x1x1x8x128xf32, #tpu.memory_space<hbm>>
    %dma_wait3A_285 = tpu.memref_squeeze %dma_wait3A_284 : memref<1x1x1x1x8x128xf32, #tpu.memory_space<hbm>> -> memref<8x128xf32, #tpu.memory_space<hbm>>
    %dma_wait3A_286 = arith.constant 0 : i32
    %dma_wait3A_287 = arith.constant 0 : i32
    %dma_wait3A_288 = tpu.memref_slice %arg4[%dma_wait3A_275, %dma_wait3A_276, %dma_wait3A_277, %add3A, %dma_wait3A_286, %dma_wait3A_287] : memref<4x50x2x32x8x128xf32, #tpu.memory_space<hbm>> -> memref<1x1x1x1x8x128xf32, #tpu.memory_space<hbm>>
    %dma_wait3A_289 = tpu.memref_squeeze %dma_wait3A_288 : memref<1x1x1x1x8x128xf32, #tpu.memory_space<hbm>> -> memref<8x128xf32, #tpu.memory_space<hbm>>
    %dma_wait3A_290 = arith.constant 8 : i32
    %dma_wait3A_291 = arith.constant 0 : i32
    %dma_wait3A_292 = tpu.memref_slice %arg7[%dma_wait3A_273, %dma_wait3A_274, %dma_wait3A_290, %dma_wait3A_291] : memref<4x4x16x128xf32, #tpu.memory_space<vmem>> -> memref<1x1x8x128xf32, #tpu.memory_space<vmem>>
    %dma_wait3A_293 = tpu.memref_squeeze %dma_wait3A_292 : memref<1x1x8x128xf32, #tpu.memory_space<vmem>> -> memref<8x128xf32, #tpu.memory_space<vmem>>
    tpu.wait_dma2 semaphore(%arg9 : memref<!tpu.dma_semaphore, #tpu.memory_space<semaphore_mem>>) src(%dma_wait3A_293 : memref<8x128xf32, #tpu.memory_space<vmem>>) dst(%dma_wait3A_289 : memref<8x128xf32, #tpu.memory_space<hbm>>)
    %dma_wait3A_294 = arith.constant 3 : i32
    %dma_wait3A_295 = arith.constant 2 : i32
    %dma_wait3A_296 = arith.constant 2 : i32
    %dma_wait3A_297 = arith.constant 47 : i32
    %dma_wait3A_298 = arith.constant 0 : i32
    %dma_wait3A_299 = arith.constant 0 : i32
    %dma_wait3A_300 = arith.constant 0 : i32
    %dma_wait3A_301 = tpu.memref_slice %arg7[%dma_wait3A_294, %dma_wait3A_295, %dma_wait3A_299, %dma_wait3A_300] : memref<4x4x16x128xf32, #tpu.memory_space<vmem>> -> memref<1x1x8x128xf32, #tpu.memory_space<vmem>>
    %dma_wait3A_302 = tpu.memref_squeeze %dma_wait3A_301 : memref<1x1x8x128xf32, #tpu.memory_space<vmem>> -> memref<8x128xf32, #tpu.memory_space<vmem>>
    %dma_wait3A_303 = arith.constant 0 : i32
    %dma_wait3A_304 = arith.constant 0 : i32
    %dma_wait3A_305 = tpu.memref_slice %arg4[%dma_wait3A_296, %dma_wait3A_297, %dma_wait3A_298, %add3A, %dma_wait3A_303, %dma_wait3A_304] : memref<4x50x2x32x8x128xf32, #tpu.memory_space<hbm>> -> memref<1x1x1x1x8x128xf32, #tpu.memory_space<hbm>>
    %dma_wait3A_306 = tpu.memref_squeeze %dma_wait3A_305 : memref<1x1x1x1x8x128xf32, #tpu.memory_space<hbm>> -> memref<8x128xf32, #tpu.memory_space<hbm>>
    %dma_wait3A_307 = arith.constant 0 : i32
    %dma_wait3A_308 = arith.constant 0 : i32
    %dma_wait3A_309 = tpu.memref_slice %arg4[%dma_wait3A_296, %dma_wait3A_297, %dma_wait3A_298, %add3A, %dma_wait3A_307, %dma_wait3A_308] : memref<4x50x2x32x8x128xf32, #tpu.memory_space<hbm>> -> memref<1x1x1x1x8x128xf32, #tpu.memory_space<hbm>>
    %dma_wait3A_310 = tpu.memref_squeeze %dma_wait3A_309 : memref<1x1x1x1x8x128xf32, #tpu.memory_space<hbm>> -> memref<8x128xf32, #tpu.memory_space<hbm>>
    %dma_wait3A_311 = arith.constant 0 : i32
    %dma_wait3A_312 = arith.constant 0 : i32
    %dma_wait3A_313 = tpu.memref_slice %arg7[%dma_wait3A_294, %dma_wait3A_295, %dma_wait3A_311, %dma_wait3A_312] : memref<4x4x16x128xf32, #tpu.memory_space<vmem>> -> memref<1x1x8x128xf32, #tpu.memory_space<vmem>>
    %dma_wait3A_314 = tpu.memref_squeeze %dma_wait3A_313 : memref<1x1x8x128xf32, #tpu.memory_space<vmem>> -> memref<8x128xf32, #tpu.memory_space<vmem>>
    tpu.wait_dma2 semaphore(%arg9 : memref<!tpu.dma_semaphore, #tpu.memory_space<semaphore_mem>>) src(%dma_wait3A_314 : memref<8x128xf32, #tpu.memory_space<vmem>>) dst(%dma_wait3A_310 : memref<8x128xf32, #tpu.memory_space<hbm>>)
    %dma_wait3A_315 = arith.constant 3 : i32
    %dma_wait3A_316 = arith.constant 2 : i32
    %dma_wait3A_317 = arith.constant 2 : i32
    %dma_wait3A_318 = arith.constant 47 : i32
    %dma_wait3A_319 = arith.constant 1 : i32
    %dma_wait3A_320 = arith.constant 8 : i32
    %dma_wait3A_321 = arith.constant 0 : i32
    %dma_wait3A_322 = tpu.memref_slice %arg7[%dma_wait3A_315, %dma_wait3A_316, %dma_wait3A_320, %dma_wait3A_321] : memref<4x4x16x128xf32, #tpu.memory_space<vmem>> -> memref<1x1x8x128xf32, #tpu.memory_space<vmem>>
    %dma_wait3A_323 = tpu.memref_squeeze %dma_wait3A_322 : memref<1x1x8x128xf32, #tpu.memory_space<vmem>> -> memref<8x128xf32, #tpu.memory_space<vmem>>
    %dma_wait3A_324 = arith.constant 0 : i32
    %dma_wait3A_325 = arith.constant 0 : i32
    %dma_wait3A_326 = tpu.memref_slice %arg4[%dma_wait3A_317, %dma_wait3A_318, %dma_wait3A_319, %add3A, %dma_wait3A_324, %dma_wait3A_325] : memref<4x50x2x32x8x128xf32, #tpu.memory_space<hbm>> -> memref<1x1x1x1x8x128xf32, #tpu.memory_space<hbm>>
    %dma_wait3A_327 = tpu.memref_squeeze %dma_wait3A_326 : memref<1x1x1x1x8x128xf32, #tpu.memory_space<hbm>> -> memref<8x128xf32, #tpu.memory_space<hbm>>
    %dma_wait3A_328 = arith.constant 0 : i32
    %dma_wait3A_329 = arith.constant 0 : i32
    %dma_wait3A_330 = tpu.memref_slice %arg4[%dma_wait3A_317, %dma_wait3A_318, %dma_wait3A_319, %add3A, %dma_wait3A_328, %dma_wait3A_329] : memref<4x50x2x32x8x128xf32, #tpu.memory_space<hbm>> -> memref<1x1x1x1x8x128xf32, #tpu.memory_space<hbm>>
    %dma_wait3A_331 = tpu.memref_squeeze %dma_wait3A_330 : memref<1x1x1x1x8x128xf32, #tpu.memory_space<hbm>> -> memref<8x128xf32, #tpu.memory_space<hbm>>
    %dma_wait3A_332 = arith.constant 8 : i32
    %dma_wait3A_333 = arith.constant 0 : i32
    %dma_wait3A_334 = tpu.memref_slice %arg7[%dma_wait3A_315, %dma_wait3A_316, %dma_wait3A_332, %dma_wait3A_333] : memref<4x4x16x128xf32, #tpu.memory_space<vmem>> -> memref<1x1x8x128xf32, #tpu.memory_space<vmem>>
    %dma_wait3A_335 = tpu.memref_squeeze %dma_wait3A_334 : memref<1x1x8x128xf32, #tpu.memory_space<vmem>> -> memref<8x128xf32, #tpu.memory_space<vmem>>
    tpu.wait_dma2 semaphore(%arg9 : memref<!tpu.dma_semaphore, #tpu.memory_space<semaphore_mem>>) src(%dma_wait3A_335 : memref<8x128xf32, #tpu.memory_space<vmem>>) dst(%dma_wait3A_331 : memref<8x128xf32, #tpu.memory_space<hbm>>)
    %dma_wait3A_336 = arith.constant 3 : i32
    %dma_wait3A_337 = arith.constant 3 : i32
    %dma_wait3A_338 = arith.constant 3 : i32
    %dma_wait3A_339 = arith.constant 47 : i32
    %dma_wait3A_340 = arith.constant 0 : i32
    %dma_wait3A_341 = arith.constant 0 : i32
    %dma_wait3A_342 = arith.constant 0 : i32
    %dma_wait3A_343 = tpu.memref_slice %arg7[%dma_wait3A_336, %dma_wait3A_337, %dma_wait3A_341, %dma_wait3A_342] : memref<4x4x16x128xf32, #tpu.memory_space<vmem>> -> memref<1x1x8x128xf32, #tpu.memory_space<vmem>>
    %dma_wait3A_344 = tpu.memref_squeeze %dma_wait3A_343 : memref<1x1x8x128xf32, #tpu.memory_space<vmem>> -> memref<8x128xf32, #tpu.memory_space<vmem>>
    %dma_wait3A_345 = arith.constant 0 : i32
    %dma_wait3A_346 = arith.constant 0 : i32
    %dma_wait3A_347 = tpu.memref_slice %arg4[%dma_wait3A_338, %dma_wait3A_339, %dma_wait3A_340, %add3A, %dma_wait3A_345, %dma_wait3A_346] : memref<4x50x2x32x8x128xf32, #tpu.memory_space<hbm>> -> memref<1x1x1x1x8x128xf32, #tpu.memory_space<hbm>>
    %dma_wait3A_348 = tpu.memref_squeeze %dma_wait3A_347 : memref<1x1x1x1x8x128xf32, #tpu.memory_space<hbm>> -> memref<8x128xf32, #tpu.memory_space<hbm>>
    %dma_wait3A_349 = arith.constant 0 : i32
    %dma_wait3A_350 = arith.constant 0 : i32
    %dma_wait3A_351 = tpu.memref_slice %arg4[%dma_wait3A_338, %dma_wait3A_339, %dma_wait3A_340, %add3A, %dma_wait3A_349, %dma_wait3A_350] : memref<4x50x2x32x8x128xf32, #tpu.memory_space<hbm>> -> memref<1x1x1x1x8x128xf32, #tpu.memory_space<hbm>>
    %dma_wait3A_352 = tpu.memref_squeeze %dma_wait3A_351 : memref<1x1x1x1x8x128xf32, #tpu.memory_space<hbm>> -> memref<8x128xf32, #tpu.memory_space<hbm>>
    %dma_wait3A_353 = arith.constant 0 : i32
    %dma_wait3A_354 = arith.constant 0 : i32
    %dma_wait3A_355 = tpu.memref_slice %arg7[%dma_wait3A_336, %dma_wait3A_337, %dma_wait3A_353, %dma_wait3A_354] : memref<4x4x16x128xf32, #tpu.memory_space<vmem>> -> memref<1x1x8x128xf32, #tpu.memory_space<vmem>>
    %dma_wait3A_356 = tpu.memref_squeeze %dma_wait3A_355 : memref<1x1x8x128xf32, #tpu.memory_space<vmem>> -> memref<8x128xf32, #tpu.memory_space<vmem>>
    tpu.wait_dma2 semaphore(%arg9 : memref<!tpu.dma_semaphore, #tpu.memory_space<semaphore_mem>>) src(%dma_wait3A_356 : memref<8x128xf32, #tpu.memory_space<vmem>>) dst(%dma_wait3A_352 : memref<8x128xf32, #tpu.memory_space<hbm>>)
    %dma_wait3A_357 = arith.constant 3 : i32
    %dma_wait3A_358 = arith.constant 3 : i32
    %dma_wait3A_359 = arith.constant 3 : i32
    %dma_wait3A_360 = arith.constant 47 : i32
    %dma_wait3A_361 = arith.constant 1 : i32
    %dma_wait3A_362 = arith.constant 8 : i32
    %dma_wait3A_363 = arith.constant 0 : i32
    %dma_wait3A_364 = tpu.memref_slice %arg7[%dma_wait3A_357, %dma_wait3A_358, %dma_wait3A_362, %dma_wait3A_363] : memref<4x4x16x128xf32, #tpu.memory_space<vmem>> -> memref<1x1x8x128xf32, #tpu.memory_space<vmem>>
    %dma_wait3A_365 = tpu.memref_squeeze %dma_wait3A_364 : memref<1x1x8x128xf32, #tpu.memory_space<vmem>> -> memref<8x128xf32, #tpu.memory_space<vmem>>
    %dma_wait3A_366 = arith.constant 0 : i32
    %dma_wait3A_367 = arith.constant 0 : i32
    %dma_wait3A_368 = tpu.memref_slice %arg4[%dma_wait3A_359, %dma_wait3A_360, %dma_wait3A_361, %add3A, %dma_wait3A_366, %dma_wait3A_367] : memref<4x50x2x32x8x128xf32, #tpu.memory_space<hbm>> -> memref<1x1x1x1x8x128xf32, #tpu.memory_space<hbm>>
    %dma_wait3A_369 = tpu.memref_squeeze %dma_wait3A_368 : memref<1x1x1x1x8x128xf32, #tpu.memory_space<hbm>> -> memref<8x128xf32, #tpu.memory_space<hbm>>
    %dma_wait3A_370 = arith.constant 0 : i32
    %dma_wait3A_371 = arith.constant 0 : i32
    %dma_wait3A_372 = tpu.memref_slice %arg4[%dma_wait3A_359, %dma_wait3A_360, %dma_wait3A_361, %add3A, %dma_wait3A_370, %dma_wait3A_371] : memref<4x50x2x32x8x128xf32, #tpu.memory_space<hbm>> -> memref<1x1x1x1x8x128xf32, #tpu.memory_space<hbm>>
    %dma_wait3A_373 = tpu.memref_squeeze %dma_wait3A_372 : memref<1x1x1x1x8x128xf32, #tpu.memory_space<hbm>> -> memref<8x128xf32, #tpu.memory_space<hbm>>
    %dma_wait3A_374 = arith.constant 8 : i32
    %dma_wait3A_375 = arith.constant 0 : i32
    %dma_wait3A_376 = tpu.memref_slice %arg7[%dma_wait3A_357, %dma_wait3A_358, %dma_wait3A_374, %dma_wait3A_375] : memref<4x4x16x128xf32, #tpu.memory_space<vmem>> -> memref<1x1x8x128xf32, #tpu.memory_space<vmem>>
    %dma_wait3A_377 = tpu.memref_squeeze %dma_wait3A_376 : memref<1x1x8x128xf32, #tpu.memory_space<vmem>> -> memref<8x128xf32, #tpu.memory_space<vmem>>
    tpu.wait_dma2 semaphore(%arg9 : memref<!tpu.dma_semaphore, #tpu.memory_space<semaphore_mem>>) src(%dma_wait3A_377 : memref<8x128xf32, #tpu.memory_space<vmem>>) dst(%dma_wait3A_373 : memref<8x128xf32, #tpu.memory_space<hbm>>)
    %dma_wait3A_378 = arith.constant 0 : i32
    %dma_wait3A_379 = arith.constant 0 : i32
    %dma_wait3A_380 = arith.constant 0 : i32
    %dma_wait3A_381 = arith.constant 48 : i32
    %dma_wait3A_382 = arith.constant 0 : i32
    %dma_wait3A_383 = arith.constant 0 : i32
    %dma_wait3A_384 = arith.constant 0 : i32
    %dma_wait3A_385 = tpu.memref_slice %arg7[%dma_wait3A_378, %dma_wait3A_379, %dma_wait3A_383, %dma_wait3A_384] : memref<4x4x16x128xf32, #tpu.memory_space<vmem>> -> memref<1x1x8x128xf32, #tpu.memory_space<vmem>>
    %dma_wait3A_386 = tpu.memref_squeeze %dma_wait3A_385 : memref<1x1x8x128xf32, #tpu.memory_space<vmem>> -> memref<8x128xf32, #tpu.memory_space<vmem>>
    %dma_wait3A_387 = arith.constant 0 : i32
    %dma_wait3A_388 = arith.constant 0 : i32
    %dma_wait3A_389 = tpu.memref_slice %arg4[%dma_wait3A_380, %dma_wait3A_381, %dma_wait3A_382, %add3A, %dma_wait3A_387, %dma_wait3A_388] : memref<4x50x2x32x8x128xf32, #tpu.memory_space<hbm>> -> memref<1x1x1x1x8x128xf32, #tpu.memory_space<hbm>>
    %dma_wait3A_390 = tpu.memref_squeeze %dma_wait3A_389 : memref<1x1x1x1x8x128xf32, #tpu.memory_space<hbm>> -> memref<8x128xf32, #tpu.memory_space<hbm>>
    %dma_wait3A_391 = arith.constant 0 : i32
    %dma_wait3A_392 = arith.constant 0 : i32
    %dma_wait3A_393 = tpu.memref_slice %arg4[%dma_wait3A_380, %dma_wait3A_381, %dma_wait3A_382, %add3A, %dma_wait3A_391, %dma_wait3A_392] : memref<4x50x2x32x8x128xf32, #tpu.memory_space<hbm>> -> memref<1x1x1x1x8x128xf32, #tpu.memory_space<hbm>>
    %dma_wait3A_394 = tpu.memref_squeeze %dma_wait3A_393 : memref<1x1x1x1x8x128xf32, #tpu.memory_space<hbm>> -> memref<8x128xf32, #tpu.memory_space<hbm>>
    %dma_wait3A_395 = arith.constant 0 : i32
    %dma_wait3A_396 = arith.constant 0 : i32
    %dma_wait3A_397 = tpu.memref_slice %arg7[%dma_wait3A_378, %dma_wait3A_379, %dma_wait3A_395, %dma_wait3A_396] : memref<4x4x16x128xf32, #tpu.memory_space<vmem>> -> memref<1x1x8x128xf32, #tpu.memory_space<vmem>>
    %dma_wait3A_398 = tpu.memref_squeeze %dma_wait3A_397 : memref<1x1x8x128xf32, #tpu.memory_space<vmem>> -> memref<8x128xf32, #tpu.memory_space<vmem>>
    tpu.wait_dma2 semaphore(%arg9 : memref<!tpu.dma_semaphore, #tpu.memory_space<semaphore_mem>>) src(%dma_wait3A_398 : memref<8x128xf32, #tpu.memory_space<vmem>>) dst(%dma_wait3A_394 : memref<8x128xf32, #tpu.memory_space<hbm>>)
    %dma_wait3A_399 = arith.constant 0 : i32
    %dma_wait3A_400 = arith.constant 0 : i32
    %dma_wait3A_401 = arith.constant 0 : i32
    %dma_wait3A_402 = arith.constant 48 : i32
    %dma_wait3A_403 = arith.constant 1 : i32
    %dma_wait3A_404 = arith.constant 8 : i32
    %dma_wait3A_405 = arith.constant 0 : i32
    %dma_wait3A_406 = tpu.memref_slice %arg7[%dma_wait3A_399, %dma_wait3A_400, %dma_wait3A_404, %dma_wait3A_405] : memref<4x4x16x128xf32, #tpu.memory_space<vmem>> -> memref<1x1x8x128xf32, #tpu.memory_space<vmem>>
    %dma_wait3A_407 = tpu.memref_squeeze %dma_wait3A_406 : memref<1x1x8x128xf32, #tpu.memory_space<vmem>> -> memref<8x128xf32, #tpu.memory_space<vmem>>
    %dma_wait3A_408 = arith.constant 0 : i32
    %dma_wait3A_409 = arith.constant 0 : i32
    %dma_wait3A_410 = tpu.memref_slice %arg4[%dma_wait3A_401, %dma_wait3A_402, %dma_wait3A_403, %add3A, %dma_wait3A_408, %dma_wait3A_409] : memref<4x50x2x32x8x128xf32, #tpu.memory_space<hbm>> -> memref<1x1x1x1x8x128xf32, #tpu.memory_space<hbm>>
    %dma_wait3A_411 = tpu.memref_squeeze %dma_wait3A_410 : memref<1x1x1x1x8x128xf32, #tpu.memory_space<hbm>> -> memref<8x128xf32, #tpu.memory_space<hbm>>
    %dma_wait3A_412 = arith.constant 0 : i32
    %dma_wait3A_413 = arith.constant 0 : i32
    %dma_wait3A_414 = tpu.memref_slice %arg4[%dma_wait3A_401, %dma_wait3A_402, %dma_wait3A_403, %add3A, %dma_wait3A_412, %dma_wait3A_413] : memref<4x50x2x32x8x128xf32, #tpu.memory_space<hbm>> -> memref<1x1x1x1x8x128xf32, #tpu.memory_space<hbm>>
    %dma_wait3A_415 = tpu.memref_squeeze %dma_wait3A_414 : memref<1x1x1x1x8x128xf32, #tpu.memory_space<hbm>> -> memref<8x128xf32, #tpu.memory_space<hbm>>
    %dma_wait3A_416 = arith.constant 8 : i32
    %dma_wait3A_417 = arith.constant 0 : i32
    %dma_wait3A_418 = tpu.memref_slice %arg7[%dma_wait3A_399, %dma_wait3A_400, %dma_wait3A_416, %dma_wait3A_417] : memref<4x4x16x128xf32, #tpu.memory_space<vmem>> -> memref<1x1x8x128xf32, #tpu.memory_space<vmem>>
    %dma_wait3A_419 = tpu.memref_squeeze %dma_wait3A_418 : memref<1x1x8x128xf32, #tpu.memory_space<vmem>> -> memref<8x128xf32, #tpu.memory_space<vmem>>
    tpu.wait_dma2 semaphore(%arg9 : memref<!tpu.dma_semaphore, #tpu.memory_space<semaphore_mem>>) src(%dma_wait3A_419 : memref<8x128xf32, #tpu.memory_space<vmem>>) dst(%dma_wait3A_415 : memref<8x128xf32, #tpu.memory_space<hbm>>)
    %dma_wait3A_420 = arith.constant 0 : i32
    %dma_wait3A_421 = arith.constant 1 : i32
    %dma_wait3A_422 = arith.constant 1 : i32
    %dma_wait3A_423 = arith.constant 48 : i32
    %dma_wait3A_424 = arith.constant 0 : i32
    %dma_wait3A_425 = arith.constant 0 : i32
    %dma_wait3A_426 = arith.constant 0 : i32
    %dma_wait3A_427 = tpu.memref_slice %arg7[%dma_wait3A_420, %dma_wait3A_421, %dma_wait3A_425, %dma_wait3A_426] : memref<4x4x16x128xf32, #tpu.memory_space<vmem>> -> memref<1x1x8x128xf32, #tpu.memory_space<vmem>>
    %dma_wait3A_428 = tpu.memref_squeeze %dma_wait3A_427 : memref<1x1x8x128xf32, #tpu.memory_space<vmem>> -> memref<8x128xf32, #tpu.memory_space<vmem>>
    %dma_wait3A_429 = arith.constant 0 : i32
    %dma_wait3A_430 = arith.constant 0 : i32
    %dma_wait3A_431 = tpu.memref_slice %arg4[%dma_wait3A_422, %dma_wait3A_423, %dma_wait3A_424, %add3A, %dma_wait3A_429, %dma_wait3A_430] : memref<4x50x2x32x8x128xf32, #tpu.memory_space<hbm>> -> memref<1x1x1x1x8x128xf32, #tpu.memory_space<hbm>>
    %dma_wait3A_432 = tpu.memref_squeeze %dma_wait3A_431 : memref<1x1x1x1x8x128xf32, #tpu.memory_space<hbm>> -> memref<8x128xf32, #tpu.memory_space<hbm>>
    %dma_wait3A_433 = arith.constant 0 : i32
    %dma_wait3A_434 = arith.constant 0 : i32
    %dma_wait3A_435 = tpu.memref_slice %arg4[%dma_wait3A_422, %dma_wait3A_423, %dma_wait3A_424, %add3A, %dma_wait3A_433, %dma_wait3A_434] : memref<4x50x2x32x8x128xf32, #tpu.memory_space<hbm>> -> memref<1x1x1x1x8x128xf32, #tpu.memory_space<hbm>>
    %dma_wait3A_436 = tpu.memref_squeeze %dma_wait3A_435 : memref<1x1x1x1x8x128xf32, #tpu.memory_space<hbm>> -> memref<8x128xf32, #tpu.memory_space<hbm>>
    %dma_wait3A_437 = arith.constant 0 : i32
    %dma_wait3A_438 = arith.constant 0 : i32
    %dma_wait3A_439 = tpu.memref_slice %arg7[%dma_wait3A_420, %dma_wait3A_421, %dma_wait3A_437, %dma_wait3A_438] : memref<4x4x16x128xf32, #tpu.memory_space<vmem>> -> memref<1x1x8x128xf32, #tpu.memory_space<vmem>>
    %dma_wait3A_440 = tpu.memref_squeeze %dma_wait3A_439 : memref<1x1x8x128xf32, #tpu.memory_space<vmem>> -> memref<8x128xf32, #tpu.memory_space<vmem>>
    tpu.wait_dma2 semaphore(%arg9 : memref<!tpu.dma_semaphore, #tpu.memory_space<semaphore_mem>>) src(%dma_wait3A_440 : memref<8x128xf32, #tpu.memory_space<vmem>>) dst(%dma_wait3A_436 : memref<8x128xf32, #tpu.memory_space<hbm>>)
    %dma_wait3A_441 = arith.constant 0 : i32
    %dma_wait3A_442 = arith.constant 1 : i32
    %dma_wait3A_443 = arith.constant 1 : i32
    %dma_wait3A_444 = arith.constant 48 : i32
    %dma_wait3A_445 = arith.constant 1 : i32
    %dma_wait3A_446 = arith.constant 8 : i32
    %dma_wait3A_447 = arith.constant 0 : i32
    %dma_wait3A_448 = tpu.memref_slice %arg7[%dma_wait3A_441, %dma_wait3A_442, %dma_wait3A_446, %dma_wait3A_447] : memref<4x4x16x128xf32, #tpu.memory_space<vmem>> -> memref<1x1x8x128xf32, #tpu.memory_space<vmem>>
    %dma_wait3A_449 = tpu.memref_squeeze %dma_wait3A_448 : memref<1x1x8x128xf32, #tpu.memory_space<vmem>> -> memref<8x128xf32, #tpu.memory_space<vmem>>
    %dma_wait3A_450 = arith.constant 0 : i32
    %dma_wait3A_451 = arith.constant 0 : i32
    %dma_wait3A_452 = tpu.memref_slice %arg4[%dma_wait3A_443, %dma_wait3A_444, %dma_wait3A_445, %add3A, %dma_wait3A_450, %dma_wait3A_451] : memref<4x50x2x32x8x128xf32, #tpu.memory_space<hbm>> -> memref<1x1x1x1x8x128xf32, #tpu.memory_space<hbm>>
    %dma_wait3A_453 = tpu.memref_squeeze %dma_wait3A_452 : memref<1x1x1x1x8x128xf32, #tpu.memory_space<hbm>> -> memref<8x128xf32, #tpu.memory_space<hbm>>
    %dma_wait3A_454 = arith.constant 0 : i32
    %dma_wait3A_455 = arith.constant 0 : i32
    %dma_wait3A_456 = tpu.memref_slice %arg4[%dma_wait3A_443, %dma_wait3A_444, %dma_wait3A_445, %add3A, %dma_wait3A_454, %dma_wait3A_455] : memref<4x50x2x32x8x128xf32, #tpu.memory_space<hbm>> -> memref<1x1x1x1x8x128xf32, #tpu.memory_space<hbm>>
    %dma_wait3A_457 = tpu.memref_squeeze %dma_wait3A_456 : memref<1x1x1x1x8x128xf32, #tpu.memory_space<hbm>> -> memref<8x128xf32, #tpu.memory_space<hbm>>
    %dma_wait3A_458 = arith.constant 8 : i32
    %dma_wait3A_459 = arith.constant 0 : i32
    %dma_wait3A_460 = tpu.memref_slice %arg7[%dma_wait3A_441, %dma_wait3A_442, %dma_wait3A_458, %dma_wait3A_459] : memref<4x4x16x128xf32, #tpu.memory_space<vmem>> -> memref<1x1x8x128xf32, #tpu.memory_space<vmem>>
    %dma_wait3A_461 = tpu.memref_squeeze %dma_wait3A_460 : memref<1x1x8x128xf32, #tpu.memory_space<vmem>> -> memref<8x128xf32, #tpu.memory_space<vmem>>
    tpu.wait_dma2 semaphore(%arg9 : memref<!tpu.dma_semaphore, #tpu.memory_space<semaphore_mem>>) src(%dma_wait3A_461 : memref<8x128xf32, #tpu.memory_space<vmem>>) dst(%dma_wait3A_457 : memref<8x128xf32, #tpu.memory_space<hbm>>)
    %dma_wait3A_462 = arith.constant 0 : i32
    %dma_wait3A_463 = arith.constant 2 : i32
    %dma_wait3A_464 = arith.constant 2 : i32
    %dma_wait3A_465 = arith.constant 48 : i32
    %dma_wait3A_466 = arith.constant 0 : i32
    %dma_wait3A_467 = arith.constant 0 : i32
    %dma_wait3A_468 = arith.constant 0 : i32
    %dma_wait3A_469 = tpu.memref_slice %arg7[%dma_wait3A_462, %dma_wait3A_463, %dma_wait3A_467, %dma_wait3A_468] : memref<4x4x16x128xf32, #tpu.memory_space<vmem>> -> memref<1x1x8x128xf32, #tpu.memory_space<vmem>>
    %dma_wait3A_470 = tpu.memref_squeeze %dma_wait3A_469 : memref<1x1x8x128xf32, #tpu.memory_space<vmem>> -> memref<8x128xf32, #tpu.memory_space<vmem>>
    %dma_wait3A_471 = arith.constant 0 : i32
    %dma_wait3A_472 = arith.constant 0 : i32
    %dma_wait3A_473 = tpu.memref_slice %arg4[%dma_wait3A_464, %dma_wait3A_465, %dma_wait3A_466, %add3A, %dma_wait3A_471, %dma_wait3A_472] : memref<4x50x2x32x8x128xf32, #tpu.memory_space<hbm>> -> memref<1x1x1x1x8x128xf32, #tpu.memory_space<hbm>>
    %dma_wait3A_474 = tpu.memref_squeeze %dma_wait3A_473 : memref<1x1x1x1x8x128xf32, #tpu.memory_space<hbm>> -> memref<8x128xf32, #tpu.memory_space<hbm>>
    %dma_wait3A_475 = arith.constant 0 : i32
    %dma_wait3A_476 = arith.constant 0 : i32
    %dma_wait3A_477 = tpu.memref_slice %arg4[%dma_wait3A_464, %dma_wait3A_465, %dma_wait3A_466, %add3A, %dma_wait3A_475, %dma_wait3A_476] : memref<4x50x2x32x8x128xf32, #tpu.memory_space<hbm>> -> memref<1x1x1x1x8x128xf32, #tpu.memory_space<hbm>>
    %dma_wait3A_478 = tpu.memref_squeeze %dma_wait3A_477 : memref<1x1x1x1x8x128xf32, #tpu.memory_space<hbm>> -> memref<8x128xf32, #tpu.memory_space<hbm>>
    %dma_wait3A_479 = arith.constant 0 : i32
    %dma_wait3A_480 = arith.constant 0 : i32
    %dma_wait3A_481 = tpu.memref_slice %arg7[%dma_wait3A_462, %dma_wait3A_463, %dma_wait3A_479, %dma_wait3A_480] : memref<4x4x16x128xf32, #tpu.memory_space<vmem>> -> memref<1x1x8x128xf32, #tpu.memory_space<vmem>>
    %dma_wait3A_482 = tpu.memref_squeeze %dma_wait3A_481 : memref<1x1x8x128xf32, #tpu.memory_space<vmem>> -> memref<8x128xf32, #tpu.memory_space<vmem>>
    tpu.wait_dma2 semaphore(%arg9 : memref<!tpu.dma_semaphore, #tpu.memory_space<semaphore_mem>>) src(%dma_wait3A_482 : memref<8x128xf32, #tpu.memory_space<vmem>>) dst(%dma_wait3A_478 : memref<8x128xf32, #tpu.memory_space<hbm>>)
    %dma_wait3A_483 = arith.constant 0 : i32
    %dma_wait3A_484 = arith.constant 2 : i32
    %dma_wait3A_485 = arith.constant 2 : i32
    %dma_wait3A_486 = arith.constant 48 : i32
    %dma_wait3A_487 = arith.constant 1 : i32
    %dma_wait3A_488 = arith.constant 8 : i32
    %dma_wait3A_489 = arith.constant 0 : i32
    %dma_wait3A_490 = tpu.memref_slice %arg7[%dma_wait3A_483, %dma_wait3A_484, %dma_wait3A_488, %dma_wait3A_489] : memref<4x4x16x128xf32, #tpu.memory_space<vmem>> -> memref<1x1x8x128xf32, #tpu.memory_space<vmem>>
    %dma_wait3A_491 = tpu.memref_squeeze %dma_wait3A_490 : memref<1x1x8x128xf32, #tpu.memory_space<vmem>> -> memref<8x128xf32, #tpu.memory_space<vmem>>
    %dma_wait3A_492 = arith.constant 0 : i32
    %dma_wait3A_493 = arith.constant 0 : i32
    %dma_wait3A_494 = tpu.memref_slice %arg4[%dma_wait3A_485, %dma_wait3A_486, %dma_wait3A_487, %add3A, %dma_wait3A_492, %dma_wait3A_493] : memref<4x50x2x32x8x128xf32, #tpu.memory_space<hbm>> -> memref<1x1x1x1x8x128xf32, #tpu.memory_space<hbm>>
    %dma_wait3A_495 = tpu.memref_squeeze %dma_wait3A_494 : memref<1x1x1x1x8x128xf32, #tpu.memory_space<hbm>> -> memref<8x128xf32, #tpu.memory_space<hbm>>
    %dma_wait3A_496 = arith.constant 0 : i32
    %dma_wait3A_497 = arith.constant 0 : i32
    %dma_wait3A_498 = tpu.memref_slice %arg4[%dma_wait3A_485, %dma_wait3A_486, %dma_wait3A_487, %add3A, %dma_wait3A_496, %dma_wait3A_497] : memref<4x50x2x32x8x128xf32, #tpu.memory_space<hbm>> -> memref<1x1x1x1x8x128xf32, #tpu.memory_space<hbm>>
    %dma_wait3A_499 = tpu.memref_squeeze %dma_wait3A_498 : memref<1x1x1x1x8x128xf32, #tpu.memory_space<hbm>> -> memref<8x128xf32, #tpu.memory_space<hbm>>
    %dma_wait3A_500 = arith.constant 8 : i32
    %dma_wait3A_501 = arith.constant 0 : i32
    %dma_wait3A_502 = tpu.memref_slice %arg7[%dma_wait3A_483, %dma_wait3A_484, %dma_wait3A_500, %dma_wait3A_501] : memref<4x4x16x128xf32, #tpu.memory_space<vmem>> -> memref<1x1x8x128xf32, #tpu.memory_space<vmem>>
    %dma_wait3A_503 = tpu.memref_squeeze %dma_wait3A_502 : memref<1x1x8x128xf32, #tpu.memory_space<vmem>> -> memref<8x128xf32, #tpu.memory_space<vmem>>
    tpu.wait_dma2 semaphore(%arg9 : memref<!tpu.dma_semaphore, #tpu.memory_space<semaphore_mem>>) src(%dma_wait3A_503 : memref<8x128xf32, #tpu.memory_space<vmem>>) dst(%dma_wait3A_499 : memref<8x128xf32, #tpu.memory_space<hbm>>)
    %dma_wait3A_504 = arith.constant 0 : i32
    %dma_wait3A_505 = arith.constant 3 : i32
    %dma_wait3A_506 = arith.constant 3 : i32
    %dma_wait3A_507 = arith.constant 48 : i32
    %dma_wait3A_508 = arith.constant 0 : i32
    %dma_wait3A_509 = arith.constant 0 : i32
    %dma_wait3A_510 = arith.constant 0 : i32
    %dma_wait3A_511 = tpu.memref_slice %arg7[%dma_wait3A_504, %dma_wait3A_505, %dma_wait3A_509, %dma_wait3A_510] : memref<4x4x16x128xf32, #tpu.memory_space<vmem>> -> memref<1x1x8x128xf32, #tpu.memory_space<vmem>>
    %dma_wait3A_512 = tpu.memref_squeeze %dma_wait3A_511 : memref<1x1x8x128xf32, #tpu.memory_space<vmem>> -> memref<8x128xf32, #tpu.memory_space<vmem>>
    %dma_wait3A_513 = arith.constant 0 : i32
    %dma_wait3A_514 = arith.constant 0 : i32
    %dma_wait3A_515 = tpu.memref_slice %arg4[%dma_wait3A_506, %dma_wait3A_507, %dma_wait3A_508, %add3A, %dma_wait3A_513, %dma_wait3A_514] : memref<4x50x2x32x8x128xf32, #tpu.memory_space<hbm>> -> memref<1x1x1x1x8x128xf32, #tpu.memory_space<hbm>>
    %dma_wait3A_516 = tpu.memref_squeeze %dma_wait3A_515 : memref<1x1x1x1x8x128xf32, #tpu.memory_space<hbm>> -> memref<8x128xf32, #tpu.memory_space<hbm>>
    %dma_wait3A_517 = arith.constant 0 : i32
    %dma_wait3A_518 = arith.constant 0 : i32
    %dma_wait3A_519 = tpu.memref_slice %arg4[%dma_wait3A_506, %dma_wait3A_507, %dma_wait3A_508, %add3A, %dma_wait3A_517, %dma_wait3A_518] : memref<4x50x2x32x8x128xf32, #tpu.memory_space<hbm>> -> memref<1x1x1x1x8x128xf32, #tpu.memory_space<hbm>>
    %dma_wait3A_520 = tpu.memref_squeeze %dma_wait3A_519 : memref<1x1x1x1x8x128xf32, #tpu.memory_space<hbm>> -> memref<8x128xf32, #tpu.memory_space<hbm>>
    %dma_wait3A_521 = arith.constant 0 : i32
    %dma_wait3A_522 = arith.constant 0 : i32
    %dma_wait3A_523 = tpu.memref_slice %arg7[%dma_wait3A_504, %dma_wait3A_505, %dma_wait3A_521, %dma_wait3A_522] : memref<4x4x16x128xf32, #tpu.memory_space<vmem>> -> memref<1x1x8x128xf32, #tpu.memory_space<vmem>>
    %dma_wait3A_524 = tpu.memref_squeeze %dma_wait3A_523 : memref<1x1x8x128xf32, #tpu.memory_space<vmem>> -> memref<8x128xf32, #tpu.memory_space<vmem>>
    tpu.wait_dma2 semaphore(%arg9 : memref<!tpu.dma_semaphore, #tpu.memory_space<semaphore_mem>>) src(%dma_wait3A_524 : memref<8x128xf32, #tpu.memory_space<vmem>>) dst(%dma_wait3A_520 : memref<8x128xf32, #tpu.memory_space<hbm>>)
    %dma_wait3A_525 = arith.constant 0 : i32
    %dma_wait3A_526 = arith.constant 3 : i32
    %dma_wait3A_527 = arith.constant 3 : i32
    %dma_wait3A_528 = arith.constant 48 : i32
    %dma_wait3A_529 = arith.constant 1 : i32
    %dma_wait3A_530 = arith.constant 8 : i32
    %dma_wait3A_531 = arith.constant 0 : i32
    %dma_wait3A_532 = tpu.memref_slice %arg7[%dma_wait3A_525, %dma_wait3A_526, %dma_wait3A_530, %dma_wait3A_531] : memref<4x4x16x128xf32, #tpu.memory_space<vmem>> -> memref<1x1x8x128xf32, #tpu.memory_space<vmem>>
    %dma_wait3A_533 = tpu.memref_squeeze %dma_wait3A_532 : memref<1x1x8x128xf32, #tpu.memory_space<vmem>> -> memref<8x128xf32, #tpu.memory_space<vmem>>
    %dma_wait3A_534 = arith.constant 0 : i32
    %dma_wait3A_535 = arith.constant 0 : i32
    %dma_wait3A_536 = tpu.memref_slice %arg4[%dma_wait3A_527, %dma_wait3A_528, %dma_wait3A_529, %add3A, %dma_wait3A_534, %dma_wait3A_535] : memref<4x50x2x32x8x128xf32, #tpu.memory_space<hbm>> -> memref<1x1x1x1x8x128xf32, #tpu.memory_space<hbm>>
    %dma_wait3A_537 = tpu.memref_squeeze %dma_wait3A_536 : memref<1x1x1x1x8x128xf32, #tpu.memory_space<hbm>> -> memref<8x128xf32, #tpu.memory_space<hbm>>
    %dma_wait3A_538 = arith.constant 0 : i32
    %dma_wait3A_539 = arith.constant 0 : i32
    %dma_wait3A_540 = tpu.memref_slice %arg4[%dma_wait3A_527, %dma_wait3A_528, %dma_wait3A_529, %add3A, %dma_wait3A_538, %dma_wait3A_539] : memref<4x50x2x32x8x128xf32, #tpu.memory_space<hbm>> -> memref<1x1x1x1x8x128xf32, #tpu.memory_space<hbm>>
    %dma_wait3A_541 = tpu.memref_squeeze %dma_wait3A_540 : memref<1x1x1x1x8x128xf32, #tpu.memory_space<hbm>> -> memref<8x128xf32, #tpu.memory_space<hbm>>
    %dma_wait3A_542 = arith.constant 8 : i32
    %dma_wait3A_543 = arith.constant 0 : i32
    %dma_wait3A_544 = tpu.memref_slice %arg7[%dma_wait3A_525, %dma_wait3A_526, %dma_wait3A_542, %dma_wait3A_543] : memref<4x4x16x128xf32, #tpu.memory_space<vmem>> -> memref<1x1x8x128xf32, #tpu.memory_space<vmem>>
    %dma_wait3A_545 = tpu.memref_squeeze %dma_wait3A_544 : memref<1x1x8x128xf32, #tpu.memory_space<vmem>> -> memref<8x128xf32, #tpu.memory_space<vmem>>
    tpu.wait_dma2 semaphore(%arg9 : memref<!tpu.dma_semaphore, #tpu.memory_space<semaphore_mem>>) src(%dma_wait3A_545 : memref<8x128xf32, #tpu.memory_space<vmem>>) dst(%dma_wait3A_541 : memref<8x128xf32, #tpu.memory_space<hbm>>)
    %dma_wait3A_546 = arith.constant 1 : i32
    %dma_wait3A_547 = arith.constant 0 : i32
    %dma_wait3A_548 = arith.constant 0 : i32
    %dma_wait3A_549 = arith.constant 49 : i32
    %dma_wait3A_550 = arith.constant 0 : i32
    %dma_wait3A_551 = arith.constant 0 : i32
    %dma_wait3A_552 = arith.constant 0 : i32
    %dma_wait3A_553 = tpu.memref_slice %arg7[%dma_wait3A_546, %dma_wait3A_547, %dma_wait3A_551, %dma_wait3A_552] : memref<4x4x16x128xf32, #tpu.memory_space<vmem>> -> memref<1x1x8x128xf32, #tpu.memory_space<vmem>>
    %dma_wait3A_554 = tpu.memref_squeeze %dma_wait3A_553 : memref<1x1x8x128xf32, #tpu.memory_space<vmem>> -> memref<8x128xf32, #tpu.memory_space<vmem>>
    %dma_wait3A_555 = arith.constant 0 : i32
    %dma_wait3A_556 = arith.constant 0 : i32
    %dma_wait3A_557 = tpu.memref_slice %arg4[%dma_wait3A_548, %dma_wait3A_549, %dma_wait3A_550, %add3A, %dma_wait3A_555, %dma_wait3A_556] : memref<4x50x2x32x8x128xf32, #tpu.memory_space<hbm>> -> memref<1x1x1x1x8x128xf32, #tpu.memory_space<hbm>>
    %dma_wait3A_558 = tpu.memref_squeeze %dma_wait3A_557 : memref<1x1x1x1x8x128xf32, #tpu.memory_space<hbm>> -> memref<8x128xf32, #tpu.memory_space<hbm>>
    %dma_wait3A_559 = arith.constant 0 : i32
    %dma_wait3A_560 = arith.constant 0 : i32
    %dma_wait3A_561 = tpu.memref_slice %arg4[%dma_wait3A_548, %dma_wait3A_549, %dma_wait3A_550, %add3A, %dma_wait3A_559, %dma_wait3A_560] : memref<4x50x2x32x8x128xf32, #tpu.memory_space<hbm>> -> memref<1x1x1x1x8x128xf32, #tpu.memory_space<hbm>>
    %dma_wait3A_562 = tpu.memref_squeeze %dma_wait3A_561 : memref<1x1x1x1x8x128xf32, #tpu.memory_space<hbm>> -> memref<8x128xf32, #tpu.memory_space<hbm>>
    %dma_wait3A_563 = arith.constant 0 : i32
    %dma_wait3A_564 = arith.constant 0 : i32
    %dma_wait3A_565 = tpu.memref_slice %arg7[%dma_wait3A_546, %dma_wait3A_547, %dma_wait3A_563, %dma_wait3A_564] : memref<4x4x16x128xf32, #tpu.memory_space<vmem>> -> memref<1x1x8x128xf32, #tpu.memory_space<vmem>>
    %dma_wait3A_566 = tpu.memref_squeeze %dma_wait3A_565 : memref<1x1x8x128xf32, #tpu.memory_space<vmem>> -> memref<8x128xf32, #tpu.memory_space<vmem>>
    tpu.wait_dma2 semaphore(%arg9 : memref<!tpu.dma_semaphore, #tpu.memory_space<semaphore_mem>>) src(%dma_wait3A_566 : memref<8x128xf32, #tpu.memory_space<vmem>>) dst(%dma_wait3A_562 : memref<8x128xf32, #tpu.memory_space<hbm>>)
    %dma_wait3A_567 = arith.constant 1 : i32
    %dma_wait3A_568 = arith.constant 0 : i32
    %dma_wait3A_569 = arith.constant 0 : i32
    %dma_wait3A_570 = arith.constant 49 : i32
    %dma_wait3A_571 = arith.constant 1 : i32
    %dma_wait3A_572 = arith.constant 8 : i32
    %dma_wait3A_573 = arith.constant 0 : i32
    %dma_wait3A_574 = tpu.memref_slice %arg7[%dma_wait3A_567, %dma_wait3A_568, %dma_wait3A_572, %dma_wait3A_573] : memref<4x4x16x128xf32, #tpu.memory_space<vmem>> -> memref<1x1x8x128xf32, #tpu.memory_space<vmem>>
    %dma_wait3A_575 = tpu.memref_squeeze %dma_wait3A_574 : memref<1x1x8x128xf32, #tpu.memory_space<vmem>> -> memref<8x128xf32, #tpu.memory_space<vmem>>
    %dma_wait3A_576 = arith.constant 0 : i32
    %dma_wait3A_577 = arith.constant 0 : i32
    %dma_wait3A_578 = tpu.memref_slice %arg4[%dma_wait3A_569, %dma_wait3A_570, %dma_wait3A_571, %add3A, %dma_wait3A_576, %dma_wait3A_577] : memref<4x50x2x32x8x128xf32, #tpu.memory_space<hbm>> -> memref<1x1x1x1x8x128xf32, #tpu.memory_space<hbm>>
    %dma_wait3A_579 = tpu.memref_squeeze %dma_wait3A_578 : memref<1x1x1x1x8x128xf32, #tpu.memory_space<hbm>> -> memref<8x128xf32, #tpu.memory_space<hbm>>
    %dma_wait3A_580 = arith.constant 0 : i32
    %dma_wait3A_581 = arith.constant 0 : i32
    %dma_wait3A_582 = tpu.memref_slice %arg4[%dma_wait3A_569, %dma_wait3A_570, %dma_wait3A_571, %add3A, %dma_wait3A_580, %dma_wait3A_581] : memref<4x50x2x32x8x128xf32, #tpu.memory_space<hbm>> -> memref<1x1x1x1x8x128xf32, #tpu.memory_space<hbm>>
    %dma_wait3A_583 = tpu.memref_squeeze %dma_wait3A_582 : memref<1x1x1x1x8x128xf32, #tpu.memory_space<hbm>> -> memref<8x128xf32, #tpu.memory_space<hbm>>
    %dma_wait3A_584 = arith.constant 8 : i32
    %dma_wait3A_585 = arith.constant 0 : i32
    %dma_wait3A_586 = tpu.memref_slice %arg7[%dma_wait3A_567, %dma_wait3A_568, %dma_wait3A_584, %dma_wait3A_585] : memref<4x4x16x128xf32, #tpu.memory_space<vmem>> -> memref<1x1x8x128xf32, #tpu.memory_space<vmem>>
    %dma_wait3A_587 = tpu.memref_squeeze %dma_wait3A_586 : memref<1x1x8x128xf32, #tpu.memory_space<vmem>> -> memref<8x128xf32, #tpu.memory_space<vmem>>
    tpu.wait_dma2 semaphore(%arg9 : memref<!tpu.dma_semaphore, #tpu.memory_space<semaphore_mem>>) src(%dma_wait3A_587 : memref<8x128xf32, #tpu.memory_space<vmem>>) dst(%dma_wait3A_583 : memref<8x128xf32, #tpu.memory_space<hbm>>)
    %dma_wait3A_588 = arith.constant 1 : i32
    %dma_wait3A_589 = arith.constant 1 : i32
    %dma_wait3A_590 = arith.constant 1 : i32
    %dma_wait3A_591 = arith.constant 49 : i32
    %dma_wait3A_592 = arith.constant 0 : i32
    %dma_wait3A_593 = arith.constant 0 : i32
    %dma_wait3A_594 = arith.constant 0 : i32
    %dma_wait3A_595 = tpu.memref_slice %arg7[%dma_wait3A_588, %dma_wait3A_589, %dma_wait3A_593, %dma_wait3A_594] : memref<4x4x16x128xf32, #tpu.memory_space<vmem>> -> memref<1x1x8x128xf32, #tpu.memory_space<vmem>>
    %dma_wait3A_596 = tpu.memref_squeeze %dma_wait3A_595 : memref<1x1x8x128xf32, #tpu.memory_space<vmem>> -> memref<8x128xf32, #tpu.memory_space<vmem>>
    %dma_wait3A_597 = arith.constant 0 : i32
    %dma_wait3A_598 = arith.constant 0 : i32
    %dma_wait3A_599 = tpu.memref_slice %arg4[%dma_wait3A_590, %dma_wait3A_591, %dma_wait3A_592, %add3A, %dma_wait3A_597, %dma_wait3A_598] : memref<4x50x2x32x8x128xf32, #tpu.memory_space<hbm>> -> memref<1x1x1x1x8x128xf32, #tpu.memory_space<hbm>>
    %dma_wait3A_600 = tpu.memref_squeeze %dma_wait3A_599 : memref<1x1x1x1x8x128xf32, #tpu.memory_space<hbm>> -> memref<8x128xf32, #tpu.memory_space<hbm>>
    %dma_wait3A_601 = arith.constant 0 : i32
    %dma_wait3A_602 = arith.constant 0 : i32
    %dma_wait3A_603 = tpu.memref_slice %arg4[%dma_wait3A_590, %dma_wait3A_591, %dma_wait3A_592, %add3A, %dma_wait3A_601, %dma_wait3A_602] : memref<4x50x2x32x8x128xf32, #tpu.memory_space<hbm>> -> memref<1x1x1x1x8x128xf32, #tpu.memory_space<hbm>>
    %dma_wait3A_604 = tpu.memref_squeeze %dma_wait3A_603 : memref<1x1x1x1x8x128xf32, #tpu.memory_space<hbm>> -> memref<8x128xf32, #tpu.memory_space<hbm>>
    %dma_wait3A_605 = arith.constant 0 : i32
    %dma_wait3A_606 = arith.constant 0 : i32
    %dma_wait3A_607 = tpu.memref_slice %arg7[%dma_wait3A_588, %dma_wait3A_589, %dma_wait3A_605, %dma_wait3A_606] : memref<4x4x16x128xf32, #tpu.memory_space<vmem>> -> memref<1x1x8x128xf32, #tpu.memory_space<vmem>>
    %dma_wait3A_608 = tpu.memref_squeeze %dma_wait3A_607 : memref<1x1x8x128xf32, #tpu.memory_space<vmem>> -> memref<8x128xf32, #tpu.memory_space<vmem>>
    tpu.wait_dma2 semaphore(%arg9 : memref<!tpu.dma_semaphore, #tpu.memory_space<semaphore_mem>>) src(%dma_wait3A_608 : memref<8x128xf32, #tpu.memory_space<vmem>>) dst(%dma_wait3A_604 : memref<8x128xf32, #tpu.memory_space<hbm>>)
    %dma_wait3A_609 = arith.constant 1 : i32
    %dma_wait3A_610 = arith.constant 1 : i32
    %dma_wait3A_611 = arith.constant 1 : i32
    %dma_wait3A_612 = arith.constant 49 : i32
    %dma_wait3A_613 = arith.constant 1 : i32
    %dma_wait3A_614 = arith.constant 8 : i32
    %dma_wait3A_615 = arith.constant 0 : i32
    %dma_wait3A_616 = tpu.memref_slice %arg7[%dma_wait3A_609, %dma_wait3A_610, %dma_wait3A_614, %dma_wait3A_615] : memref<4x4x16x128xf32, #tpu.memory_space<vmem>> -> memref<1x1x8x128xf32, #tpu.memory_space<vmem>>
    %dma_wait3A_617 = tpu.memref_squeeze %dma_wait3A_616 : memref<1x1x8x128xf32, #tpu.memory_space<vmem>> -> memref<8x128xf32, #tpu.memory_space<vmem>>
    %dma_wait3A_618 = arith.constant 0 : i32
    %dma_wait3A_619 = arith.constant 0 : i32
    %dma_wait3A_620 = tpu.memref_slice %arg4[%dma_wait3A_611, %dma_wait3A_612, %dma_wait3A_613, %add3A, %dma_wait3A_618, %dma_wait3A_619] : memref<4x50x2x32x8x128xf32, #tpu.memory_space<hbm>> -> memref<1x1x1x1x8x128xf32, #tpu.memory_space<hbm>>
    %dma_wait3A_621 = tpu.memref_squeeze %dma_wait3A_620 : memref<1x1x1x1x8x128xf32, #tpu.memory_space<hbm>> -> memref<8x128xf32, #tpu.memory_space<hbm>>
    %dma_wait3A_622 = arith.constant 0 : i32
    %dma_wait3A_623 = arith.constant 0 : i32
    %dma_wait3A_624 = tpu.memref_slice %arg4[%dma_wait3A_611, %dma_wait3A_612, %dma_wait3A_613, %add3A, %dma_wait3A_622, %dma_wait3A_623] : memref<4x50x2x32x8x128xf32, #tpu.memory_space<hbm>> -> memref<1x1x1x1x8x128xf32, #tpu.memory_space<hbm>>
    %dma_wait3A_625 = tpu.memref_squeeze %dma_wait3A_624 : memref<1x1x1x1x8x128xf32, #tpu.memory_space<hbm>> -> memref<8x128xf32, #tpu.memory_space<hbm>>
    %dma_wait3A_626 = arith.constant 8 : i32
    %dma_wait3A_627 = arith.constant 0 : i32
    %dma_wait3A_628 = tpu.memref_slice %arg7[%dma_wait3A_609, %dma_wait3A_610, %dma_wait3A_626, %dma_wait3A_627] : memref<4x4x16x128xf32, #tpu.memory_space<vmem>> -> memref<1x1x8x128xf32, #tpu.memory_space<vmem>>
    %dma_wait3A_629 = tpu.memref_squeeze %dma_wait3A_628 : memref<1x1x8x128xf32, #tpu.memory_space<vmem>> -> memref<8x128xf32, #tpu.memory_space<vmem>>
    tpu.wait_dma2 semaphore(%arg9 : memref<!tpu.dma_semaphore, #tpu.memory_space<semaphore_mem>>) src(%dma_wait3A_629 : memref<8x128xf32, #tpu.memory_space<vmem>>) dst(%dma_wait3A_625 : memref<8x128xf32, #tpu.memory_space<hbm>>)
    %dma_wait3A_630 = arith.constant 1 : i32
    %dma_wait3A_631 = arith.constant 2 : i32
    %dma_wait3A_632 = arith.constant 2 : i32
    %dma_wait3A_633 = arith.constant 49 : i32
    %dma_wait3A_634 = arith.constant 0 : i32
    %dma_wait3A_635 = arith.constant 0 : i32
    %dma_wait3A_636 = arith.constant 0 : i32
    %dma_wait3A_637 = tpu.memref_slice %arg7[%dma_wait3A_630, %dma_wait3A_631, %dma_wait3A_635, %dma_wait3A_636] : memref<4x4x16x128xf32, #tpu.memory_space<vmem>> -> memref<1x1x8x128xf32, #tpu.memory_space<vmem>>
    %dma_wait3A_638 = tpu.memref_squeeze %dma_wait3A_637 : memref<1x1x8x128xf32, #tpu.memory_space<vmem>> -> memref<8x128xf32, #tpu.memory_space<vmem>>
    %dma_wait3A_639 = arith.constant 0 : i32
    %dma_wait3A_640 = arith.constant 0 : i32
    %dma_wait3A_641 = tpu.memref_slice %arg4[%dma_wait3A_632, %dma_wait3A_633, %dma_wait3A_634, %add3A, %dma_wait3A_639, %dma_wait3A_640] : memref<4x50x2x32x8x128xf32, #tpu.memory_space<hbm>> -> memref<1x1x1x1x8x128xf32, #tpu.memory_space<hbm>>
    %dma_wait3A_642 = tpu.memref_squeeze %dma_wait3A_641 : memref<1x1x1x1x8x128xf32, #tpu.memory_space<hbm>> -> memref<8x128xf32, #tpu.memory_space<hbm>>
    %dma_wait3A_643 = arith.constant 0 : i32
    %dma_wait3A_644 = arith.constant 0 : i32
    %dma_wait3A_645 = tpu.memref_slice %arg4[%dma_wait3A_632, %dma_wait3A_633, %dma_wait3A_634, %add3A, %dma_wait3A_643, %dma_wait3A_644] : memref<4x50x2x32x8x128xf32, #tpu.memory_space<hbm>> -> memref<1x1x1x1x8x128xf32, #tpu.memory_space<hbm>>
    %dma_wait3A_646 = tpu.memref_squeeze %dma_wait3A_645 : memref<1x1x1x1x8x128xf32, #tpu.memory_space<hbm>> -> memref<8x128xf32, #tpu.memory_space<hbm>>
    %dma_wait3A_647 = arith.constant 0 : i32
    %dma_wait3A_648 = arith.constant 0 : i32
    %dma_wait3A_649 = tpu.memref_slice %arg7[%dma_wait3A_630, %dma_wait3A_631, %dma_wait3A_647, %dma_wait3A_648] : memref<4x4x16x128xf32, #tpu.memory_space<vmem>> -> memref<1x1x8x128xf32, #tpu.memory_space<vmem>>
    %dma_wait3A_650 = tpu.memref_squeeze %dma_wait3A_649 : memref<1x1x8x128xf32, #tpu.memory_space<vmem>> -> memref<8x128xf32, #tpu.memory_space<vmem>>
    tpu.wait_dma2 semaphore(%arg9 : memref<!tpu.dma_semaphore, #tpu.memory_space<semaphore_mem>>) src(%dma_wait3A_650 : memref<8x128xf32, #tpu.memory_space<vmem>>) dst(%dma_wait3A_646 : memref<8x128xf32, #tpu.memory_space<hbm>>)
    %dma_wait3A_651 = arith.constant 1 : i32
    %dma_wait3A_652 = arith.constant 2 : i32
    %dma_wait3A_653 = arith.constant 2 : i32
    %dma_wait3A_654 = arith.constant 49 : i32
    %dma_wait3A_655 = arith.constant 1 : i32
    %dma_wait3A_656 = arith.constant 8 : i32
    %dma_wait3A_657 = arith.constant 0 : i32
    %dma_wait3A_658 = tpu.memref_slice %arg7[%dma_wait3A_651, %dma_wait3A_652, %dma_wait3A_656, %dma_wait3A_657] : memref<4x4x16x128xf32, #tpu.memory_space<vmem>> -> memref<1x1x8x128xf32, #tpu.memory_space<vmem>>
    %dma_wait3A_659 = tpu.memref_squeeze %dma_wait3A_658 : memref<1x1x8x128xf32, #tpu.memory_space<vmem>> -> memref<8x128xf32, #tpu.memory_space<vmem>>
    %dma_wait3A_660 = arith.constant 0 : i32
    %dma_wait3A_661 = arith.constant 0 : i32
    %dma_wait3A_662 = tpu.memref_slice %arg4[%dma_wait3A_653, %dma_wait3A_654, %dma_wait3A_655, %add3A, %dma_wait3A_660, %dma_wait3A_661] : memref<4x50x2x32x8x128xf32, #tpu.memory_space<hbm>> -> memref<1x1x1x1x8x128xf32, #tpu.memory_space<hbm>>
    %dma_wait3A_663 = tpu.memref_squeeze %dma_wait3A_662 : memref<1x1x1x1x8x128xf32, #tpu.memory_space<hbm>> -> memref<8x128xf32, #tpu.memory_space<hbm>>
    %dma_wait3A_664 = arith.constant 0 : i32
    %dma_wait3A_665 = arith.constant 0 : i32
    %dma_wait3A_666 = tpu.memref_slice %arg4[%dma_wait3A_653, %dma_wait3A_654, %dma_wait3A_655, %add3A, %dma_wait3A_664, %dma_wait3A_665] : memref<4x50x2x32x8x128xf32, #tpu.memory_space<hbm>> -> memref<1x1x1x1x8x128xf32, #tpu.memory_space<hbm>>
    %dma_wait3A_667 = tpu.memref_squeeze %dma_wait3A_666 : memref<1x1x1x1x8x128xf32, #tpu.memory_space<hbm>> -> memref<8x128xf32, #tpu.memory_space<hbm>>
    %dma_wait3A_668 = arith.constant 8 : i32
    %dma_wait3A_669 = arith.constant 0 : i32
    %dma_wait3A_670 = tpu.memref_slice %arg7[%dma_wait3A_651, %dma_wait3A_652, %dma_wait3A_668, %dma_wait3A_669] : memref<4x4x16x128xf32, #tpu.memory_space<vmem>> -> memref<1x1x8x128xf32, #tpu.memory_space<vmem>>
    %dma_wait3A_671 = tpu.memref_squeeze %dma_wait3A_670 : memref<1x1x8x128xf32, #tpu.memory_space<vmem>> -> memref<8x128xf32, #tpu.memory_space<vmem>>
    tpu.wait_dma2 semaphore(%arg9 : memref<!tpu.dma_semaphore, #tpu.memory_space<semaphore_mem>>) src(%dma_wait3A_671 : memref<8x128xf32, #tpu.memory_space<vmem>>) dst(%dma_wait3A_667 : memref<8x128xf32, #tpu.memory_space<hbm>>)
    %dma_wait3A_672 = arith.constant 1 : i32
    %dma_wait3A_673 = arith.constant 3 : i32
    %dma_wait3A_674 = arith.constant 3 : i32
    %dma_wait3A_675 = arith.constant 49 : i32
    %dma_wait3A_676 = arith.constant 0 : i32
    %dma_wait3A_677 = arith.constant 0 : i32
    %dma_wait3A_678 = arith.constant 0 : i32
    %dma_wait3A_679 = tpu.memref_slice %arg7[%dma_wait3A_672, %dma_wait3A_673, %dma_wait3A_677, %dma_wait3A_678] : memref<4x4x16x128xf32, #tpu.memory_space<vmem>> -> memref<1x1x8x128xf32, #tpu.memory_space<vmem>>
    %dma_wait3A_680 = tpu.memref_squeeze %dma_wait3A_679 : memref<1x1x8x128xf32, #tpu.memory_space<vmem>> -> memref<8x128xf32, #tpu.memory_space<vmem>>
    %dma_wait3A_681 = arith.constant 0 : i32
    %dma_wait3A_682 = arith.constant 0 : i32
    %dma_wait3A_683 = tpu.memref_slice %arg4[%dma_wait3A_674, %dma_wait3A_675, %dma_wait3A_676, %add3A, %dma_wait3A_681, %dma_wait3A_682] : memref<4x50x2x32x8x128xf32, #tpu.memory_space<hbm>> -> memref<1x1x1x1x8x128xf32, #tpu.memory_space<hbm>>
    %dma_wait3A_684 = tpu.memref_squeeze %dma_wait3A_683 : memref<1x1x1x1x8x128xf32, #tpu.memory_space<hbm>> -> memref<8x128xf32, #tpu.memory_space<hbm>>
    %dma_wait3A_685 = arith.constant 0 : i32
    %dma_wait3A_686 = arith.constant 0 : i32
    %dma_wait3A_687 = tpu.memref_slice %arg4[%dma_wait3A_674, %dma_wait3A_675, %dma_wait3A_676, %add3A, %dma_wait3A_685, %dma_wait3A_686] : memref<4x50x2x32x8x128xf32, #tpu.memory_space<hbm>> -> memref<1x1x1x1x8x128xf32, #tpu.memory_space<hbm>>
    %dma_wait3A_688 = tpu.memref_squeeze %dma_wait3A_687 : memref<1x1x1x1x8x128xf32, #tpu.memory_space<hbm>> -> memref<8x128xf32, #tpu.memory_space<hbm>>
    %dma_wait3A_689 = arith.constant 0 : i32
    %dma_wait3A_690 = arith.constant 0 : i32
    %dma_wait3A_691 = tpu.memref_slice %arg7[%dma_wait3A_672, %dma_wait3A_673, %dma_wait3A_689, %dma_wait3A_690] : memref<4x4x16x128xf32, #tpu.memory_space<vmem>> -> memref<1x1x8x128xf32, #tpu.memory_space<vmem>>
    %dma_wait3A_692 = tpu.memref_squeeze %dma_wait3A_691 : memref<1x1x8x128xf32, #tpu.memory_space<vmem>> -> memref<8x128xf32, #tpu.memory_space<vmem>>
    tpu.wait_dma2 semaphore(%arg9 : memref<!tpu.dma_semaphore, #tpu.memory_space<semaphore_mem>>) src(%dma_wait3A_692 : memref<8x128xf32, #tpu.memory_space<vmem>>) dst(%dma_wait3A_688 : memref<8x128xf32, #tpu.memory_space<hbm>>)
    %dma_wait3A_693 = arith.constant 1 : i32
    %dma_wait3A_694 = arith.constant 3 : i32
    %dma_wait3A_695 = arith.constant 3 : i32
    %dma_wait3A_696 = arith.constant 49 : i32
    %dma_wait3A_697 = arith.constant 1 : i32
    %dma_wait3A_698 = arith.constant 8 : i32
    %dma_wait3A_699 = arith.constant 0 : i32
    %dma_wait3A_700 = tpu.memref_slice %arg7[%dma_wait3A_693, %dma_wait3A_694, %dma_wait3A_698, %dma_wait3A_699] : memref<4x4x16x128xf32, #tpu.memory_space<vmem>> -> memref<1x1x8x128xf32, #tpu.memory_space<vmem>>
    %dma_wait3A_701 = tpu.memref_squeeze %dma_wait3A_700 : memref<1x1x8x128xf32, #tpu.memory_space<vmem>> -> memref<8x128xf32, #tpu.memory_space<vmem>>
    %dma_wait3A_702 = arith.constant 0 : i32
    %dma_wait3A_703 = arith.constant 0 : i32
    %dma_wait3A_704 = tpu.memref_slice %arg4[%dma_wait3A_695, %dma_wait3A_696, %dma_wait3A_697, %add3A, %dma_wait3A_702, %dma_wait3A_703] : memref<4x50x2x32x8x128xf32, #tpu.memory_space<hbm>> -> memref<1x1x1x1x8x128xf32, #tpu.memory_space<hbm>>
    %dma_wait3A_705 = tpu.memref_squeeze %dma_wait3A_704 : memref<1x1x1x1x8x128xf32, #tpu.memory_space<hbm>> -> memref<8x128xf32, #tpu.memory_space<hbm>>
    %dma_wait3A_706 = arith.constant 0 : i32
    %dma_wait3A_707 = arith.constant 0 : i32
    %dma_wait3A_708 = tpu.memref_slice %arg4[%dma_wait3A_695, %dma_wait3A_696, %dma_wait3A_697, %add3A, %dma_wait3A_706, %dma_wait3A_707] : memref<4x50x2x32x8x128xf32, #tpu.memory_space<hbm>> -> memref<1x1x1x1x8x128xf32, #tpu.memory_space<hbm>>
    %dma_wait3A_709 = tpu.memref_squeeze %dma_wait3A_708 : memref<1x1x1x1x8x128xf32, #tpu.memory_space<hbm>> -> memref<8x128xf32, #tpu.memory_space<hbm>>
    %dma_wait3A_710 = arith.constant 8 : i32
    %dma_wait3A_711 = arith.constant 0 : i32
    %dma_wait3A_712 = tpu.memref_slice %arg7[%dma_wait3A_693, %dma_wait3A_694, %dma_wait3A_710, %dma_wait3A_711] : memref<4x4x16x128xf32, #tpu.memory_space<vmem>> -> memref<1x1x8x128xf32, #tpu.memory_space<vmem>>
    %dma_wait3A_713 = tpu.memref_squeeze %dma_wait3A_712 : memref<1x1x8x128xf32, #tpu.memory_space<vmem>> -> memref<8x128xf32, #tpu.memory_space<vmem>>
    tpu.wait_dma2 semaphore(%arg9 : memref<!tpu.dma_semaphore, #tpu.memory_space<semaphore_mem>>) src(%dma_wait3A_713 : memref<8x128xf32, #tpu.memory_space<vmem>>) dst(%dma_wait3A_709 : memref<8x128xf32, #tpu.memory_space<hbm>>)
    return
  }
}

#map = affine_map<(d0, d1) -> (0, 0)>
module attributes {stable_mosaic.version = 14 : i64} {
  func.func @_detranspose(%arg0: i32, %arg1: i32, %arg2: memref<16x1000000xf32, #tpu.memory_space<hbm>>, %arg3: memref<8x128xf32, #tpu.memory_space<hbm>>, %arg4: memref<125000x128xf32, #tpu.memory_space<hbm>>, %arg5: memref<8x2x8x129xf32, #tpu.memory_space<vmem>>, %arg6: memref<8x16x128xf32, #tpu.memory_space<vmem>>, %arg7: memref<!tpu.dma_semaphore, #tpu.memory_space<semaphore_mem>>, %arg8: memref<!tpu.dma_semaphore, #tpu.memory_space<semaphore_mem>>) attributes {dimension_semantics = [#tpu.dimension_semantics<core_parallel>, #tpu.dimension_semantics<subcore_parallel>], iteration_bounds = array<i64: 2, 16>, scalar_prefetch = 0 : i64, scratch_operands = 4 : i64, tpu.core_type = #tpu.core_type<sc_vector_subcore>, window_params = [{transform_indices = #map}, {transform_indices = #map}, {transform_indices = #map}]} {
    %mul3A = arith.constant 2 : i32
    %mul3A_0 = arith.muli %arg1, %mul3A : i32
    %add3A = arith.addi %mul3A_0, %arg0 : i32
    %lt3A = arith.constant 4 : i32
    %lt3A_1 = arith.cmpi slt, %add3A, %lt3A : i32
    %jit3A = arith.constant 245 : i32
    %jit3A_2 = arith.constant 244 : i32
    %select_n3A = arith.select %lt3A_1, %jit3A, %jit3A_2 : i32
    %iota3A = tpu.iota {dimensions = array<i32: 0>} : vector<16xi32>
    %jit3A_3 = arith.constant 8 : i32
    %div3A = vector.broadcast %jit3A_3 : i32 to vector<16xi32>
    %div3A_4 = arith.divsi %iota3A, %div3A : vector<16xi32>
    %sign3A = arith.constant 0 : i32
    %sign3A_5 = vector.broadcast %sign3A : i32 to vector<16xi32>
    %sign3A_6 = arith.cmpi sgt, %iota3A, %sign3A_5 : vector<16xi32>
    %sign3A_7 = arith.extui %sign3A_6 : vector<16xi1> to vector<16xi32>
    %sign3A_8 = arith.constant 0 : i32
    %sign3A_9 = vector.broadcast %sign3A_8 : i32 to vector<16xi32>
    %sign3A_10 = arith.cmpi slt, %iota3A, %sign3A_9 : vector<16xi32>
    %sign3A_11 = arith.extui %sign3A_10 : vector<16xi1> to vector<16xi32>
    %sign3A_12 = arith.subi %sign3A_7, %sign3A_11 : vector<16xi32>
    %sign3A_13 = arith.constant 0 : i32
    %sign3A_14 = arith.cmpi sgt, %jit3A_3, %sign3A_13 : i32
    %sign3A_15 = arith.extui %sign3A_14 : i1 to i32
    %sign3A_16 = arith.constant 0 : i32
    %sign3A_17 = arith.cmpi slt, %jit3A_3, %sign3A_16 : i32
    %sign3A_18 = arith.extui %sign3A_17 : i1 to i32
    %sign3A_19 = arith.subi %sign3A_15, %sign3A_18 : i32
    %ne3A = vector.broadcast %sign3A_19 : i32 to vector<16xi32>
    %ne3A_20 = arith.cmpi ne, %sign3A_12, %ne3A : vector<16xi32>
    %rem3A = vector.broadcast %jit3A_3 : i32 to vector<16xi32>
    %rem3A_21 = arith.remsi %iota3A, %rem3A : vector<16xi32>
    %ne3A_22 = arith.constant 0 : i32
    %ne3A_23 = vector.broadcast %ne3A_22 : i32 to vector<16xi32>
    %ne3A_24 = arith.cmpi ne, %rem3A_21, %ne3A_23 : vector<16xi32>
    %and3A = arith.andi %ne3A_20, %ne3A_24 : vector<16xi1>
    %sub3A = arith.constant 1 : i32
    %sub3A_25 = vector.broadcast %sub3A : i32 to vector<16xi32>
    %sub3A_26 = arith.subi %div3A_4, %sub3A_25 : vector<16xi32>
    %select_n3A_27 = arith.select %and3A, %sub3A_26, %div3A_4 : vector<16xi1>, vector<16xi32>
    %jit3A_28 = arith.constant 8 : i32
    %eq3A = arith.constant 0 : i32
    %eq3A_29 = arith.cmpi eq, %jit3A_28, %eq3A : i32
    %jit3A_30 = arith.constant 1 : i32
    %select_n3A_31 = arith.select %eq3A_29, %jit3A_30, %jit3A_28 : i32
    %rem3A_32 = vector.broadcast %select_n3A_31 : i32 to vector<16xi32>
    %rem3A_33 = arith.remsi %iota3A, %rem3A_32 : vector<16xi32>
    %ne3A_34 = arith.constant 0 : i32
    %ne3A_35 = vector.broadcast %ne3A_34 : i32 to vector<16xi32>
    %ne3A_36 = arith.cmpi ne, %rem3A_33, %ne3A_35 : vector<16xi32>
    %lt3A_37 = arith.constant 0 : i32
    %lt3A_38 = vector.broadcast %lt3A_37 : i32 to vector<16xi32>
    %lt3A_39 = arith.cmpi slt, %rem3A_33, %lt3A_38 : vector<16xi32>
    %lt3A_40 = arith.constant 0 : i32
    %lt3A_41 = arith.cmpi slt, %select_n3A_31, %lt3A_40 : i32
    %ne3A_42 = vector.broadcast %lt3A_41 : i1 to vector<16xi1>
    %ne3A_43 = vector.broadcast %ne3A_42 : vector<16xi1> to vector<16xi1>
    %ne3A_44 = arith.xori %lt3A_39, %ne3A_43 : vector<16xi1>
    %and3A_45 = arith.andi %ne3A_44, %ne3A_36 : vector<16xi1>
    %add3A_46 = vector.broadcast %select_n3A_31 : i32 to vector<16xi32>
    %add3A_47 = arith.addi %rem3A_33, %add3A_46 : vector<16xi32>
    %select_n3A_48 = arith.select %and3A_45, %add3A_47, %rem3A_33 : vector<16xi1>, vector<16xi32>
    %add3A_49 = arith.constant 0 : i32
    %add3A_50 = arith.addi %add3A, %add3A_49 : i32
    %mul3A_51 = arith.constant 128 : i32
    %mul3A_52 = arith.muli %add3A_50, %mul3A_51 : i32
    %dma_start3A = arith.constant 0 : i32
    %dma_start3A_53 = arith.constant 0 : i32
    %dma_start3A_54 = arith.constant 0 : i32
    %dma_start3A_55 = arith.constant 0 : i32
    %dma_start3A_56 = tpu.memref_slice %arg5[%dma_start3A, %dma_start3A_53, %dma_start3A_54, %dma_start3A_55] : memref<8x2x8x129xf32, #tpu.memory_space<vmem>> -> memref<1x1x8x128xf32, #tpu.memory_space<vmem>>
    %dma_start3A_57 = tpu.memref_squeeze %dma_start3A_56 : memref<1x1x8x128xf32, #tpu.memory_space<vmem>> -> memref<8x128xf32, #tpu.memory_space<vmem>>
    %dma_start3A_58 = arith.constant 0 : i32
    %dma_start3A_59 = tpu.memref_slice %arg2[%dma_start3A_58, %mul3A_52] : memref<16x1000000xf32, #tpu.memory_space<hbm>> -> memref<8x128xf32, #tpu.memory_space<hbm>>
    %dma_start3A_60 = arith.constant 0 : i32
    %dma_start3A_61 = arith.constant 0 : i32
    %dma_start3A_62 = tpu.memref_slice %arg5[%dma_start3A, %dma_start3A_53, %dma_start3A_60, %dma_start3A_61] : memref<8x2x8x129xf32, #tpu.memory_space<vmem>> -> memref<1x1x8x128xf32, #tpu.memory_space<vmem>>
    %dma_start3A_63 = tpu.memref_squeeze %dma_start3A_62 : memref<1x1x8x128xf32, #tpu.memory_space<vmem>> -> memref<8x128xf32, #tpu.memory_space<vmem>>
    %dma_start3A_64 = arith.constant 0 : i32
    %dma_start3A_65 = tpu.memref_slice %arg2[%dma_start3A_64, %mul3A_52] : memref<16x1000000xf32, #tpu.memory_space<hbm>> -> memref<8x128xf32, #tpu.memory_space<hbm>>
    tpu.enqueue_dma source(%dma_start3A_65 : memref<8x128xf32, #tpu.memory_space<hbm>>) target(%dma_start3A_63 : memref<8x128xf32, #tpu.memory_space<vmem>>) target_semaphore(%arg7 : memref<!tpu.dma_semaphore, #tpu.memory_space<semaphore_mem>>)
    %mul3A_66 = arith.constant 128 : i32
    %mul3A_67 = arith.muli %add3A_50, %mul3A_66 : i32
    %dma_start3A_68 = arith.constant 0 : i32
    %dma_start3A_69 = arith.constant 1 : i32
    %dma_start3A_70 = arith.constant 0 : i32
    %dma_start3A_71 = arith.constant 0 : i32
    %dma_start3A_72 = tpu.memref_slice %arg5[%dma_start3A_68, %dma_start3A_69, %dma_start3A_70, %dma_start3A_71] : memref<8x2x8x129xf32, #tpu.memory_space<vmem>> -> memref<1x1x8x128xf32, #tpu.memory_space<vmem>>
    %dma_start3A_73 = tpu.memref_squeeze %dma_start3A_72 : memref<1x1x8x128xf32, #tpu.memory_space<vmem>> -> memref<8x128xf32, #tpu.memory_space<vmem>>
    %dma_start3A_74 = arith.constant 8 : i32
    %dma_start3A_75 = tpu.memref_slice %arg2[%dma_start3A_74, %mul3A_67] : memref<16x1000000xf32, #tpu.memory_space<hbm>> -> memref<8x128xf32, #tpu.memory_space<hbm>>
    %dma_start3A_76 = arith.constant 0 : i32
    %dma_start3A_77 = arith.constant 0 : i32
    %dma_start3A_78 = tpu.memref_slice %arg5[%dma_start3A_68, %dma_start3A_69, %dma_start3A_76, %dma_start3A_77] : memref<8x2x8x129xf32, #tpu.memory_space<vmem>> -> memref<1x1x8x128xf32, #tpu.memory_space<vmem>>
    %dma_start3A_79 = tpu.memref_squeeze %dma_start3A_78 : memref<1x1x8x128xf32, #tpu.memory_space<vmem>> -> memref<8x128xf32, #tpu.memory_space<vmem>>
    %dma_start3A_80 = arith.constant 8 : i32
    %dma_start3A_81 = tpu.memref_slice %arg2[%dma_start3A_80, %mul3A_67] : memref<16x1000000xf32, #tpu.memory_space<hbm>> -> memref<8x128xf32, #tpu.memory_space<hbm>>
    tpu.enqueue_dma source(%dma_start3A_81 : memref<8x128xf32, #tpu.memory_space<hbm>>) target(%dma_start3A_79 : memref<8x128xf32, #tpu.memory_space<vmem>>) target_semaphore(%arg7 : memref<!tpu.dma_semaphore, #tpu.memory_space<semaphore_mem>>)
    %add3A_82 = arith.constant 32 : i32
    %add3A_83 = arith.addi %add3A, %add3A_82 : i32
    %mul3A_84 = arith.constant 128 : i32
    %mul3A_85 = arith.muli %add3A_83, %mul3A_84 : i32
    %dma_start3A_86 = arith.constant 1 : i32
    %dma_start3A_87 = arith.constant 0 : i32
    %dma_start3A_88 = arith.constant 0 : i32
    %dma_start3A_89 = arith.constant 0 : i32
    %dma_start3A_90 = tpu.memref_slice %arg5[%dma_start3A_86, %dma_start3A_87, %dma_start3A_88, %dma_start3A_89] : memref<8x2x8x129xf32, #tpu.memory_space<vmem>> -> memref<1x1x8x128xf32, #tpu.memory_space<vmem>>
    %dma_start3A_91 = tpu.memref_squeeze %dma_start3A_90 : memref<1x1x8x128xf32, #tpu.memory_space<vmem>> -> memref<8x128xf32, #tpu.memory_space<vmem>>
    %dma_start3A_92 = arith.constant 0 : i32
    %dma_start3A_93 = tpu.memref_slice %arg2[%dma_start3A_92, %mul3A_85] : memref<16x1000000xf32, #tpu.memory_space<hbm>> -> memref<8x128xf32, #tpu.memory_space<hbm>>
    %dma_start3A_94 = arith.constant 0 : i32
    %dma_start3A_95 = arith.constant 0 : i32
    %dma_start3A_96 = tpu.memref_slice %arg5[%dma_start3A_86, %dma_start3A_87, %dma_start3A_94, %dma_start3A_95] : memref<8x2x8x129xf32, #tpu.memory_space<vmem>> -> memref<1x1x8x128xf32, #tpu.memory_space<vmem>>
    %dma_start3A_97 = tpu.memref_squeeze %dma_start3A_96 : memref<1x1x8x128xf32, #tpu.memory_space<vmem>> -> memref<8x128xf32, #tpu.memory_space<vmem>>
    %dma_start3A_98 = arith.constant 0 : i32
    %dma_start3A_99 = tpu.memref_slice %arg2[%dma_start3A_98, %mul3A_85] : memref<16x1000000xf32, #tpu.memory_space<hbm>> -> memref<8x128xf32, #tpu.memory_space<hbm>>
    tpu.enqueue_dma source(%dma_start3A_99 : memref<8x128xf32, #tpu.memory_space<hbm>>) target(%dma_start3A_97 : memref<8x128xf32, #tpu.memory_space<vmem>>) target_semaphore(%arg7 : memref<!tpu.dma_semaphore, #tpu.memory_space<semaphore_mem>>)
    %mul3A_100 = arith.constant 128 : i32
    %mul3A_101 = arith.muli %add3A_83, %mul3A_100 : i32
    %dma_start3A_102 = arith.constant 1 : i32
    %dma_start3A_103 = arith.constant 1 : i32
    %dma_start3A_104 = arith.constant 0 : i32
    %dma_start3A_105 = arith.constant 0 : i32
    %dma_start3A_106 = tpu.memref_slice %arg5[%dma_start3A_102, %dma_start3A_103, %dma_start3A_104, %dma_start3A_105] : memref<8x2x8x129xf32, #tpu.memory_space<vmem>> -> memref<1x1x8x128xf32, #tpu.memory_space<vmem>>
    %dma_start3A_107 = tpu.memref_squeeze %dma_start3A_106 : memref<1x1x8x128xf32, #tpu.memory_space<vmem>> -> memref<8x128xf32, #tpu.memory_space<vmem>>
    %dma_start3A_108 = arith.constant 8 : i32
    %dma_start3A_109 = tpu.memref_slice %arg2[%dma_start3A_108, %mul3A_101] : memref<16x1000000xf32, #tpu.memory_space<hbm>> -> memref<8x128xf32, #tpu.memory_space<hbm>>
    %dma_start3A_110 = arith.constant 0 : i32
    %dma_start3A_111 = arith.constant 0 : i32
    %dma_start3A_112 = tpu.memref_slice %arg5[%dma_start3A_102, %dma_start3A_103, %dma_start3A_110, %dma_start3A_111] : memref<8x2x8x129xf32, #tpu.memory_space<vmem>> -> memref<1x1x8x128xf32, #tpu.memory_space<vmem>>
    %dma_start3A_113 = tpu.memref_squeeze %dma_start3A_112 : memref<1x1x8x128xf32, #tpu.memory_space<vmem>> -> memref<8x128xf32, #tpu.memory_space<vmem>>
    %dma_start3A_114 = arith.constant 8 : i32
    %dma_start3A_115 = tpu.memref_slice %arg2[%dma_start3A_114, %mul3A_101] : memref<16x1000000xf32, #tpu.memory_space<hbm>> -> memref<8x128xf32, #tpu.memory_space<hbm>>
    tpu.enqueue_dma source(%dma_start3A_115 : memref<8x128xf32, #tpu.memory_space<hbm>>) target(%dma_start3A_113 : memref<8x128xf32, #tpu.memory_space<vmem>>) target_semaphore(%arg7 : memref<!tpu.dma_semaphore, #tpu.memory_space<semaphore_mem>>)
    %add3A_116 = arith.constant 64 : i32
    %add3A_117 = arith.addi %add3A, %add3A_116 : i32
    %mul3A_118 = arith.constant 128 : i32
    %mul3A_119 = arith.muli %add3A_117, %mul3A_118 : i32
    %dma_start3A_120 = arith.constant 2 : i32
    %dma_start3A_121 = arith.constant 0 : i32
    %dma_start3A_122 = arith.constant 0 : i32
    %dma_start3A_123 = arith.constant 0 : i32
    %dma_start3A_124 = tpu.memref_slice %arg5[%dma_start3A_120, %dma_start3A_121, %dma_start3A_122, %dma_start3A_123] : memref<8x2x8x129xf32, #tpu.memory_space<vmem>> -> memref<1x1x8x128xf32, #tpu.memory_space<vmem>>
    %dma_start3A_125 = tpu.memref_squeeze %dma_start3A_124 : memref<1x1x8x128xf32, #tpu.memory_space<vmem>> -> memref<8x128xf32, #tpu.memory_space<vmem>>
    %dma_start3A_126 = arith.constant 0 : i32
    %dma_start3A_127 = tpu.memref_slice %arg2[%dma_start3A_126, %mul3A_119] : memref<16x1000000xf32, #tpu.memory_space<hbm>> -> memref<8x128xf32, #tpu.memory_space<hbm>>
    %dma_start3A_128 = arith.constant 0 : i32
    %dma_start3A_129 = arith.constant 0 : i32
    %dma_start3A_130 = tpu.memref_slice %arg5[%dma_start3A_120, %dma_start3A_121, %dma_start3A_128, %dma_start3A_129] : memref<8x2x8x129xf32, #tpu.memory_space<vmem>> -> memref<1x1x8x128xf32, #tpu.memory_space<vmem>>
    %dma_start3A_131 = tpu.memref_squeeze %dma_start3A_130 : memref<1x1x8x128xf32, #tpu.memory_space<vmem>> -> memref<8x128xf32, #tpu.memory_space<vmem>>
    %dma_start3A_132 = arith.constant 0 : i32
    %dma_start3A_133 = tpu.memref_slice %arg2[%dma_start3A_132, %mul3A_119] : memref<16x1000000xf32, #tpu.memory_space<hbm>> -> memref<8x128xf32, #tpu.memory_space<hbm>>
    tpu.enqueue_dma source(%dma_start3A_133 : memref<8x128xf32, #tpu.memory_space<hbm>>) target(%dma_start3A_131 : memref<8x128xf32, #tpu.memory_space<vmem>>) target_semaphore(%arg7 : memref<!tpu.dma_semaphore, #tpu.memory_space<semaphore_mem>>)
    %mul3A_134 = arith.constant 128 : i32
    %mul3A_135 = arith.muli %add3A_117, %mul3A_134 : i32
    %dma_start3A_136 = arith.constant 2 : i32
    %dma_start3A_137 = arith.constant 1 : i32
    %dma_start3A_138 = arith.constant 0 : i32
    %dma_start3A_139 = arith.constant 0 : i32
    %dma_start3A_140 = tpu.memref_slice %arg5[%dma_start3A_136, %dma_start3A_137, %dma_start3A_138, %dma_start3A_139] : memref<8x2x8x129xf32, #tpu.memory_space<vmem>> -> memref<1x1x8x128xf32, #tpu.memory_space<vmem>>
    %dma_start3A_141 = tpu.memref_squeeze %dma_start3A_140 : memref<1x1x8x128xf32, #tpu.memory_space<vmem>> -> memref<8x128xf32, #tpu.memory_space<vmem>>
    %dma_start3A_142 = arith.constant 8 : i32
    %dma_start3A_143 = tpu.memref_slice %arg2[%dma_start3A_142, %mul3A_135] : memref<16x1000000xf32, #tpu.memory_space<hbm>> -> memref<8x128xf32, #tpu.memory_space<hbm>>
    %dma_start3A_144 = arith.constant 0 : i32
    %dma_start3A_145 = arith.constant 0 : i32
    %dma_start3A_146 = tpu.memref_slice %arg5[%dma_start3A_136, %dma_start3A_137, %dma_start3A_144, %dma_start3A_145] : memref<8x2x8x129xf32, #tpu.memory_space<vmem>> -> memref<1x1x8x128xf32, #tpu.memory_space<vmem>>
    %dma_start3A_147 = tpu.memref_squeeze %dma_start3A_146 : memref<1x1x8x128xf32, #tpu.memory_space<vmem>> -> memref<8x128xf32, #tpu.memory_space<vmem>>
    %dma_start3A_148 = arith.constant 8 : i32
    %dma_start3A_149 = tpu.memref_slice %arg2[%dma_start3A_148, %mul3A_135] : memref<16x1000000xf32, #tpu.memory_space<hbm>> -> memref<8x128xf32, #tpu.memory_space<hbm>>
    tpu.enqueue_dma source(%dma_start3A_149 : memref<8x128xf32, #tpu.memory_space<hbm>>) target(%dma_start3A_147 : memref<8x128xf32, #tpu.memory_space<vmem>>) target_semaphore(%arg7 : memref<!tpu.dma_semaphore, #tpu.memory_space<semaphore_mem>>)
    %add3A_150 = arith.constant 96 : i32
    %add3A_151 = arith.addi %add3A, %add3A_150 : i32
    %mul3A_152 = arith.constant 128 : i32
    %mul3A_153 = arith.muli %add3A_151, %mul3A_152 : i32
    %dma_start3A_154 = arith.constant 3 : i32
    %dma_start3A_155 = arith.constant 0 : i32
    %dma_start3A_156 = arith.constant 0 : i32
    %dma_start3A_157 = arith.constant 0 : i32
    %dma_start3A_158 = tpu.memref_slice %arg5[%dma_start3A_154, %dma_start3A_155, %dma_start3A_156, %dma_start3A_157] : memref<8x2x8x129xf32, #tpu.memory_space<vmem>> -> memref<1x1x8x128xf32, #tpu.memory_space<vmem>>
    %dma_start3A_159 = tpu.memref_squeeze %dma_start3A_158 : memref<1x1x8x128xf32, #tpu.memory_space<vmem>> -> memref<8x128xf32, #tpu.memory_space<vmem>>
    %dma_start3A_160 = arith.constant 0 : i32
    %dma_start3A_161 = tpu.memref_slice %arg2[%dma_start3A_160, %mul3A_153] : memref<16x1000000xf32, #tpu.memory_space<hbm>> -> memref<8x128xf32, #tpu.memory_space<hbm>>
    %dma_start3A_162 = arith.constant 0 : i32
    %dma_start3A_163 = arith.constant 0 : i32
    %dma_start3A_164 = tpu.memref_slice %arg5[%dma_start3A_154, %dma_start3A_155, %dma_start3A_162, %dma_start3A_163] : memref<8x2x8x129xf32, #tpu.memory_space<vmem>> -> memref<1x1x8x128xf32, #tpu.memory_space<vmem>>
    %dma_start3A_165 = tpu.memref_squeeze %dma_start3A_164 : memref<1x1x8x128xf32, #tpu.memory_space<vmem>> -> memref<8x128xf32, #tpu.memory_space<vmem>>
    %dma_start3A_166 = arith.constant 0 : i32
    %dma_start3A_167 = tpu.memref_slice %arg2[%dma_start3A_166, %mul3A_153] : memref<16x1000000xf32, #tpu.memory_space<hbm>> -> memref<8x128xf32, #tpu.memory_space<hbm>>
    tpu.enqueue_dma source(%dma_start3A_167 : memref<8x128xf32, #tpu.memory_space<hbm>>) target(%dma_start3A_165 : memref<8x128xf32, #tpu.memory_space<vmem>>) target_semaphore(%arg7 : memref<!tpu.dma_semaphore, #tpu.memory_space<semaphore_mem>>)
    %mul3A_168 = arith.constant 128 : i32
    %mul3A_169 = arith.muli %add3A_151, %mul3A_168 : i32
    %dma_start3A_170 = arith.constant 3 : i32
    %dma_start3A_171 = arith.constant 1 : i32
    %dma_start3A_172 = arith.constant 0 : i32
    %dma_start3A_173 = arith.constant 0 : i32
    %dma_start3A_174 = tpu.memref_slice %arg5[%dma_start3A_170, %dma_start3A_171, %dma_start3A_172, %dma_start3A_173] : memref<8x2x8x129xf32, #tpu.memory_space<vmem>> -> memref<1x1x8x128xf32, #tpu.memory_space<vmem>>
    %dma_start3A_175 = tpu.memref_squeeze %dma_start3A_174 : memref<1x1x8x128xf32, #tpu.memory_space<vmem>> -> memref<8x128xf32, #tpu.memory_space<vmem>>
    %dma_start3A_176 = arith.constant 8 : i32
    %dma_start3A_177 = tpu.memref_slice %arg2[%dma_start3A_176, %mul3A_169] : memref<16x1000000xf32, #tpu.memory_space<hbm>> -> memref<8x128xf32, #tpu.memory_space<hbm>>
    %dma_start3A_178 = arith.constant 0 : i32
    %dma_start3A_179 = arith.constant 0 : i32
    %dma_start3A_180 = tpu.memref_slice %arg5[%dma_start3A_170, %dma_start3A_171, %dma_start3A_178, %dma_start3A_179] : memref<8x2x8x129xf32, #tpu.memory_space<vmem>> -> memref<1x1x8x128xf32, #tpu.memory_space<vmem>>
    %dma_start3A_181 = tpu.memref_squeeze %dma_start3A_180 : memref<1x1x8x128xf32, #tpu.memory_space<vmem>> -> memref<8x128xf32, #tpu.memory_space<vmem>>
    %dma_start3A_182 = arith.constant 8 : i32
    %dma_start3A_183 = tpu.memref_slice %arg2[%dma_start3A_182, %mul3A_169] : memref<16x1000000xf32, #tpu.memory_space<hbm>> -> memref<8x128xf32, #tpu.memory_space<hbm>>
    tpu.enqueue_dma source(%dma_start3A_183 : memref<8x128xf32, #tpu.memory_space<hbm>>) target(%dma_start3A_181 : memref<8x128xf32, #tpu.memory_space<vmem>>) target_semaphore(%arg7 : memref<!tpu.dma_semaphore, #tpu.memory_space<semaphore_mem>>)
    %add3A_184 = arith.constant 128 : i32
    %add3A_185 = arith.addi %add3A, %add3A_184 : i32
    %mul3A_186 = arith.constant 128 : i32
    %mul3A_187 = arith.muli %add3A_185, %mul3A_186 : i32
    %dma_start3A_188 = arith.constant 4 : i32
    %dma_start3A_189 = arith.constant 0 : i32
    %dma_start3A_190 = arith.constant 0 : i32
    %dma_start3A_191 = arith.constant 0 : i32
    %dma_start3A_192 = tpu.memref_slice %arg5[%dma_start3A_188, %dma_start3A_189, %dma_start3A_190, %dma_start3A_191] : memref<8x2x8x129xf32, #tpu.memory_space<vmem>> -> memref<1x1x8x128xf32, #tpu.memory_space<vmem>>
    %dma_start3A_193 = tpu.memref_squeeze %dma_start3A_192 : memref<1x1x8x128xf32, #tpu.memory_space<vmem>> -> memref<8x128xf32, #tpu.memory_space<vmem>>
    %dma_start3A_194 = arith.constant 0 : i32
    %dma_start3A_195 = tpu.memref_slice %arg2[%dma_start3A_194, %mul3A_187] : memref<16x1000000xf32, #tpu.memory_space<hbm>> -> memref<8x128xf32, #tpu.memory_space<hbm>>
    %dma_start3A_196 = arith.constant 0 : i32
    %dma_start3A_197 = arith.constant 0 : i32
    %dma_start3A_198 = tpu.memref_slice %arg5[%dma_start3A_188, %dma_start3A_189, %dma_start3A_196, %dma_start3A_197] : memref<8x2x8x129xf32, #tpu.memory_space<vmem>> -> memref<1x1x8x128xf32, #tpu.memory_space<vmem>>
    %dma_start3A_199 = tpu.memref_squeeze %dma_start3A_198 : memref<1x1x8x128xf32, #tpu.memory_space<vmem>> -> memref<8x128xf32, #tpu.memory_space<vmem>>
    %dma_start3A_200 = arith.constant 0 : i32
    %dma_start3A_201 = tpu.memref_slice %arg2[%dma_start3A_200, %mul3A_187] : memref<16x1000000xf32, #tpu.memory_space<hbm>> -> memref<8x128xf32, #tpu.memory_space<hbm>>
    tpu.enqueue_dma source(%dma_start3A_201 : memref<8x128xf32, #tpu.memory_space<hbm>>) target(%dma_start3A_199 : memref<8x128xf32, #tpu.memory_space<vmem>>) target_semaphore(%arg7 : memref<!tpu.dma_semaphore, #tpu.memory_space<semaphore_mem>>)
    %mul3A_202 = arith.constant 128 : i32
    %mul3A_203 = arith.muli %add3A_185, %mul3A_202 : i32
    %dma_start3A_204 = arith.constant 4 : i32
    %dma_start3A_205 = arith.constant 1 : i32
    %dma_start3A_206 = arith.constant 0 : i32
    %dma_start3A_207 = arith.constant 0 : i32
    %dma_start3A_208 = tpu.memref_slice %arg5[%dma_start3A_204, %dma_start3A_205, %dma_start3A_206, %dma_start3A_207] : memref<8x2x8x129xf32, #tpu.memory_space<vmem>> -> memref<1x1x8x128xf32, #tpu.memory_space<vmem>>
    %dma_start3A_209 = tpu.memref_squeeze %dma_start3A_208 : memref<1x1x8x128xf32, #tpu.memory_space<vmem>> -> memref<8x128xf32, #tpu.memory_space<vmem>>
    %dma_start3A_210 = arith.constant 8 : i32
    %dma_start3A_211 = tpu.memref_slice %arg2[%dma_start3A_210, %mul3A_203] : memref<16x1000000xf32, #tpu.memory_space<hbm>> -> memref<8x128xf32, #tpu.memory_space<hbm>>
    %dma_start3A_212 = arith.constant 0 : i32
    %dma_start3A_213 = arith.constant 0 : i32
    %dma_start3A_214 = tpu.memref_slice %arg5[%dma_start3A_204, %dma_start3A_205, %dma_start3A_212, %dma_start3A_213] : memref<8x2x8x129xf32, #tpu.memory_space<vmem>> -> memref<1x1x8x128xf32, #tpu.memory_space<vmem>>
    %dma_start3A_215 = tpu.memref_squeeze %dma_start3A_214 : memref<1x1x8x128xf32, #tpu.memory_space<vmem>> -> memref<8x128xf32, #tpu.memory_space<vmem>>
    %dma_start3A_216 = arith.constant 8 : i32
    %dma_start3A_217 = tpu.memref_slice %arg2[%dma_start3A_216, %mul3A_203] : memref<16x1000000xf32, #tpu.memory_space<hbm>> -> memref<8x128xf32, #tpu.memory_space<hbm>>
    tpu.enqueue_dma source(%dma_start3A_217 : memref<8x128xf32, #tpu.memory_space<hbm>>) target(%dma_start3A_215 : memref<8x128xf32, #tpu.memory_space<vmem>>) target_semaphore(%arg7 : memref<!tpu.dma_semaphore, #tpu.memory_space<semaphore_mem>>)
    %add3A_218 = arith.constant 160 : i32
    %add3A_219 = arith.addi %add3A, %add3A_218 : i32
    %mul3A_220 = arith.constant 128 : i32
    %mul3A_221 = arith.muli %add3A_219, %mul3A_220 : i32
    %dma_start3A_222 = arith.constant 5 : i32
    %dma_start3A_223 = arith.constant 0 : i32
    %dma_start3A_224 = arith.constant 0 : i32
    %dma_start3A_225 = arith.constant 0 : i32
    %dma_start3A_226 = tpu.memref_slice %arg5[%dma_start3A_222, %dma_start3A_223, %dma_start3A_224, %dma_start3A_225] : memref<8x2x8x129xf32, #tpu.memory_space<vmem>> -> memref<1x1x8x128xf32, #tpu.memory_space<vmem>>
    %dma_start3A_227 = tpu.memref_squeeze %dma_start3A_226 : memref<1x1x8x128xf32, #tpu.memory_space<vmem>> -> memref<8x128xf32, #tpu.memory_space<vmem>>
    %dma_start3A_228 = arith.constant 0 : i32
    %dma_start3A_229 = tpu.memref_slice %arg2[%dma_start3A_228, %mul3A_221] : memref<16x1000000xf32, #tpu.memory_space<hbm>> -> memref<8x128xf32, #tpu.memory_space<hbm>>
    %dma_start3A_230 = arith.constant 0 : i32
    %dma_start3A_231 = arith.constant 0 : i32
    %dma_start3A_232 = tpu.memref_slice %arg5[%dma_start3A_222, %dma_start3A_223, %dma_start3A_230, %dma_start3A_231] : memref<8x2x8x129xf32, #tpu.memory_space<vmem>> -> memref<1x1x8x128xf32, #tpu.memory_space<vmem>>
    %dma_start3A_233 = tpu.memref_squeeze %dma_start3A_232 : memref<1x1x8x128xf32, #tpu.memory_space<vmem>> -> memref<8x128xf32, #tpu.memory_space<vmem>>
    %dma_start3A_234 = arith.constant 0 : i32
    %dma_start3A_235 = tpu.memref_slice %arg2[%dma_start3A_234, %mul3A_221] : memref<16x1000000xf32, #tpu.memory_space<hbm>> -> memref<8x128xf32, #tpu.memory_space<hbm>>
    tpu.enqueue_dma source(%dma_start3A_235 : memref<8x128xf32, #tpu.memory_space<hbm>>) target(%dma_start3A_233 : memref<8x128xf32, #tpu.memory_space<vmem>>) target_semaphore(%arg7 : memref<!tpu.dma_semaphore, #tpu.memory_space<semaphore_mem>>)
    %mul3A_236 = arith.constant 128 : i32
    %mul3A_237 = arith.muli %add3A_219, %mul3A_236 : i32
    %dma_start3A_238 = arith.constant 5 : i32
    %dma_start3A_239 = arith.constant 1 : i32
    %dma_start3A_240 = arith.constant 0 : i32
    %dma_start3A_241 = arith.constant 0 : i32
    %dma_start3A_242 = tpu.memref_slice %arg5[%dma_start3A_238, %dma_start3A_239, %dma_start3A_240, %dma_start3A_241] : memref<8x2x8x129xf32, #tpu.memory_space<vmem>> -> memref<1x1x8x128xf32, #tpu.memory_space<vmem>>
    %dma_start3A_243 = tpu.memref_squeeze %dma_start3A_242 : memref<1x1x8x128xf32, #tpu.memory_space<vmem>> -> memref<8x128xf32, #tpu.memory_space<vmem>>
    %dma_start3A_244 = arith.constant 8 : i32
    %dma_start3A_245 = tpu.memref_slice %arg2[%dma_start3A_244, %mul3A_237] : memref<16x1000000xf32, #tpu.memory_space<hbm>> -> memref<8x128xf32, #tpu.memory_space<hbm>>
    %dma_start3A_246 = arith.constant 0 : i32
    %dma_start3A_247 = arith.constant 0 : i32
    %dma_start3A_248 = tpu.memref_slice %arg5[%dma_start3A_238, %dma_start3A_239, %dma_start3A_246, %dma_start3A_247] : memref<8x2x8x129xf32, #tpu.memory_space<vmem>> -> memref<1x1x8x128xf32, #tpu.memory_space<vmem>>
    %dma_start3A_249 = tpu.memref_squeeze %dma_start3A_248 : memref<1x1x8x128xf32, #tpu.memory_space<vmem>> -> memref<8x128xf32, #tpu.memory_space<vmem>>
    %dma_start3A_250 = arith.constant 8 : i32
    %dma_start3A_251 = tpu.memref_slice %arg2[%dma_start3A_250, %mul3A_237] : memref<16x1000000xf32, #tpu.memory_space<hbm>> -> memref<8x128xf32, #tpu.memory_space<hbm>>
    tpu.enqueue_dma source(%dma_start3A_251 : memref<8x128xf32, #tpu.memory_space<hbm>>) target(%dma_start3A_249 : memref<8x128xf32, #tpu.memory_space<vmem>>) target_semaphore(%arg7 : memref<!tpu.dma_semaphore, #tpu.memory_space<semaphore_mem>>)
    %add3A_252 = arith.constant 192 : i32
    %add3A_253 = arith.addi %add3A, %add3A_252 : i32
    %mul3A_254 = arith.constant 128 : i32
    %mul3A_255 = arith.muli %add3A_253, %mul3A_254 : i32
    %dma_start3A_256 = arith.constant 6 : i32
    %dma_start3A_257 = arith.constant 0 : i32
    %dma_start3A_258 = arith.constant 0 : i32
    %dma_start3A_259 = arith.constant 0 : i32
    %dma_start3A_260 = tpu.memref_slice %arg5[%dma_start3A_256, %dma_start3A_257, %dma_start3A_258, %dma_start3A_259] : memref<8x2x8x129xf32, #tpu.memory_space<vmem>> -> memref<1x1x8x128xf32, #tpu.memory_space<vmem>>
    %dma_start3A_261 = tpu.memref_squeeze %dma_start3A_260 : memref<1x1x8x128xf32, #tpu.memory_space<vmem>> -> memref<8x128xf32, #tpu.memory_space<vmem>>
    %dma_start3A_262 = arith.constant 0 : i32
    %dma_start3A_263 = tpu.memref_slice %arg2[%dma_start3A_262, %mul3A_255] : memref<16x1000000xf32, #tpu.memory_space<hbm>> -> memref<8x128xf32, #tpu.memory_space<hbm>>
    %dma_start3A_264 = arith.constant 0 : i32
    %dma_start3A_265 = arith.constant 0 : i32
    %dma_start3A_266 = tpu.memref_slice %arg5[%dma_start3A_256, %dma_start3A_257, %dma_start3A_264, %dma_start3A_265] : memref<8x2x8x129xf32, #tpu.memory_space<vmem>> -> memref<1x1x8x128xf32, #tpu.memory_space<vmem>>
    %dma_start3A_267 = tpu.memref_squeeze %dma_start3A_266 : memref<1x1x8x128xf32, #tpu.memory_space<vmem>> -> memref<8x128xf32, #tpu.memory_space<vmem>>
    %dma_start3A_268 = arith.constant 0 : i32
    %dma_start3A_269 = tpu.memref_slice %arg2[%dma_start3A_268, %mul3A_255] : memref<16x1000000xf32, #tpu.memory_space<hbm>> -> memref<8x128xf32, #tpu.memory_space<hbm>>
    tpu.enqueue_dma source(%dma_start3A_269 : memref<8x128xf32, #tpu.memory_space<hbm>>) target(%dma_start3A_267 : memref<8x128xf32, #tpu.memory_space<vmem>>) target_semaphore(%arg7 : memref<!tpu.dma_semaphore, #tpu.memory_space<semaphore_mem>>)
    %mul3A_270 = arith.constant 128 : i32
    %mul3A_271 = arith.muli %add3A_253, %mul3A_270 : i32
    %dma_start3A_272 = arith.constant 6 : i32
    %dma_start3A_273 = arith.constant 1 : i32
    %dma_start3A_274 = arith.constant 0 : i32
    %dma_start3A_275 = arith.constant 0 : i32
    %dma_start3A_276 = tpu.memref_slice %arg5[%dma_start3A_272, %dma_start3A_273, %dma_start3A_274, %dma_start3A_275] : memref<8x2x8x129xf32, #tpu.memory_space<vmem>> -> memref<1x1x8x128xf32, #tpu.memory_space<vmem>>
    %dma_start3A_277 = tpu.memref_squeeze %dma_start3A_276 : memref<1x1x8x128xf32, #tpu.memory_space<vmem>> -> memref<8x128xf32, #tpu.memory_space<vmem>>
    %dma_start3A_278 = arith.constant 8 : i32
    %dma_start3A_279 = tpu.memref_slice %arg2[%dma_start3A_278, %mul3A_271] : memref<16x1000000xf32, #tpu.memory_space<hbm>> -> memref<8x128xf32, #tpu.memory_space<hbm>>
    %dma_start3A_280 = arith.constant 0 : i32
    %dma_start3A_281 = arith.constant 0 : i32
    %dma_start3A_282 = tpu.memref_slice %arg5[%dma_start3A_272, %dma_start3A_273, %dma_start3A_280, %dma_start3A_281] : memref<8x2x8x129xf32, #tpu.memory_space<vmem>> -> memref<1x1x8x128xf32, #tpu.memory_space<vmem>>
    %dma_start3A_283 = tpu.memref_squeeze %dma_start3A_282 : memref<1x1x8x128xf32, #tpu.memory_space<vmem>> -> memref<8x128xf32, #tpu.memory_space<vmem>>
    %dma_start3A_284 = arith.constant 8 : i32
    %dma_start3A_285 = tpu.memref_slice %arg2[%dma_start3A_284, %mul3A_271] : memref<16x1000000xf32, #tpu.memory_space<hbm>> -> memref<8x128xf32, #tpu.memory_space<hbm>>
    tpu.enqueue_dma source(%dma_start3A_285 : memref<8x128xf32, #tpu.memory_space<hbm>>) target(%dma_start3A_283 : memref<8x128xf32, #tpu.memory_space<vmem>>) target_semaphore(%arg7 : memref<!tpu.dma_semaphore, #tpu.memory_space<semaphore_mem>>)
    %while3A = arith.constant 0 : i32
    %while3A_286 = arith.constant 0 : i32
    %while3A_287 = arith.subi %select_n3A, %while3A_286 : i32
    %while3A_288 = arith.addi %while3A_286, %while3A_287 : i32
    %while3A_289 = arith.constant 1 : i32
    %while3A_290 = arith.divsi %while3A_287, %while3A_289 : i32
    %while3A_291 = arith.muli %while3A_290, %while3A_289 : i32
    %while3A_292 = arith.addi %while3A_286, %while3A_291 : i32
    %while3A_293 = arith.constant 1 : i32
    scf.for %while3A_465 = %while3A_286 to %while3A_292 step %while3A_293  : i32 {
      %rem3A_466 = arith.constant 8 : i32
      %rem3A_467 = arith.remsi %while3A_465, %rem3A_466 : i32
      %mul3A_468 = arith.constant 32 : i32
      %mul3A_469 = arith.muli %while3A_465, %mul3A_468 : i32
      %add3A_470 = arith.addi %add3A, %mul3A_469 : i32
      %add3A_471 = arith.constant 8 : i32
      %add3A_472 = arith.addi %while3A_465, %add3A_471 : i32
      %sub3A_473 = arith.constant 1 : i32
      %sub3A_474 = arith.subi %add3A_472, %sub3A_473 : i32
      %lt3A_475 = arith.cmpi slt, %sub3A_474, %select_n3A : i32
      %convert_element_type3A_476 = arith.extui %lt3A_475 : i1 to i32
      %cond3A_477 = arith.constant 0 : i32
      %cond3A_478 = arith.cmpi ne, %convert_element_type3A_476, %cond3A_477 : i32
      scf.if %cond3A_478 {
        %add3A_529 = arith.constant 224 : i32
        %add3A_530 = arith.addi %add3A_470, %add3A_529 : i32
        %add3A_531 = arith.constant 8 : i32
        %add3A_532 = arith.addi %while3A_465, %add3A_531 : i32
        %sub3A_533 = arith.constant 1 : i32
        %sub3A_534 = arith.subi %add3A_532, %sub3A_533 : i32
        %rem3A_535 = arith.constant 8 : i32
        %rem3A_536 = arith.remsi %sub3A_534, %rem3A_535 : i32
        %mul3A_537 = arith.constant 128 : i32
        %mul3A_538 = arith.muli %add3A_530, %mul3A_537 : i32
        %dma_start3A_539 = arith.constant 0 : i32
        %dma_start3A_540 = arith.constant 0 : i32
        %dma_start3A_541 = arith.constant 0 : i32
        %dma_start3A_542 = tpu.memref_slice %arg5[%rem3A_536, %dma_start3A_539, %dma_start3A_540, %dma_start3A_541] : memref<8x2x8x129xf32, #tpu.memory_space<vmem>> -> memref<1x1x8x128xf32, #tpu.memory_space<vmem>>
        %dma_start3A_543 = tpu.memref_squeeze %dma_start3A_542 : memref<1x1x8x128xf32, #tpu.memory_space<vmem>> -> memref<8x128xf32, #tpu.memory_space<vmem>>
        %dma_start3A_544 = arith.constant 0 : i32
        %dma_start3A_545 = tpu.memref_slice %arg2[%dma_start3A_544, %mul3A_538] : memref<16x1000000xf32, #tpu.memory_space<hbm>> -> memref<8x128xf32, #tpu.memory_space<hbm>>
        %dma_start3A_546 = arith.constant 0 : i32
        %dma_start3A_547 = arith.constant 0 : i32
        %dma_start3A_548 = tpu.memref_slice %arg5[%rem3A_536, %dma_start3A_539, %dma_start3A_546, %dma_start3A_547] : memref<8x2x8x129xf32, #tpu.memory_space<vmem>> -> memref<1x1x8x128xf32, #tpu.memory_space<vmem>>
        %dma_start3A_549 = tpu.memref_squeeze %dma_start3A_548 : memref<1x1x8x128xf32, #tpu.memory_space<vmem>> -> memref<8x128xf32, #tpu.memory_space<vmem>>
        %dma_start3A_550 = arith.constant 0 : i32
        %dma_start3A_551 = tpu.memref_slice %arg2[%dma_start3A_550, %mul3A_538] : memref<16x1000000xf32, #tpu.memory_space<hbm>> -> memref<8x128xf32, #tpu.memory_space<hbm>>
        tpu.enqueue_dma source(%dma_start3A_551 : memref<8x128xf32, #tpu.memory_space<hbm>>) target(%dma_start3A_549 : memref<8x128xf32, #tpu.memory_space<vmem>>) target_semaphore(%arg7 : memref<!tpu.dma_semaphore, #tpu.memory_space<semaphore_mem>>)
        %mul3A_552 = arith.constant 128 : i32
        %mul3A_553 = arith.muli %add3A_530, %mul3A_552 : i32
        %dma_start3A_554 = arith.constant 1 : i32
        %dma_start3A_555 = arith.constant 0 : i32
        %dma_start3A_556 = arith.constant 0 : i32
        %dma_start3A_557 = tpu.memref_slice %arg5[%rem3A_536, %dma_start3A_554, %dma_start3A_555, %dma_start3A_556] : memref<8x2x8x129xf32, #tpu.memory_space<vmem>> -> memref<1x1x8x128xf32, #tpu.memory_space<vmem>>
        %dma_start3A_558 = tpu.memref_squeeze %dma_start3A_557 : memref<1x1x8x128xf32, #tpu.memory_space<vmem>> -> memref<8x128xf32, #tpu.memory_space<vmem>>
        %dma_start3A_559 = arith.constant 8 : i32
        %dma_start3A_560 = tpu.memref_slice %arg2[%dma_start3A_559, %mul3A_553] : memref<16x1000000xf32, #tpu.memory_space<hbm>> -> memref<8x128xf32, #tpu.memory_space<hbm>>
        %dma_start3A_561 = arith.constant 0 : i32
        %dma_start3A_562 = arith.constant 0 : i32
        %dma_start3A_563 = tpu.memref_slice %arg5[%rem3A_536, %dma_start3A_554, %dma_start3A_561, %dma_start3A_562] : memref<8x2x8x129xf32, #tpu.memory_space<vmem>> -> memref<1x1x8x128xf32, #tpu.memory_space<vmem>>
        %dma_start3A_564 = tpu.memref_squeeze %dma_start3A_563 : memref<1x1x8x128xf32, #tpu.memory_space<vmem>> -> memref<8x128xf32, #tpu.memory_space<vmem>>
        %dma_start3A_565 = arith.constant 8 : i32
        %dma_start3A_566 = tpu.memref_slice %arg2[%dma_start3A_565, %mul3A_553] : memref<16x1000000xf32, #tpu.memory_space<hbm>> -> memref<8x128xf32, #tpu.memory_space<hbm>>
        tpu.enqueue_dma source(%dma_start3A_566 : memref<8x128xf32, #tpu.memory_space<hbm>>) target(%dma_start3A_564 : memref<8x128xf32, #tpu.memory_space<vmem>>) target_semaphore(%arg7 : memref<!tpu.dma_semaphore, #tpu.memory_space<semaphore_mem>>)
      } else {
      }
      %mul3A_479 = arith.constant 128 : i32
      %mul3A_480 = arith.muli %add3A_470, %mul3A_479 : i32
      %dma_wait3A_481 = arith.constant 0 : i32
      %dma_wait3A_482 = arith.constant 0 : i32
      %dma_wait3A_483 = arith.constant 0 : i32
      %dma_wait3A_484 = tpu.memref_slice %arg5[%rem3A_467, %dma_wait3A_481, %dma_wait3A_482, %dma_wait3A_483] : memref<8x2x8x129xf32, #tpu.memory_space<vmem>> -> memref<1x1x8x128xf32, #tpu.memory_space<vmem>>
      %dma_wait3A_485 = tpu.memref_squeeze %dma_wait3A_484 : memref<1x1x8x128xf32, #tpu.memory_space<vmem>> -> memref<8x128xf32, #tpu.memory_space<vmem>>
      %dma_wait3A_486 = arith.constant 0 : i32
      %dma_wait3A_487 = tpu.memref_slice %arg2[%dma_wait3A_486, %mul3A_480] : memref<16x1000000xf32, #tpu.memory_space<hbm>> -> memref<8x128xf32, #tpu.memory_space<hbm>>
      %dma_wait3A_488 = arith.constant 0 : i32
      %dma_wait3A_489 = arith.constant 0 : i32
      %dma_wait3A_490 = tpu.memref_slice %arg5[%rem3A_467, %dma_wait3A_481, %dma_wait3A_488, %dma_wait3A_489] : memref<8x2x8x129xf32, #tpu.memory_space<vmem>> -> memref<1x1x8x128xf32, #tpu.memory_space<vmem>>
      %dma_wait3A_491 = tpu.memref_squeeze %dma_wait3A_490 : memref<1x1x8x128xf32, #tpu.memory_space<vmem>> -> memref<8x128xf32, #tpu.memory_space<vmem>>
      %dma_wait3A_492 = arith.constant 0 : i32
      %dma_wait3A_493 = tpu.memref_slice %arg2[%dma_wait3A_492, %mul3A_480] : memref<16x1000000xf32, #tpu.memory_space<hbm>> -> memref<8x128xf32, #tpu.memory_space<hbm>>
      tpu.wait_dma2 semaphore(%arg7 : memref<!tpu.dma_semaphore, #tpu.memory_space<semaphore_mem>>) src(%dma_wait3A_493 : memref<8x128xf32, #tpu.memory_space<hbm>>) dst(%dma_wait3A_491 : memref<8x128xf32, #tpu.memory_space<vmem>>)
      %mul3A_494 = arith.constant 128 : i32
      %mul3A_495 = arith.muli %add3A_470, %mul3A_494 : i32
      %dma_wait3A_496 = arith.constant 1 : i32
      %dma_wait3A_497 = arith.constant 0 : i32
      %dma_wait3A_498 = arith.constant 0 : i32
      %dma_wait3A_499 = tpu.memref_slice %arg5[%rem3A_467, %dma_wait3A_496, %dma_wait3A_497, %dma_wait3A_498] : memref<8x2x8x129xf32, #tpu.memory_space<vmem>> -> memref<1x1x8x128xf32, #tpu.memory_space<vmem>>
      %dma_wait3A_500 = tpu.memref_squeeze %dma_wait3A_499 : memref<1x1x8x128xf32, #tpu.memory_space<vmem>> -> memref<8x128xf32, #tpu.memory_space<vmem>>
      %dma_wait3A_501 = arith.constant 8 : i32
      %dma_wait3A_502 = tpu.memref_slice %arg2[%dma_wait3A_501, %mul3A_495] : memref<16x1000000xf32, #tpu.memory_space<hbm>> -> memref<8x128xf32, #tpu.memory_space<hbm>>
      %dma_wait3A_503 = arith.constant 0 : i32
      %dma_wait3A_504 = arith.constant 0 : i32
      %dma_wait3A_505 = tpu.memref_slice %arg5[%rem3A_467, %dma_wait3A_496, %dma_wait3A_503, %dma_wait3A_504] : memref<8x2x8x129xf32, #tpu.memory_space<vmem>> -> memref<1x1x8x128xf32, #tpu.memory_space<vmem>>
      %dma_wait3A_506 = tpu.memref_squeeze %dma_wait3A_505 : memref<1x1x8x128xf32, #tpu.memory_space<vmem>> -> memref<8x128xf32, #tpu.memory_space<vmem>>
      %dma_wait3A_507 = arith.constant 8 : i32
      %dma_wait3A_508 = tpu.memref_slice %arg2[%dma_wait3A_507, %mul3A_495] : memref<16x1000000xf32, #tpu.memory_space<hbm>> -> memref<8x128xf32, #tpu.memory_space<hbm>>
      tpu.wait_dma2 semaphore(%arg7 : memref<!tpu.dma_semaphore, #tpu.memory_space<semaphore_mem>>) src(%dma_wait3A_508 : memref<8x128xf32, #tpu.memory_space<hbm>>) dst(%dma_wait3A_506 : memref<8x128xf32, #tpu.memory_space<vmem>>)
      %ge3A = arith.constant 8 : i32
      %ge3A_509 = arith.cmpi sge, %while3A_465, %ge3A : i32
      %convert_element_type3A_510 = arith.extui %ge3A_509 : i1 to i32
      %cond3A_511 = arith.constant 0 : i32
      %cond3A_512 = arith.cmpi ne, %convert_element_type3A_510, %cond3A_511 : i32
      scf.if %cond3A_512 {
        %sub3A_529 = arith.constant 256 : i32
        %sub3A_530 = arith.subi %add3A_470, %sub3A_529 : i32
        %mul3A_531 = arith.constant 16 : i32
        %mul3A_532 = arith.muli %sub3A_530, %mul3A_531 : i32
        %dma_wait3A_533 = arith.constant 0 : i32
        %dma_wait3A_534 = arith.constant 0 : i32
        %dma_wait3A_535 = tpu.memref_slice %arg6[%rem3A_467, %dma_wait3A_533, %dma_wait3A_534] : memref<8x16x128xf32, #tpu.memory_space<vmem>> -> memref<1x16x128xf32, #tpu.memory_space<vmem>>
        %dma_wait3A_536 = tpu.memref_squeeze %dma_wait3A_535 : memref<1x16x128xf32, #tpu.memory_space<vmem>> -> memref<16x128xf32, #tpu.memory_space<vmem>>
        %dma_wait3A_537 = arith.constant 0 : i32
        %dma_wait3A_538 = tpu.memref_slice %arg4[%mul3A_532, %dma_wait3A_537] : memref<125000x128xf32, #tpu.memory_space<hbm>> -> memref<16x128xf32, #tpu.memory_space<hbm>>
        %dma_wait3A_539 = arith.constant 0 : i32
        %dma_wait3A_540 = tpu.memref_slice %arg4[%mul3A_532, %dma_wait3A_539] : memref<125000x128xf32, #tpu.memory_space<hbm>> -> memref<16x128xf32, #tpu.memory_space<hbm>>
        %dma_wait3A_541 = arith.constant 0 : i32
        %dma_wait3A_542 = arith.constant 0 : i32
        %dma_wait3A_543 = tpu.memref_slice %arg6[%rem3A_467, %dma_wait3A_541, %dma_wait3A_542] : memref<8x16x128xf32, #tpu.memory_space<vmem>> -> memref<1x16x128xf32, #tpu.memory_space<vmem>>
        %dma_wait3A_544 = tpu.memref_squeeze %dma_wait3A_543 : memref<1x16x128xf32, #tpu.memory_space<vmem>> -> memref<16x128xf32, #tpu.memory_space<vmem>>
        tpu.wait_dma2 semaphore(%arg8 : memref<!tpu.dma_semaphore, #tpu.memory_space<semaphore_mem>>) src(%dma_wait3A_544 : memref<16x128xf32, #tpu.memory_space<vmem>>) dst(%dma_wait3A_540 : memref<16x128xf32, #tpu.memory_space<hbm>>)
      } else {
      }
      %parallel_loop3A = arith.constant 0 : i32
      %parallel_loop3A_513 = arith.constant 8 : i32
      %parallel_loop3A_514 = arith.constant 1 : i32
      scf.for %parallel_loop3A_529 = %parallel_loop3A to %parallel_loop3A_513 step %parallel_loop3A_514  : i32 {
        %parallel_loop3A_530 = vector.broadcast %parallel_loop3A_529 : i32 to vector<16xi32>
        %parallel_loop3A_531 = arith.constant 0 : i32
        %parallel_loop3A_532 = arith.constant 0 : i32
        %parallel_loop3A_533 = arith.constant 0 : i32
        %parallel_loop3A_534 = tpu.memref_slice %arg5[%rem3A_467, %parallel_loop3A_531, %parallel_loop3A_532, %parallel_loop3A_533] : memref<8x2x8x129xf32, #tpu.memory_space<vmem>> -> memref<1x2x8x129xf32, #tpu.memory_space<vmem>>
        %parallel_loop3A_535 = tpu.memref_squeeze %parallel_loop3A_534 : memref<1x2x8x129xf32, #tpu.memory_space<vmem>> -> memref<2x8x129xf32, #tpu.memory_space<vmem>>
        %parallel_loop3A_536 = tpu.vector_load_idx %parallel_loop3A_535[%select_n3A_27, %select_n3A_48, %parallel_loop3A_530] : memref<2x8x129xf32, #tpu.memory_space<vmem>>[vector<16xi32>, vector<16xi32>, vector<16xi32>], vector<16xf32>,
        %parallel_loop3A_537 = arith.constant 8 : i32
        %parallel_loop3A_538 = arith.divsi %parallel_loop3A_529, %parallel_loop3A_537 : i32
        %parallel_loop3A_539 = arith.constant 8 : i32
        %parallel_loop3A_540 = arith.remsi %parallel_loop3A_529, %parallel_loop3A_539 : i32
        %parallel_loop3A_541 = arith.constant 16 : i32
        %parallel_loop3A_542 = arith.muli %parallel_loop3A_540, %parallel_loop3A_541 : i32
        %parallel_loop3A_543 = arith.constant 0 : i32
        %parallel_loop3A_544 = arith.constant 0 : i32
        %parallel_loop3A_545 = tpu.memref_slice %arg6[%rem3A_467, %parallel_loop3A_543, %parallel_loop3A_544] : memref<8x16x128xf32, #tpu.memory_space<vmem>> -> memref<1x16x128xf32, #tpu.memory_space<vmem>>
        %parallel_loop3A_546 = tpu.memref_squeeze %parallel_loop3A_545 : memref<1x16x128xf32, #tpu.memory_space<vmem>> -> memref<16x128xf32, #tpu.memory_space<vmem>>
        %parallel_loop3A_547 = arith.index_cast %parallel_loop3A_538 : i32 to index
        %parallel_loop3A_548 = arith.index_cast %parallel_loop3A_542 : i32 to index
        %parallel_loop3A_549 = tpu.vector_load %parallel_loop3A_546[%parallel_loop3A_547, %parallel_loop3A_548] {strides = array<i32>} : memref<16x128xf32, #tpu.memory_space<vmem>>, vector<16xf32>,
        tpu.vector_store %parallel_loop3A_546[%parallel_loop3A_547, %parallel_loop3A_548], %parallel_loop3A_536 {strides = array<i32>} : memref<16x128xf32, #tpu.memory_space<vmem>>, vector<16xf32>,
      } {sc.loop_unroll_factor = 8 : i64, sc.parallel_access}
      %mul3A_515 = arith.constant 16 : i32
      %mul3A_516 = arith.muli %add3A_470, %mul3A_515 : i32
      %dma_start3A_517 = arith.constant 0 : i32
      %dma_start3A_518 = arith.constant 0 : i32
      %dma_start3A_519 = tpu.memref_slice %arg6[%rem3A_467, %dma_start3A_517, %dma_start3A_518] : memref<8x16x128xf32, #tpu.memory_space<vmem>> -> memref<1x16x128xf32, #tpu.memory_space<vmem>>
      %dma_start3A_520 = tpu.memref_squeeze %dma_start3A_519 : memref<1x16x128xf32, #tpu.memory_space<vmem>> -> memref<16x128xf32, #tpu.memory_space<vmem>>
      %dma_start3A_521 = arith.constant 0 : i32
      %dma_start3A_522 = tpu.memref_slice %arg4[%mul3A_516, %dma_start3A_521] : memref<125000x128xf32, #tpu.memory_space<hbm>> -> memref<16x128xf32, #tpu.memory_space<hbm>>
      %dma_start3A_523 = arith.constant 0 : i32
      %dma_start3A_524 = tpu.memref_slice %arg4[%mul3A_516, %dma_start3A_523] : memref<125000x128xf32, #tpu.memory_space<hbm>> -> memref<16x128xf32, #tpu.memory_space<hbm>>
      %dma_start3A_525 = arith.constant 0 : i32
      %dma_start3A_526 = arith.constant 0 : i32
      %dma_start3A_527 = tpu.memref_slice %arg6[%rem3A_467, %dma_start3A_525, %dma_start3A_526] : memref<8x16x128xf32, #tpu.memory_space<vmem>> -> memref<1x16x128xf32, #tpu.memory_space<vmem>>
      %dma_start3A_528 = tpu.memref_squeeze %dma_start3A_527 : memref<1x16x128xf32, #tpu.memory_space<vmem>> -> memref<16x128xf32, #tpu.memory_space<vmem>>
      tpu.enqueue_dma source(%dma_start3A_528 : memref<16x128xf32, #tpu.memory_space<vmem>>) target(%dma_start3A_524 : memref<16x128xf32, #tpu.memory_space<hbm>>) target_semaphore(%arg8 : memref<!tpu.dma_semaphore, #tpu.memory_space<semaphore_mem>>)
    }
    %while3A_294 = arith.constant 1 : i32
    scf.for %while3A_465 = %while3A_292 to %while3A_288 step %while3A_294  : i32 {
      %rem3A_466 = arith.constant 8 : i32
      %rem3A_467 = arith.remsi %while3A_465, %rem3A_466 : i32
      %mul3A_468 = arith.constant 32 : i32
      %mul3A_469 = arith.muli %while3A_465, %mul3A_468 : i32
      %add3A_470 = arith.addi %add3A, %mul3A_469 : i32
      %add3A_471 = arith.constant 8 : i32
      %add3A_472 = arith.addi %while3A_465, %add3A_471 : i32
      %sub3A_473 = arith.constant 1 : i32
      %sub3A_474 = arith.subi %add3A_472, %sub3A_473 : i32
      %lt3A_475 = arith.cmpi slt, %sub3A_474, %select_n3A : i32
      %convert_element_type3A_476 = arith.extui %lt3A_475 : i1 to i32
      %cond3A_477 = arith.constant 0 : i32
      %cond3A_478 = arith.cmpi ne, %convert_element_type3A_476, %cond3A_477 : i32
      scf.if %cond3A_478 {
        %add3A_529 = arith.constant 224 : i32
        %add3A_530 = arith.addi %add3A_470, %add3A_529 : i32
        %add3A_531 = arith.constant 8 : i32
        %add3A_532 = arith.addi %while3A_465, %add3A_531 : i32
        %sub3A_533 = arith.constant 1 : i32
        %sub3A_534 = arith.subi %add3A_532, %sub3A_533 : i32
        %rem3A_535 = arith.constant 8 : i32
        %rem3A_536 = arith.remsi %sub3A_534, %rem3A_535 : i32
        %mul3A_537 = arith.constant 128 : i32
        %mul3A_538 = arith.muli %add3A_530, %mul3A_537 : i32
        %dma_start3A_539 = arith.constant 0 : i32
        %dma_start3A_540 = arith.constant 0 : i32
        %dma_start3A_541 = arith.constant 0 : i32
        %dma_start3A_542 = tpu.memref_slice %arg5[%rem3A_536, %dma_start3A_539, %dma_start3A_540, %dma_start3A_541] : memref<8x2x8x129xf32, #tpu.memory_space<vmem>> -> memref<1x1x8x128xf32, #tpu.memory_space<vmem>>
        %dma_start3A_543 = tpu.memref_squeeze %dma_start3A_542 : memref<1x1x8x128xf32, #tpu.memory_space<vmem>> -> memref<8x128xf32, #tpu.memory_space<vmem>>
        %dma_start3A_544 = arith.constant 0 : i32
        %dma_start3A_545 = tpu.memref_slice %arg2[%dma_start3A_544, %mul3A_538] : memref<16x1000000xf32, #tpu.memory_space<hbm>> -> memref<8x128xf32, #tpu.memory_space<hbm>>
        %dma_start3A_546 = arith.constant 0 : i32
        %dma_start3A_547 = arith.constant 0 : i32
        %dma_start3A_548 = tpu.memref_slice %arg5[%rem3A_536, %dma_start3A_539, %dma_start3A_546, %dma_start3A_547] : memref<8x2x8x129xf32, #tpu.memory_space<vmem>> -> memref<1x1x8x128xf32, #tpu.memory_space<vmem>>
        %dma_start3A_549 = tpu.memref_squeeze %dma_start3A_548 : memref<1x1x8x128xf32, #tpu.memory_space<vmem>> -> memref<8x128xf32, #tpu.memory_space<vmem>>
        %dma_start3A_550 = arith.constant 0 : i32
        %dma_start3A_551 = tpu.memref_slice %arg2[%dma_start3A_550, %mul3A_538] : memref<16x1000000xf32, #tpu.memory_space<hbm>> -> memref<8x128xf32, #tpu.memory_space<hbm>>
        tpu.enqueue_dma source(%dma_start3A_551 : memref<8x128xf32, #tpu.memory_space<hbm>>) target(%dma_start3A_549 : memref<8x128xf32, #tpu.memory_space<vmem>>) target_semaphore(%arg7 : memref<!tpu.dma_semaphore, #tpu.memory_space<semaphore_mem>>)
        %mul3A_552 = arith.constant 128 : i32
        %mul3A_553 = arith.muli %add3A_530, %mul3A_552 : i32
        %dma_start3A_554 = arith.constant 1 : i32
        %dma_start3A_555 = arith.constant 0 : i32
        %dma_start3A_556 = arith.constant 0 : i32
        %dma_start3A_557 = tpu.memref_slice %arg5[%rem3A_536, %dma_start3A_554, %dma_start3A_555, %dma_start3A_556] : memref<8x2x8x129xf32, #tpu.memory_space<vmem>> -> memref<1x1x8x128xf32, #tpu.memory_space<vmem>>
        %dma_start3A_558 = tpu.memref_squeeze %dma_start3A_557 : memref<1x1x8x128xf32, #tpu.memory_space<vmem>> -> memref<8x128xf32, #tpu.memory_space<vmem>>
        %dma_start3A_559 = arith.constant 8 : i32
        %dma_start3A_560 = tpu.memref_slice %arg2[%dma_start3A_559, %mul3A_553] : memref<16x1000000xf32, #tpu.memory_space<hbm>> -> memref<8x128xf32, #tpu.memory_space<hbm>>
        %dma_start3A_561 = arith.constant 0 : i32
        %dma_start3A_562 = arith.constant 0 : i32
        %dma_start3A_563 = tpu.memref_slice %arg5[%rem3A_536, %dma_start3A_554, %dma_start3A_561, %dma_start3A_562] : memref<8x2x8x129xf32, #tpu.memory_space<vmem>> -> memref<1x1x8x128xf32, #tpu.memory_space<vmem>>
        %dma_start3A_564 = tpu.memref_squeeze %dma_start3A_563 : memref<1x1x8x128xf32, #tpu.memory_space<vmem>> -> memref<8x128xf32, #tpu.memory_space<vmem>>
        %dma_start3A_565 = arith.constant 8 : i32
        %dma_start3A_566 = tpu.memref_slice %arg2[%dma_start3A_565, %mul3A_553] : memref<16x1000000xf32, #tpu.memory_space<hbm>> -> memref<8x128xf32, #tpu.memory_space<hbm>>
        tpu.enqueue_dma source(%dma_start3A_566 : memref<8x128xf32, #tpu.memory_space<hbm>>) target(%dma_start3A_564 : memref<8x128xf32, #tpu.memory_space<vmem>>) target_semaphore(%arg7 : memref<!tpu.dma_semaphore, #tpu.memory_space<semaphore_mem>>)
      } else {
      }
      %mul3A_479 = arith.constant 128 : i32
      %mul3A_480 = arith.muli %add3A_470, %mul3A_479 : i32
      %dma_wait3A_481 = arith.constant 0 : i32
      %dma_wait3A_482 = arith.constant 0 : i32
      %dma_wait3A_483 = arith.constant 0 : i32
      %dma_wait3A_484 = tpu.memref_slice %arg5[%rem3A_467, %dma_wait3A_481, %dma_wait3A_482, %dma_wait3A_483] : memref<8x2x8x129xf32, #tpu.memory_space<vmem>> -> memref<1x1x8x128xf32, #tpu.memory_space<vmem>>
      %dma_wait3A_485 = tpu.memref_squeeze %dma_wait3A_484 : memref<1x1x8x128xf32, #tpu.memory_space<vmem>> -> memref<8x128xf32, #tpu.memory_space<vmem>>
      %dma_wait3A_486 = arith.constant 0 : i32
      %dma_wait3A_487 = tpu.memref_slice %arg2[%dma_wait3A_486, %mul3A_480] : memref<16x1000000xf32, #tpu.memory_space<hbm>> -> memref<8x128xf32, #tpu.memory_space<hbm>>
      %dma_wait3A_488 = arith.constant 0 : i32
      %dma_wait3A_489 = arith.constant 0 : i32
      %dma_wait3A_490 = tpu.memref_slice %arg5[%rem3A_467, %dma_wait3A_481, %dma_wait3A_488, %dma_wait3A_489] : memref<8x2x8x129xf32, #tpu.memory_space<vmem>> -> memref<1x1x8x128xf32, #tpu.memory_space<vmem>>
      %dma_wait3A_491 = tpu.memref_squeeze %dma_wait3A_490 : memref<1x1x8x128xf32, #tpu.memory_space<vmem>> -> memref<8x128xf32, #tpu.memory_space<vmem>>
      %dma_wait3A_492 = arith.constant 0 : i32
      %dma_wait3A_493 = tpu.memref_slice %arg2[%dma_wait3A_492, %mul3A_480] : memref<16x1000000xf32, #tpu.memory_space<hbm>> -> memref<8x128xf32, #tpu.memory_space<hbm>>
      tpu.wait_dma2 semaphore(%arg7 : memref<!tpu.dma_semaphore, #tpu.memory_space<semaphore_mem>>) src(%dma_wait3A_493 : memref<8x128xf32, #tpu.memory_space<hbm>>) dst(%dma_wait3A_491 : memref<8x128xf32, #tpu.memory_space<vmem>>)
      %mul3A_494 = arith.constant 128 : i32
      %mul3A_495 = arith.muli %add3A_470, %mul3A_494 : i32
      %dma_wait3A_496 = arith.constant 1 : i32
      %dma_wait3A_497 = arith.constant 0 : i32
      %dma_wait3A_498 = arith.constant 0 : i32
      %dma_wait3A_499 = tpu.memref_slice %arg5[%rem3A_467, %dma_wait3A_496, %dma_wait3A_497, %dma_wait3A_498] : memref<8x2x8x129xf32, #tpu.memory_space<vmem>> -> memref<1x1x8x128xf32, #tpu.memory_space<vmem>>
      %dma_wait3A_500 = tpu.memref_squeeze %dma_wait3A_499 : memref<1x1x8x128xf32, #tpu.memory_space<vmem>> -> memref<8x128xf32, #tpu.memory_space<vmem>>
      %dma_wait3A_501 = arith.constant 8 : i32
      %dma_wait3A_502 = tpu.memref_slice %arg2[%dma_wait3A_501, %mul3A_495] : memref<16x1000000xf32, #tpu.memory_space<hbm>> -> memref<8x128xf32, #tpu.memory_space<hbm>>
      %dma_wait3A_503 = arith.constant 0 : i32
      %dma_wait3A_504 = arith.constant 0 : i32
      %dma_wait3A_505 = tpu.memref_slice %arg5[%rem3A_467, %dma_wait3A_496, %dma_wait3A_503, %dma_wait3A_504] : memref<8x2x8x129xf32, #tpu.memory_space<vmem>> -> memref<1x1x8x128xf32, #tpu.memory_space<vmem>>
      %dma_wait3A_506 = tpu.memref_squeeze %dma_wait3A_505 : memref<1x1x8x128xf32, #tpu.memory_space<vmem>> -> memref<8x128xf32, #tpu.memory_space<vmem>>
      %dma_wait3A_507 = arith.constant 8 : i32
      %dma_wait3A_508 = tpu.memref_slice %arg2[%dma_wait3A_507, %mul3A_495] : memref<16x1000000xf32, #tpu.memory_space<hbm>> -> memref<8x128xf32, #tpu.memory_space<hbm>>
      tpu.wait_dma2 semaphore(%arg7 : memref<!tpu.dma_semaphore, #tpu.memory_space<semaphore_mem>>) src(%dma_wait3A_508 : memref<8x128xf32, #tpu.memory_space<hbm>>) dst(%dma_wait3A_506 : memref<8x128xf32, #tpu.memory_space<vmem>>)
      %ge3A = arith.constant 8 : i32
      %ge3A_509 = arith.cmpi sge, %while3A_465, %ge3A : i32
      %convert_element_type3A_510 = arith.extui %ge3A_509 : i1 to i32
      %cond3A_511 = arith.constant 0 : i32
      %cond3A_512 = arith.cmpi ne, %convert_element_type3A_510, %cond3A_511 : i32
      scf.if %cond3A_512 {
        %sub3A_529 = arith.constant 256 : i32
        %sub3A_530 = arith.subi %add3A_470, %sub3A_529 : i32
        %mul3A_531 = arith.constant 16 : i32
        %mul3A_532 = arith.muli %sub3A_530, %mul3A_531 : i32
        %dma_wait3A_533 = arith.constant 0 : i32
        %dma_wait3A_534 = arith.constant 0 : i32
        %dma_wait3A_535 = tpu.memref_slice %arg6[%rem3A_467, %dma_wait3A_533, %dma_wait3A_534] : memref<8x16x128xf32, #tpu.memory_space<vmem>> -> memref<1x16x128xf32, #tpu.memory_space<vmem>>
        %dma_wait3A_536 = tpu.memref_squeeze %dma_wait3A_535 : memref<1x16x128xf32, #tpu.memory_space<vmem>> -> memref<16x128xf32, #tpu.memory_space<vmem>>
        %dma_wait3A_537 = arith.constant 0 : i32
        %dma_wait3A_538 = tpu.memref_slice %arg4[%mul3A_532, %dma_wait3A_537] : memref<125000x128xf32, #tpu.memory_space<hbm>> -> memref<16x128xf32, #tpu.memory_space<hbm>>
        %dma_wait3A_539 = arith.constant 0 : i32
        %dma_wait3A_540 = tpu.memref_slice %arg4[%mul3A_532, %dma_wait3A_539] : memref<125000x128xf32, #tpu.memory_space<hbm>> -> memref<16x128xf32, #tpu.memory_space<hbm>>
        %dma_wait3A_541 = arith.constant 0 : i32
        %dma_wait3A_542 = arith.constant 0 : i32
        %dma_wait3A_543 = tpu.memref_slice %arg6[%rem3A_467, %dma_wait3A_541, %dma_wait3A_542] : memref<8x16x128xf32, #tpu.memory_space<vmem>> -> memref<1x16x128xf32, #tpu.memory_space<vmem>>
        %dma_wait3A_544 = tpu.memref_squeeze %dma_wait3A_543 : memref<1x16x128xf32, #tpu.memory_space<vmem>> -> memref<16x128xf32, #tpu.memory_space<vmem>>
        tpu.wait_dma2 semaphore(%arg8 : memref<!tpu.dma_semaphore, #tpu.memory_space<semaphore_mem>>) src(%dma_wait3A_544 : memref<16x128xf32, #tpu.memory_space<vmem>>) dst(%dma_wait3A_540 : memref<16x128xf32, #tpu.memory_space<hbm>>)
      } else {
      }
      %parallel_loop3A = arith.constant 0 : i32
      %parallel_loop3A_513 = arith.constant 8 : i32
      %parallel_loop3A_514 = arith.constant 1 : i32
      scf.for %parallel_loop3A_529 = %parallel_loop3A to %parallel_loop3A_513 step %parallel_loop3A_514  : i32 {
        %parallel_loop3A_530 = vector.broadcast %parallel_loop3A_529 : i32 to vector<16xi32>
        %parallel_loop3A_531 = arith.constant 0 : i32
        %parallel_loop3A_532 = arith.constant 0 : i32
        %parallel_loop3A_533 = arith.constant 0 : i32
        %parallel_loop3A_534 = tpu.memref_slice %arg5[%rem3A_467, %parallel_loop3A_531, %parallel_loop3A_532, %parallel_loop3A_533] : memref<8x2x8x129xf32, #tpu.memory_space<vmem>> -> memref<1x2x8x129xf32, #tpu.memory_space<vmem>>
        %parallel_loop3A_535 = tpu.memref_squeeze %parallel_loop3A_534 : memref<1x2x8x129xf32, #tpu.memory_space<vmem>> -> memref<2x8x129xf32, #tpu.memory_space<vmem>>
        %parallel_loop3A_536 = tpu.vector_load_idx %parallel_loop3A_535[%select_n3A_27, %select_n3A_48, %parallel_loop3A_530] : memref<2x8x129xf32, #tpu.memory_space<vmem>>[vector<16xi32>, vector<16xi32>, vector<16xi32>], vector<16xf32>,
        %parallel_loop3A_537 = arith.constant 8 : i32
        %parallel_loop3A_538 = arith.divsi %parallel_loop3A_529, %parallel_loop3A_537 : i32
        %parallel_loop3A_539 = arith.constant 8 : i32
        %parallel_loop3A_540 = arith.remsi %parallel_loop3A_529, %parallel_loop3A_539 : i32
        %parallel_loop3A_541 = arith.constant 16 : i32
        %parallel_loop3A_542 = arith.muli %parallel_loop3A_540, %parallel_loop3A_541 : i32
        %parallel_loop3A_543 = arith.constant 0 : i32
        %parallel_loop3A_544 = arith.constant 0 : i32
        %parallel_loop3A_545 = tpu.memref_slice %arg6[%rem3A_467, %parallel_loop3A_543, %parallel_loop3A_544] : memref<8x16x128xf32, #tpu.memory_space<vmem>> -> memref<1x16x128xf32, #tpu.memory_space<vmem>>
        %parallel_loop3A_546 = tpu.memref_squeeze %parallel_loop3A_545 : memref<1x16x128xf32, #tpu.memory_space<vmem>> -> memref<16x128xf32, #tpu.memory_space<vmem>>
        %parallel_loop3A_547 = arith.index_cast %parallel_loop3A_538 : i32 to index
        %parallel_loop3A_548 = arith.index_cast %parallel_loop3A_542 : i32 to index
        %parallel_loop3A_549 = tpu.vector_load %parallel_loop3A_546[%parallel_loop3A_547, %parallel_loop3A_548] {strides = array<i32>} : memref<16x128xf32, #tpu.memory_space<vmem>>, vector<16xf32>,
        tpu.vector_store %parallel_loop3A_546[%parallel_loop3A_547, %parallel_loop3A_548], %parallel_loop3A_536 {strides = array<i32>} : memref<16x128xf32, #tpu.memory_space<vmem>>, vector<16xf32>,
      } {sc.loop_unroll_factor = 8 : i64, sc.parallel_access}
      %mul3A_515 = arith.constant 16 : i32
      %mul3A_516 = arith.muli %add3A_470, %mul3A_515 : i32
      %dma_start3A_517 = arith.constant 0 : i32
      %dma_start3A_518 = arith.constant 0 : i32
      %dma_start3A_519 = tpu.memref_slice %arg6[%rem3A_467, %dma_start3A_517, %dma_start3A_518] : memref<8x16x128xf32, #tpu.memory_space<vmem>> -> memref<1x16x128xf32, #tpu.memory_space<vmem>>
      %dma_start3A_520 = tpu.memref_squeeze %dma_start3A_519 : memref<1x16x128xf32, #tpu.memory_space<vmem>> -> memref<16x128xf32, #tpu.memory_space<vmem>>
      %dma_start3A_521 = arith.constant 0 : i32
      %dma_start3A_522 = tpu.memref_slice %arg4[%mul3A_516, %dma_start3A_521] : memref<125000x128xf32, #tpu.memory_space<hbm>> -> memref<16x128xf32, #tpu.memory_space<hbm>>
      %dma_start3A_523 = arith.constant 0 : i32
      %dma_start3A_524 = tpu.memref_slice %arg4[%mul3A_516, %dma_start3A_523] : memref<125000x128xf32, #tpu.memory_space<hbm>> -> memref<16x128xf32, #tpu.memory_space<hbm>>
      %dma_start3A_525 = arith.constant 0 : i32
      %dma_start3A_526 = arith.constant 0 : i32
      %dma_start3A_527 = tpu.memref_slice %arg6[%rem3A_467, %dma_start3A_525, %dma_start3A_526] : memref<8x16x128xf32, #tpu.memory_space<vmem>> -> memref<1x16x128xf32, #tpu.memory_space<vmem>>
      %dma_start3A_528 = tpu.memref_squeeze %dma_start3A_527 : memref<1x16x128xf32, #tpu.memory_space<vmem>> -> memref<16x128xf32, #tpu.memory_space<vmem>>
      tpu.enqueue_dma source(%dma_start3A_528 : memref<16x128xf32, #tpu.memory_space<vmem>>) target(%dma_start3A_524 : memref<16x128xf32, #tpu.memory_space<hbm>>) target_semaphore(%arg8 : memref<!tpu.dma_semaphore, #tpu.memory_space<semaphore_mem>>)
    }
    %sub3A_295 = arith.constant 8 : i32
    %sub3A_296 = arith.subi %select_n3A, %sub3A_295 : i32
    %rem3A_297 = arith.constant 8 : i32
    %rem3A_298 = arith.remsi %sub3A_296, %rem3A_297 : i32
    %mul3A_299 = arith.constant 32 : i32
    %mul3A_300 = arith.muli %sub3A_296, %mul3A_299 : i32
    %add3A_301 = arith.addi %add3A, %mul3A_300 : i32
    %mul3A_302 = arith.constant 16 : i32
    %mul3A_303 = arith.muli %add3A_301, %mul3A_302 : i32
    %dma_wait3A = arith.constant 0 : i32
    %dma_wait3A_304 = arith.constant 0 : i32
    %dma_wait3A_305 = tpu.memref_slice %arg6[%rem3A_298, %dma_wait3A, %dma_wait3A_304] : memref<8x16x128xf32, #tpu.memory_space<vmem>> -> memref<1x16x128xf32, #tpu.memory_space<vmem>>
    %dma_wait3A_306 = tpu.memref_squeeze %dma_wait3A_305 : memref<1x16x128xf32, #tpu.memory_space<vmem>> -> memref<16x128xf32, #tpu.memory_space<vmem>>
    %dma_wait3A_307 = arith.constant 0 : i32
    %dma_wait3A_308 = tpu.memref_slice %arg4[%mul3A_303, %dma_wait3A_307] : memref<125000x128xf32, #tpu.memory_space<hbm>> -> memref<16x128xf32, #tpu.memory_space<hbm>>
    %dma_wait3A_309 = arith.constant 0 : i32
    %dma_wait3A_310 = tpu.memref_slice %arg4[%mul3A_303, %dma_wait3A_309] : memref<125000x128xf32, #tpu.memory_space<hbm>> -> memref<16x128xf32, #tpu.memory_space<hbm>>
    %dma_wait3A_311 = arith.constant 0 : i32
    %dma_wait3A_312 = arith.constant 0 : i32
    %dma_wait3A_313 = tpu.memref_slice %arg6[%rem3A_298, %dma_wait3A_311, %dma_wait3A_312] : memref<8x16x128xf32, #tpu.memory_space<vmem>> -> memref<1x16x128xf32, #tpu.memory_space<vmem>>
    %dma_wait3A_314 = tpu.memref_squeeze %dma_wait3A_313 : memref<1x16x128xf32, #tpu.memory_space<vmem>> -> memref<16x128xf32, #tpu.memory_space<vmem>>
    tpu.wait_dma2 semaphore(%arg8 : memref<!tpu.dma_semaphore, #tpu.memory_space<semaphore_mem>>) src(%dma_wait3A_314 : memref<16x128xf32, #tpu.memory_space<vmem>>) dst(%dma_wait3A_310 : memref<16x128xf32, #tpu.memory_space<hbm>>)
    %sub3A_315 = arith.constant 7 : i32
    %sub3A_316 = arith.subi %select_n3A, %sub3A_315 : i32
    %rem3A_317 = arith.constant 8 : i32
    %rem3A_318 = arith.remsi %sub3A_316, %rem3A_317 : i32
    %mul3A_319 = arith.constant 32 : i32
    %mul3A_320 = arith.muli %sub3A_316, %mul3A_319 : i32
    %add3A_321 = arith.addi %add3A, %mul3A_320 : i32
    %mul3A_322 = arith.constant 16 : i32
    %mul3A_323 = arith.muli %add3A_321, %mul3A_322 : i32
    %dma_wait3A_324 = arith.constant 0 : i32
    %dma_wait3A_325 = arith.constant 0 : i32
    %dma_wait3A_326 = tpu.memref_slice %arg6[%rem3A_318, %dma_wait3A_324, %dma_wait3A_325] : memref<8x16x128xf32, #tpu.memory_space<vmem>> -> memref<1x16x128xf32, #tpu.memory_space<vmem>>
    %dma_wait3A_327 = tpu.memref_squeeze %dma_wait3A_326 : memref<1x16x128xf32, #tpu.memory_space<vmem>> -> memref<16x128xf32, #tpu.memory_space<vmem>>
    %dma_wait3A_328 = arith.constant 0 : i32
    %dma_wait3A_329 = tpu.memref_slice %arg4[%mul3A_323, %dma_wait3A_328] : memref<125000x128xf32, #tpu.memory_space<hbm>> -> memref<16x128xf32, #tpu.memory_space<hbm>>
    %dma_wait3A_330 = arith.constant 0 : i32
    %dma_wait3A_331 = tpu.memref_slice %arg4[%mul3A_323, %dma_wait3A_330] : memref<125000x128xf32, #tpu.memory_space<hbm>> -> memref<16x128xf32, #tpu.memory_space<hbm>>
    %dma_wait3A_332 = arith.constant 0 : i32
    %dma_wait3A_333 = arith.constant 0 : i32
    %dma_wait3A_334 = tpu.memref_slice %arg6[%rem3A_318, %dma_wait3A_332, %dma_wait3A_333] : memref<8x16x128xf32, #tpu.memory_space<vmem>> -> memref<1x16x128xf32, #tpu.memory_space<vmem>>
    %dma_wait3A_335 = tpu.memref_squeeze %dma_wait3A_334 : memref<1x16x128xf32, #tpu.memory_space<vmem>> -> memref<16x128xf32, #tpu.memory_space<vmem>>
    tpu.wait_dma2 semaphore(%arg8 : memref<!tpu.dma_semaphore, #tpu.memory_space<semaphore_mem>>) src(%dma_wait3A_335 : memref<16x128xf32, #tpu.memory_space<vmem>>) dst(%dma_wait3A_331 : memref<16x128xf32, #tpu.memory_space<hbm>>)
    %sub3A_336 = arith.constant 6 : i32
    %sub3A_337 = arith.subi %select_n3A, %sub3A_336 : i32
    %rem3A_338 = arith.constant 8 : i32
    %rem3A_339 = arith.remsi %sub3A_337, %rem3A_338 : i32
    %mul3A_340 = arith.constant 32 : i32
    %mul3A_341 = arith.muli %sub3A_337, %mul3A_340 : i32
    %add3A_342 = arith.addi %add3A, %mul3A_341 : i32
    %mul3A_343 = arith.constant 16 : i32
    %mul3A_344 = arith.muli %add3A_342, %mul3A_343 : i32
    %dma_wait3A_345 = arith.constant 0 : i32
    %dma_wait3A_346 = arith.constant 0 : i32
    %dma_wait3A_347 = tpu.memref_slice %arg6[%rem3A_339, %dma_wait3A_345, %dma_wait3A_346] : memref<8x16x128xf32, #tpu.memory_space<vmem>> -> memref<1x16x128xf32, #tpu.memory_space<vmem>>
    %dma_wait3A_348 = tpu.memref_squeeze %dma_wait3A_347 : memref<1x16x128xf32, #tpu.memory_space<vmem>> -> memref<16x128xf32, #tpu.memory_space<vmem>>
    %dma_wait3A_349 = arith.constant 0 : i32
    %dma_wait3A_350 = tpu.memref_slice %arg4[%mul3A_344, %dma_wait3A_349] : memref<125000x128xf32, #tpu.memory_space<hbm>> -> memref<16x128xf32, #tpu.memory_space<hbm>>
    %dma_wait3A_351 = arith.constant 0 : i32
    %dma_wait3A_352 = tpu.memref_slice %arg4[%mul3A_344, %dma_wait3A_351] : memref<125000x128xf32, #tpu.memory_space<hbm>> -> memref<16x128xf32, #tpu.memory_space<hbm>>
    %dma_wait3A_353 = arith.constant 0 : i32
    %dma_wait3A_354 = arith.constant 0 : i32
    %dma_wait3A_355 = tpu.memref_slice %arg6[%rem3A_339, %dma_wait3A_353, %dma_wait3A_354] : memref<8x16x128xf32, #tpu.memory_space<vmem>> -> memref<1x16x128xf32, #tpu.memory_space<vmem>>
    %dma_wait3A_356 = tpu.memref_squeeze %dma_wait3A_355 : memref<1x16x128xf32, #tpu.memory_space<vmem>> -> memref<16x128xf32, #tpu.memory_space<vmem>>
    tpu.wait_dma2 semaphore(%arg8 : memref<!tpu.dma_semaphore, #tpu.memory_space<semaphore_mem>>) src(%dma_wait3A_356 : memref<16x128xf32, #tpu.memory_space<vmem>>) dst(%dma_wait3A_352 : memref<16x128xf32, #tpu.memory_space<hbm>>)
    %sub3A_357 = arith.constant 5 : i32
    %sub3A_358 = arith.subi %select_n3A, %sub3A_357 : i32
    %rem3A_359 = arith.constant 8 : i32
    %rem3A_360 = arith.remsi %sub3A_358, %rem3A_359 : i32
    %mul3A_361 = arith.constant 32 : i32
    %mul3A_362 = arith.muli %sub3A_358, %mul3A_361 : i32
    %add3A_363 = arith.addi %add3A, %mul3A_362 : i32
    %mul3A_364 = arith.constant 16 : i32
    %mul3A_365 = arith.muli %add3A_363, %mul3A_364 : i32
    %dma_wait3A_366 = arith.constant 0 : i32
    %dma_wait3A_367 = arith.constant 0 : i32
    %dma_wait3A_368 = tpu.memref_slice %arg6[%rem3A_360, %dma_wait3A_366, %dma_wait3A_367] : memref<8x16x128xf32, #tpu.memory_space<vmem>> -> memref<1x16x128xf32, #tpu.memory_space<vmem>>
    %dma_wait3A_369 = tpu.memref_squeeze %dma_wait3A_368 : memref<1x16x128xf32, #tpu.memory_space<vmem>> -> memref<16x128xf32, #tpu.memory_space<vmem>>
    %dma_wait3A_370 = arith.constant 0 : i32
    %dma_wait3A_371 = tpu.memref_slice %arg4[%mul3A_365, %dma_wait3A_370] : memref<125000x128xf32, #tpu.memory_space<hbm>> -> memref<16x128xf32, #tpu.memory_space<hbm>>
    %dma_wait3A_372 = arith.constant 0 : i32
    %dma_wait3A_373 = tpu.memref_slice %arg4[%mul3A_365, %dma_wait3A_372] : memref<125000x128xf32, #tpu.memory_space<hbm>> -> memref<16x128xf32, #tpu.memory_space<hbm>>
    %dma_wait3A_374 = arith.constant 0 : i32
    %dma_wait3A_375 = arith.constant 0 : i32
    %dma_wait3A_376 = tpu.memref_slice %arg6[%rem3A_360, %dma_wait3A_374, %dma_wait3A_375] : memref<8x16x128xf32, #tpu.memory_space<vmem>> -> memref<1x16x128xf32, #tpu.memory_space<vmem>>
    %dma_wait3A_377 = tpu.memref_squeeze %dma_wait3A_376 : memref<1x16x128xf32, #tpu.memory_space<vmem>> -> memref<16x128xf32, #tpu.memory_space<vmem>>
    tpu.wait_dma2 semaphore(%arg8 : memref<!tpu.dma_semaphore, #tpu.memory_space<semaphore_mem>>) src(%dma_wait3A_377 : memref<16x128xf32, #tpu.memory_space<vmem>>) dst(%dma_wait3A_373 : memref<16x128xf32, #tpu.memory_space<hbm>>)
    %sub3A_378 = arith.constant 4 : i32
    %sub3A_379 = arith.subi %select_n3A, %sub3A_378 : i32
    %rem3A_380 = arith.constant 8 : i32
    %rem3A_381 = arith.remsi %sub3A_379, %rem3A_380 : i32
    %mul3A_382 = arith.constant 32 : i32
    %mul3A_383 = arith.muli %sub3A_379, %mul3A_382 : i32
    %add3A_384 = arith.addi %add3A, %mul3A_383 : i32
    %mul3A_385 = arith.constant 16 : i32
    %mul3A_386 = arith.muli %add3A_384, %mul3A_385 : i32
    %dma_wait3A_387 = arith.constant 0 : i32
    %dma_wait3A_388 = arith.constant 0 : i32
    %dma_wait3A_389 = tpu.memref_slice %arg6[%rem3A_381, %dma_wait3A_387, %dma_wait3A_388] : memref<8x16x128xf32, #tpu.memory_space<vmem>> -> memref<1x16x128xf32, #tpu.memory_space<vmem>>
    %dma_wait3A_390 = tpu.memref_squeeze %dma_wait3A_389 : memref<1x16x128xf32, #tpu.memory_space<vmem>> -> memref<16x128xf32, #tpu.memory_space<vmem>>
    %dma_wait3A_391 = arith.constant 0 : i32
    %dma_wait3A_392 = tpu.memref_slice %arg4[%mul3A_386, %dma_wait3A_391] : memref<125000x128xf32, #tpu.memory_space<hbm>> -> memref<16x128xf32, #tpu.memory_space<hbm>>
    %dma_wait3A_393 = arith.constant 0 : i32
    %dma_wait3A_394 = tpu.memref_slice %arg4[%mul3A_386, %dma_wait3A_393] : memref<125000x128xf32, #tpu.memory_space<hbm>> -> memref<16x128xf32, #tpu.memory_space<hbm>>
    %dma_wait3A_395 = arith.constant 0 : i32
    %dma_wait3A_396 = arith.constant 0 : i32
    %dma_wait3A_397 = tpu.memref_slice %arg6[%rem3A_381, %dma_wait3A_395, %dma_wait3A_396] : memref<8x16x128xf32, #tpu.memory_space<vmem>> -> memref<1x16x128xf32, #tpu.memory_space<vmem>>
    %dma_wait3A_398 = tpu.memref_squeeze %dma_wait3A_397 : memref<1x16x128xf32, #tpu.memory_space<vmem>> -> memref<16x128xf32, #tpu.memory_space<vmem>>
    tpu.wait_dma2 semaphore(%arg8 : memref<!tpu.dma_semaphore, #tpu.memory_space<semaphore_mem>>) src(%dma_wait3A_398 : memref<16x128xf32, #tpu.memory_space<vmem>>) dst(%dma_wait3A_394 : memref<16x128xf32, #tpu.memory_space<hbm>>)
    %sub3A_399 = arith.constant 3 : i32
    %sub3A_400 = arith.subi %select_n3A, %sub3A_399 : i32
    %rem3A_401 = arith.constant 8 : i32
    %rem3A_402 = arith.remsi %sub3A_400, %rem3A_401 : i32
    %mul3A_403 = arith.constant 32 : i32
    %mul3A_404 = arith.muli %sub3A_400, %mul3A_403 : i32
    %add3A_405 = arith.addi %add3A, %mul3A_404 : i32
    %mul3A_406 = arith.constant 16 : i32
    %mul3A_407 = arith.muli %add3A_405, %mul3A_406 : i32
    %dma_wait3A_408 = arith.constant 0 : i32
    %dma_wait3A_409 = arith.constant 0 : i32
    %dma_wait3A_410 = tpu.memref_slice %arg6[%rem3A_402, %dma_wait3A_408, %dma_wait3A_409] : memref<8x16x128xf32, #tpu.memory_space<vmem>> -> memref<1x16x128xf32, #tpu.memory_space<vmem>>
    %dma_wait3A_411 = tpu.memref_squeeze %dma_wait3A_410 : memref<1x16x128xf32, #tpu.memory_space<vmem>> -> memref<16x128xf32, #tpu.memory_space<vmem>>
    %dma_wait3A_412 = arith.constant 0 : i32
    %dma_wait3A_413 = tpu.memref_slice %arg4[%mul3A_407, %dma_wait3A_412] : memref<125000x128xf32, #tpu.memory_space<hbm>> -> memref<16x128xf32, #tpu.memory_space<hbm>>
    %dma_wait3A_414 = arith.constant 0 : i32
    %dma_wait3A_415 = tpu.memref_slice %arg4[%mul3A_407, %dma_wait3A_414] : memref<125000x128xf32, #tpu.memory_space<hbm>> -> memref<16x128xf32, #tpu.memory_space<hbm>>
    %dma_wait3A_416 = arith.constant 0 : i32
    %dma_wait3A_417 = arith.constant 0 : i32
    %dma_wait3A_418 = tpu.memref_slice %arg6[%rem3A_402, %dma_wait3A_416, %dma_wait3A_417] : memref<8x16x128xf32, #tpu.memory_space<vmem>> -> memref<1x16x128xf32, #tpu.memory_space<vmem>>
    %dma_wait3A_419 = tpu.memref_squeeze %dma_wait3A_418 : memref<1x16x128xf32, #tpu.memory_space<vmem>> -> memref<16x128xf32, #tpu.memory_space<vmem>>
    tpu.wait_dma2 semaphore(%arg8 : memref<!tpu.dma_semaphore, #tpu.memory_space<semaphore_mem>>) src(%dma_wait3A_419 : memref<16x128xf32, #tpu.memory_space<vmem>>) dst(%dma_wait3A_415 : memref<16x128xf32, #tpu.memory_space<hbm>>)
    %sub3A_420 = arith.constant 2 : i32
    %sub3A_421 = arith.subi %select_n3A, %sub3A_420 : i32
    %rem3A_422 = arith.constant 8 : i32
    %rem3A_423 = arith.remsi %sub3A_421, %rem3A_422 : i32
    %mul3A_424 = arith.constant 32 : i32
    %mul3A_425 = arith.muli %sub3A_421, %mul3A_424 : i32
    %add3A_426 = arith.addi %add3A, %mul3A_425 : i32
    %mul3A_427 = arith.constant 16 : i32
    %mul3A_428 = arith.muli %add3A_426, %mul3A_427 : i32
    %dma_wait3A_429 = arith.constant 0 : i32
    %dma_wait3A_430 = arith.constant 0 : i32
    %dma_wait3A_431 = tpu.memref_slice %arg6[%rem3A_423, %dma_wait3A_429, %dma_wait3A_430] : memref<8x16x128xf32, #tpu.memory_space<vmem>> -> memref<1x16x128xf32, #tpu.memory_space<vmem>>
    %dma_wait3A_432 = tpu.memref_squeeze %dma_wait3A_431 : memref<1x16x128xf32, #tpu.memory_space<vmem>> -> memref<16x128xf32, #tpu.memory_space<vmem>>
    %dma_wait3A_433 = arith.constant 0 : i32
    %dma_wait3A_434 = tpu.memref_slice %arg4[%mul3A_428, %dma_wait3A_433] : memref<125000x128xf32, #tpu.memory_space<hbm>> -> memref<16x128xf32, #tpu.memory_space<hbm>>
    %dma_wait3A_435 = arith.constant 0 : i32
    %dma_wait3A_436 = tpu.memref_slice %arg4[%mul3A_428, %dma_wait3A_435] : memref<125000x128xf32, #tpu.memory_space<hbm>> -> memref<16x128xf32, #tpu.memory_space<hbm>>
    %dma_wait3A_437 = arith.constant 0 : i32
    %dma_wait3A_438 = arith.constant 0 : i32
    %dma_wait3A_439 = tpu.memref_slice %arg6[%rem3A_423, %dma_wait3A_437, %dma_wait3A_438] : memref<8x16x128xf32, #tpu.memory_space<vmem>> -> memref<1x16x128xf32, #tpu.memory_space<vmem>>
    %dma_wait3A_440 = tpu.memref_squeeze %dma_wait3A_439 : memref<1x16x128xf32, #tpu.memory_space<vmem>> -> memref<16x128xf32, #tpu.memory_space<vmem>>
    tpu.wait_dma2 semaphore(%arg8 : memref<!tpu.dma_semaphore, #tpu.memory_space<semaphore_mem>>) src(%dma_wait3A_440 : memref<16x128xf32, #tpu.memory_space<vmem>>) dst(%dma_wait3A_436 : memref<16x128xf32, #tpu.memory_space<hbm>>)
    %sub3A_441 = arith.constant 1 : i32
    %sub3A_442 = arith.subi %select_n3A, %sub3A_441 : i32
    %rem3A_443 = arith.constant 8 : i32
    %rem3A_444 = arith.remsi %sub3A_442, %rem3A_443 : i32
    %mul3A_445 = arith.constant 32 : i32
    %mul3A_446 = arith.muli %sub3A_442, %mul3A_445 : i32
    %add3A_447 = arith.addi %add3A, %mul3A_446 : i32
    %mul3A_448 = arith.constant 16 : i32
    %mul3A_449 = arith.muli %add3A_447, %mul3A_448 : i32
    %dma_wait3A_450 = arith.constant 0 : i32
    %dma_wait3A_451 = arith.constant 0 : i32
    %dma_wait3A_452 = tpu.memref_slice %arg6[%rem3A_444, %dma_wait3A_450, %dma_wait3A_451] : memref<8x16x128xf32, #tpu.memory_space<vmem>> -> memref<1x16x128xf32, #tpu.memory_space<vmem>>
    %dma_wait3A_453 = tpu.memref_squeeze %dma_wait3A_452 : memref<1x16x128xf32, #tpu.memory_space<vmem>> -> memref<16x128xf32, #tpu.memory_space<vmem>>
    %dma_wait3A_454 = arith.constant 0 : i32
    %dma_wait3A_455 = tpu.memref_slice %arg4[%mul3A_449, %dma_wait3A_454] : memref<125000x128xf32, #tpu.memory_space<hbm>> -> memref<16x128xf32, #tpu.memory_space<hbm>>
    %dma_wait3A_456 = arith.constant 0 : i32
    %dma_wait3A_457 = tpu.memref_slice %arg4[%mul3A_449, %dma_wait3A_456] : memref<125000x128xf32, #tpu.memory_space<hbm>> -> memref<16x128xf32, #tpu.memory_space<hbm>>
    %dma_wait3A_458 = arith.constant 0 : i32
    %dma_wait3A_459 = arith.constant 0 : i32
    %dma_wait3A_460 = tpu.memref_slice %arg6[%rem3A_444, %dma_wait3A_458, %dma_wait3A_459] : memref<8x16x128xf32, #tpu.memory_space<vmem>> -> memref<1x16x128xf32, #tpu.memory_space<vmem>>
    %dma_wait3A_461 = tpu.memref_squeeze %dma_wait3A_460 : memref<1x16x128xf32, #tpu.memory_space<vmem>> -> memref<16x128xf32, #tpu.memory_space<vmem>>
    tpu.wait_dma2 semaphore(%arg8 : memref<!tpu.dma_semaphore, #tpu.memory_space<semaphore_mem>>) src(%dma_wait3A_461 : memref<16x128xf32, #tpu.memory_space<vmem>>) dst(%dma_wait3A_457 : memref<16x128xf32, #tpu.memory_space<hbm>>)
    %eq3A_462 = arith.constant 4 : i32
    %eq3A_463 = arith.cmpi eq, %add3A, %eq3A_462 : i32
    %convert_element_type3A = arith.extui %eq3A_463 : i1 to i32
    %cond3A = arith.constant 0 : i32
    %cond3A_464 = arith.cmpi ne, %convert_element_type3A, %cond3A : i32
    scf.if %cond3A_464 {
      %run_scoped3A = arith.constant 0 : i32
      "tpu.region"() ({
        %run_scoped3A_466 = tpu.sem_alloc : memref<!tpu.dma_semaphore, #tpu.memory_space<semaphore_mem>>
        %dma_start3A_467 = arith.constant 0 : i32
        %dma_start3A_468 = arith.constant 0 : i32
        %dma_start3A_469 = tpu.memref_slice %arg6[%run_scoped3A, %dma_start3A_467, %dma_start3A_468] : memref<8x16x128xf32, #tpu.memory_space<vmem>> -> memref<1x8x128xf32, #tpu.memory_space<vmem>>
        %dma_start3A_470 = tpu.memref_squeeze %dma_start3A_469 : memref<1x8x128xf32, #tpu.memory_space<vmem>> -> memref<8x128xf32, #tpu.memory_space<vmem>>
        %dma_start3A_471 = arith.constant 0 : i32
        %dma_start3A_472 = arith.constant 0 : i32
        %dma_start3A_473 = tpu.memref_slice %arg6[%run_scoped3A, %dma_start3A_471, %dma_start3A_472] : memref<8x16x128xf32, #tpu.memory_space<vmem>> -> memref<1x8x128xf32, #tpu.memory_space<vmem>>
        %dma_start3A_474 = tpu.memref_squeeze %dma_start3A_473 : memref<1x8x128xf32, #tpu.memory_space<vmem>> -> memref<8x128xf32, #tpu.memory_space<vmem>>
        tpu.enqueue_dma source(%arg3 : memref<8x128xf32, #tpu.memory_space<hbm>>) target(%dma_start3A_474 : memref<8x128xf32, #tpu.memory_space<vmem>>) target_semaphore(%run_scoped3A_466 : memref<!tpu.dma_semaphore, #tpu.memory_space<semaphore_mem>>)
        %dma_wait3A_475 = arith.constant 0 : i32
        %dma_wait3A_476 = arith.constant 0 : i32
        %dma_wait3A_477 = tpu.memref_slice %arg6[%run_scoped3A, %dma_wait3A_475, %dma_wait3A_476] : memref<8x16x128xf32, #tpu.memory_space<vmem>> -> memref<1x8x128xf32, #tpu.memory_space<vmem>>
        %dma_wait3A_478 = tpu.memref_squeeze %dma_wait3A_477 : memref<1x8x128xf32, #tpu.memory_space<vmem>> -> memref<8x128xf32, #tpu.memory_space<vmem>>
        %dma_wait3A_479 = arith.constant 0 : i32
        %dma_wait3A_480 = arith.constant 0 : i32
        %dma_wait3A_481 = tpu.memref_slice %arg6[%run_scoped3A, %dma_wait3A_479, %dma_wait3A_480] : memref<8x16x128xf32, #tpu.memory_space<vmem>> -> memref<1x8x128xf32, #tpu.memory_space<vmem>>
        %dma_wait3A_482 = tpu.memref_squeeze %dma_wait3A_481 : memref<1x8x128xf32, #tpu.memory_space<vmem>> -> memref<8x128xf32, #tpu.memory_space<vmem>>
        tpu.wait_dma2 semaphore(%run_scoped3A_466 : memref<!tpu.dma_semaphore, #tpu.memory_space<semaphore_mem>>) src(%arg3 : memref<8x128xf32, #tpu.memory_space<hbm>>) dst(%dma_wait3A_482 : memref<8x128xf32, #tpu.memory_space<vmem>>)
        tpu.yield
      }) : () -> ()
      %run_scoped3A_465 = arith.constant 0 : i32
      "tpu.region"() ({
        %run_scoped3A_466 = tpu.sem_alloc : memref<!tpu.dma_semaphore, #tpu.memory_space<semaphore_mem>>
        %dma_start3A_467 = arith.constant 0 : i32
        %dma_start3A_468 = arith.constant 0 : i32
        %dma_start3A_469 = tpu.memref_slice %arg6[%run_scoped3A_465, %dma_start3A_467, %dma_start3A_468] : memref<8x16x128xf32, #tpu.memory_space<vmem>> -> memref<1x8x128xf32, #tpu.memory_space<vmem>>
        %dma_start3A_470 = tpu.memref_squeeze %dma_start3A_469 : memref<1x8x128xf32, #tpu.memory_space<vmem>> -> memref<8x128xf32, #tpu.memory_space<vmem>>
        %dma_start3A_471 = arith.constant 124992 : i32
        %dma_start3A_472 = arith.constant 0 : i32
        %dma_start3A_473 = tpu.memref_slice %arg4[%dma_start3A_471, %dma_start3A_472] : memref<125000x128xf32, #tpu.memory_space<hbm>> -> memref<8x128xf32, #tpu.memory_space<hbm>>
        %dma_start3A_474 = arith.constant 124992 : i32
        %dma_start3A_475 = arith.constant 0 : i32
        %dma_start3A_476 = tpu.memref_slice %arg4[%dma_start3A_474, %dma_start3A_475] : memref<125000x128xf32, #tpu.memory_space<hbm>> -> memref<8x128xf32, #tpu.memory_space<hbm>>
        %dma_start3A_477 = arith.constant 0 : i32
        %dma_start3A_478 = arith.constant 0 : i32
        %dma_start3A_479 = tpu.memref_slice %arg6[%run_scoped3A_465, %dma_start3A_477, %dma_start3A_478] : memref<8x16x128xf32, #tpu.memory_space<vmem>> -> memref<1x8x128xf32, #tpu.memory_space<vmem>>
        %dma_start3A_480 = tpu.memref_squeeze %dma_start3A_479 : memref<1x8x128xf32, #tpu.memory_space<vmem>> -> memref<8x128xf32, #tpu.memory_space<vmem>>
        tpu.enqueue_dma source(%dma_start3A_480 : memref<8x128xf32, #tpu.memory_space<vmem>>) target(%dma_start3A_476 : memref<8x128xf32, #tpu.memory_space<hbm>>) target_semaphore(%run_scoped3A_466 : memref<!tpu.dma_semaphore, #tpu.memory_space<semaphore_mem>>)
        %dma_wait3A_481 = arith.constant 0 : i32
        %dma_wait3A_482 = arith.constant 0 : i32
        %dma_wait3A_483 = tpu.memref_slice %arg6[%run_scoped3A_465, %dma_wait3A_481, %dma_wait3A_482] : memref<8x16x128xf32, #tpu.memory_space<vmem>> -> memref<1x8x128xf32, #tpu.memory_space<vmem>>
        %dma_wait3A_484 = tpu.memref_squeeze %dma_wait3A_483 : memref<1x8x128xf32, #tpu.memory_space<vmem>> -> memref<8x128xf32, #tpu.memory_space<vmem>>
        %dma_wait3A_485 = arith.constant 124992 : i32
        %dma_wait3A_486 = arith.constant 0 : i32
        %dma_wait3A_487 = tpu.memref_slice %arg4[%dma_wait3A_485, %dma_wait3A_486] : memref<125000x128xf32, #tpu.memory_space<hbm>> -> memref<8x128xf32, #tpu.memory_space<hbm>>
        %dma_wait3A_488 = arith.constant 124992 : i32
        %dma_wait3A_489 = arith.constant 0 : i32
        %dma_wait3A_490 = tpu.memref_slice %arg4[%dma_wait3A_488, %dma_wait3A_489] : memref<125000x128xf32, #tpu.memory_space<hbm>> -> memref<8x128xf32, #tpu.memory_space<hbm>>
        %dma_wait3A_491 = arith.constant 0 : i32
        %dma_wait3A_492 = arith.constant 0 : i32
        %dma_wait3A_493 = tpu.memref_slice %arg6[%run_scoped3A_465, %dma_wait3A_491, %dma_wait3A_492] : memref<8x16x128xf32, #tpu.memory_space<vmem>> -> memref<1x8x128xf32, #tpu.memory_space<vmem>>
        %dma_wait3A_494 = tpu.memref_squeeze %dma_wait3A_493 : memref<1x8x128xf32, #tpu.memory_space<vmem>> -> memref<8x128xf32, #tpu.memory_space<vmem>>
        tpu.wait_dma2 semaphore(%run_scoped3A_466 : memref<!tpu.dma_semaphore, #tpu.memory_space<semaphore_mem>>) src(%dma_wait3A_494 : memref<8x128xf32, #tpu.memory_space<vmem>>) dst(%dma_wait3A_490 : memref<8x128xf32, #tpu.memory_space<hbm>>)
        tpu.yield
      }) : () -> ()
    } else {
    }
    return
  }
}

</mosaic_0001>

<sc_bundles>
// kernel: kernel.4.cloned.1.call-start
scs
__scs_entry_jumppad:
0x0: {  	(pc) =	sbr.rel $0x88, $3  }
0x1: {  	(tag) =	ssettag $0x0;
	lr =	simm.s32 $0x1  }
0x2: {  	[smem:$0x3F9F] =	sst lr;
	_ =	strace $0xD0000000  }
0x3: {  	_ = 	snop  }
0x4: {  	_ = 	snop  }
0x5: {  	_ = 	snop  }
0x6: {  	_ = 	snop  }
0x7: {  	_ = 	snop  }
__scs_overlays_trampoline_lowered:
0x8: {  	[smem:$0x3FAE] =	sst s0  }
0x9: {  	[smem:$0x3FAF] =	sst s1  }
0xa: {  	[smem:$0x3FB0] =	sst s2  }
0xb: {  	[smem:$0x3FB1] =	sst s3  }
0xc: {  	[smem:$0x3FB2] =	sst s4  }
0xd: {  	[smem:$0x3FB3] =	sst s5  }
0xe: {  	[smem:$0x3FB4] =	sst s6  }
0xf: {  	[smem:$0x3FB5] =	sst s7  }
0x10: {  	[smem:$0x3FB6] =	sst s8  }
0x11: {  	[smem:$0x3FB7] =	sst s9;
	s0 =	simm.s32 @!p0 $0x0  }
0x12: {  	s1 =	sld [smem:$0x3F9D];
	s0 =	simm.s32 @p0 $0x1  }
0x13: {  	[smem:$0x3FB8] =	sst s0;
	s0 =	simm.s32 @!p1 $0x0  }
0x14: {  	s2 =	sld [smem:$0x3F9C];
	s0 =	simm.s32 @p1 $0x1  }
0x15: {  	[smem:$0x3FB9] =	sst s0;
	s0 =	simm.s32 @!p2 $0x0  }
0x16: {  	s3 =	sld [smem:$0x3FDB];
	s0 =	simm.s32 @p2 $0x1  }
0x17: {  	s4 =	simm.s32 $0x1BF5;
	[smem:$0x3FBB] =	sst s0  }
0x18: {  	s0 =	sld [smem:$0x3F9E];
	_ =	swait.ge [sflag:s4], $0x0  }
0x19: {  	s7 =	sld [smem:$0x3F9F]  }
0x1a: {  	s8 =	sadd.s32 $0xFFFFE003, lr  }
0x1b: {  	s9 =	sadd.s32 $0xFFFFFEF7, lr;
	s5 =	simm.s32 $0xFFFFFFFF;
	p2 =	slt.u32 s8, $0xFFFFF086  }
0x1c: {  	p1 =	slt.u32 s9, $0xF7A;
	s5 =	simm.s32 @!p2 $0x0  }
0x1d: {  	s5 =	simm.s32 @p1 $0x1;
	p0 =	seq.s32 s7, s2  }
0x1e: {  	s7 =	smul.u32 @!p0 $0xF7A, s2;
	p2 =	seq.s32 @!p0 s5, $0x0  }
0x1f: {  	s9 =	smul.u32 $0xF7A, s1;
	s8 =	simm.s32 @!p0 $0x1BF5;
	p2 =	por !p2, p0  }
0x20: {  	[sflag:s8] =	ssyncset.s32 @!p0 $0xFFFFF086;
	s6 =	sadd.s32 @!p0 s3, s7;
	s7 =	simm.s32 @!p0 $0x108  }
0x21: {  	s3 =	sadd.s32 s3, s9;
	s6 =	sadd.s32 @!p0 $0x88, s6;
	s7 =	simm.s32 @p2 $0x1082  }
0x22: {  	[simem:s7], [sflag:s8] =	dma.local @!p0 [hbm:s6], $0xF7A  }
0x23: {  	s9 =	sor.u32 $0xD0000000, s2;
	s6 =	simm.s32 $0x108;
	_ =	swait.ge @!p0 [sflag:s8], $0x0  }
0x24: {  	s3 =	sadd.s32 $0x88, s3;
	s6 =	simm.s32 @!p1 $0x1082;
	[sflag:s4] =	ssyncset.s32 $0xFFFFF086  }
0x25: {  	[simem:s6], [sflag:s4] =	dma.local [hbm:s3], $0xF7A  }
0x26: {  	[smem:$0x3F9F] =	sst s1;
	(tag) =	ssettag s2;
	_ =	strace s9  }
0x27: {  	s1 =	sld [smem:$0x3FAF]  }
0x28: {  	s2 =	sld [smem:$0x3FB0]  }
0x29: {  	s4 =	sld [smem:$0x3FB2]  }
0x2a: {  	p0 =	seq.s32 s5, $0x0;
	s5 =	sld [smem:$0x3FB3]  }
0x2b: {  	s6 =	sld [smem:$0x3FB4]  }
0x2c: {  	s7 =	sld [smem:$0x3FB5]  }
0x2d: {  	s3 =	simm.s32 $0x108;
	s8 =	sld [smem:$0x3FB6]  }
0x2e: {  	s3 =	simm.s32 @!p0 $0x1082;
	s9 =	sld [smem:$0x3FB7]  }
0x2f: {  	lr =	sadd.s32 s0, s3;
	s0 =	sld [smem:$0x3FAE]  }
0x30: {  	s3 =	sld [smem:$0x3FB1]  }
0x31: {  	[smem:$0x3FBA] =	sst s10  }
0x32: {  	s10 =	sld [smem:$0x3FB8];
	_ =	sdelay $0x3  }
0x33: {  	p0 =	seq.s32 s10, $0x1;
	s10 =	sld [smem:$0x3FBA];
	_ =	sdelay $0x3  }
0x34: {  	[smem:$0x3FBA] =	sst s10  }
0x35: {  	s10 =	sld [smem:$0x3FB9];
	_ =	sdelay $0x3  }
0x36: {  	p1 =	seq.s32 s10, $0x1;
	s10 =	sld [smem:$0x3FBA];
	_ =	sdelay $0x3  }
0x37: {  	[smem:$0x3FBA] =	sst s10  }
0x38: {  	s10 =	sld [smem:$0x3FBB]  }
0x39: {  	_ = 	snop;
	(pc) =	sbr.ind lr, $3  }
0x3a: {  	_ = 	snop  }
0x3b: {  	_ = 	snop  }
0x3c: {  	p2 =	seq.s32 s10, $0x1;
	s10 =	sld [smem:$0x3FBA]  }
0x3d: {  	_ =	shalt  }
0x3e: {  	_ =	shalt  }
0x3f: {  	_ =	shalt  }
0x40: {  	_ =	shalt  }
0x41: {  	_ =	shalt  }
0x42: {  	_ =	shalt  }
0x43: {  	_ =	shalt  }
0x44: {  	_ =	shalt  }
0x45: {  	_ =	shalt  }
0x46: {  	_ =	shalt  }
0x47: {  	_ =	shalt  }
0x48: {  	_ =	shalt  }
0x49: {  	_ =	shalt  }
0x4a: {  	_ =	shalt  }
0x4b: {  	_ =	shalt  }
0x4c: {  	_ =	shalt  }
0x4d: {  	_ =	shalt  }
0x4e: {  	_ =	shalt  }
0x4f: {  	_ =	shalt  }
0x50: {  	_ =	shalt  }
0x51: {  	_ =	shalt  }
0x52: {  	_ =	shalt  }
0x53: {  	_ =	shalt  }
0x54: {  	_ =	shalt  }
0x55: {  	_ =	shalt  }
0x56: {  	_ =	shalt  }
0x57: {  	_ =	shalt  }
0x58: {  	_ =	shalt  }
0x59: {  	_ =	shalt  }
0x5a: {  	_ =	shalt  }
0x5b: {  	_ =	shalt  }
0x5c: {  	_ =	shalt  }
0x5d: {  	_ =	shalt  }
0x5e: {  	_ =	shalt  }
0x5f: {  	_ =	shalt  }
0x60: {  	_ =	shalt  }
0x61: {  	_ =	shalt  }
0x62: {  	_ =	shalt  }
0x63: {  	_ =	shalt  }
0x64: {  	_ =	shalt  }
0x65: {  	_ =	shalt  }
0x66: {  	_ =	shalt  }
0x67: {  	_ =	shalt  }
0x68: {  	_ =	shalt  }
0x69: {  	_ =	shalt  }
0x6a: {  	_ =	shalt  }
0x6b: {  	_ =	shalt  }
0x6c: {  	_ =	shalt  }
0x6d: {  	_ =	shalt  }
0x6e: {  	_ =	shalt  }
0x6f: {  	_ =	shalt  }
0x70: {  	_ =	shalt  }
0x71: {  	_ =	shalt  }
0x72: {  	_ =	shalt  }
0x73: {  	_ =	shalt  }
0x74: {  	_ =	shalt  }
0x75: {  	_ =	shalt  }
0x76: {  	_ =	shalt  }
0x77: {  	_ =	shalt  }
0x78: {  	_ =	shalt  }
0x79: {  	_ =	shalt  }
0x7a: {  	_ =	shalt  }
0x7b: {  	_ =	shalt  }
0x7c: {  	_ =	shalt  }
0x7d: {  	_ =	shalt  }
0x7e: {  	_ =	shalt  }
0x7f: {  	_ =	shalt  }
0x80: {  	_ =	shalt  }
0x81: {  	_ =	shalt  }
0x82: {  	_ =	shalt  }
0x83: {  	_ =	shalt  }
0x84: {  	_ =	shalt  }
0x85: {  	_ =	shalt  }
0x86: {  	_ =	shalt  }
0x87: {  	_ =	shalt  }
.Lfunc_end0:
.L_simem_size_0:
called_computation_lowered:
.L_overlay_start_0:
0x88: {  	s2 =	sld [smem:$0x3FD9]  }
0x89: {  	s3 =	sld [smem:$0x3FFE];
	_ =	sdelay $0x1  }
0x8a: {  	s1 =	srdreg.scid  }
0x8b: {  	s0 =	sand.u32 $0x1, s1  }
0x8c: {  	s17 =	sshll.u32 s0, $0xA;
	s2 =	sadd.s32 s3, s2  }
0x8d: {  	s2 =	sadd.s32 s2, s17  }
0x8e: {  	[smem:$0x3FC6] =	sst s2  }
0x8f: {  	_ = 	snop  }
0x90: {  	s2 =	sld [smem:$0x3FC8]  }
0x91: {  	s18 =	sld [smem:$0x3FD0];
	(tm) =	ssettm $0x1  }
0x92: {  	s4 =	sld [smem:$0x3FFB];
	_ =	sdelay $0x3  }
0x93: {  	_ =	strace s4  }
0x94: {  	s4 =	sld [smem:$0x3FFC];
	_ =	sdelay $0x3  }
0x95: {  	_ =	strace s4  }
0x96: {  	s4 =	sld [smem:$0x3FFD];
	_ =	sdelay $0x3  }
0x97: {  	_ =	strace s4  }
0x98: {  	_ =	strace $0x8FFFFFFF  }
0x99: {  	s19 =	sld [smem:$0x3FDB];
	_ =	sdelay $0x1  }
0x9a: {  	s5 =	simm.s32 $_scs_section_size  }
0x9b: {  	s6 =	simm.s32 $_size__tile_overlayer_lowered;
	s7 =	simm.s32 $_tile_overlayer_lowered  }
0x9c: {  	s22 =	simm.s32 $0x1BFF;
	s21 =	sshll.u32 s7, $0x1;
	s4 =	sadd.s32 s5, s19  }
0x9d: {  	s8 =	simm.s32 $0x0;
	s20 =	sshll.u32 s6, $0x1;
	s6 =	sadd.s32 s21, s4  }
0x9e: {  	[timem:s8], [sflag:s22] =	dma.local [hbm:s6], s20  }
0x9f: {  	_ =	swait.ge [sflag:s22], s20  }
0xa0: {  	s5 =	ssub.s32 $0x0, s20;
	[sflag:s22] =	ssyncset.done $0x0  }
0xa1: {  	[sflag:s22] =	ssyncadd.s32 s5;
	_ =	sdelay $0x1  }
0xa2: {  	s23 =	simm.s32 $0x1B8B  }
0xa3: {  	_ =	swait.ge [sflag:s23], $0x1  }
0xa4: {  	[sflag:s23] =	ssyncset.done $0x0  }
0xa5: {  	s25 =	simm.s32 $0x1B8E;
	s24 =	sld [smem:$0x3FFE];
	[sflag:s23] =	ssyncadd.s32 $0xFFFFFFFF  }
0xa6: {  	s26 =	simm.s32 $execute0_lowered;
	[smem:$0x3FD2] =	sst s25  }
0xa7: {  	s6 =	sshll.u32 s26, $0x1;
	_ =	strace $0x80000046;
	[dreg:$0x1] =	wrdreg $0xFFFFFFFF  }
0xa8: {  	s28 =	simm.s32 $_size_execute0_lowered;
	s4 =	sadd.s32 s4, s6;
	[dreg:$0x0] =	wrdreg $0x0  }
0xa9: {  	s6 =	sshll.u32 s28, $0x1;
	[dreg:$0x2] =	wrdreg s4  }
0xaa: {  	[dreg:$0x3] =	wrdreg s6  }
0xab: {  	[dreg:$0x4] =	wrdreg $0xC0  }
0xac: {  	_ =	task [dreg:s8], $0x5FFFF  }
0xad: {  	[dreg:$0x1] =	wrdreg $0xFFFFFFFF  }
0xae: {  	[dreg:$0x0] =	wrdreg $0x60  }
0xaf: {  	[dreg:$0x2] =	wrdreg s2  }
0xb0: {  	[dreg:$0x3] =	wrdreg s18  }
0xb1: {  	[dreg:$0x4] =	wrdreg s24  }
0xb2: {  	[dreg:$0x5] =	wrdreg $0x9  }
0xb3: {  	_ =	task.clear_ibuf [dreg:s8], $0x6FFFF;
	_ =	strace $0x90000046  }
0xb4: {  	s29 =	simm.s32 $0x9;
	_ =	strace $0x80000048  }
0xb5: {  	_ =	swait.ge [sflag:s29], $0x1  }
0xb6: {  	[sflag:s29] =	ssyncadd.s32 $0xFFFFFFFF  }
0xb7: {  	_ =	strace $0x90000048  }
0xb8: {  	_ =	sfence  }
0xb9: {  	s30 =	sld [smem:$0x0];
	_ =	sdelay $0x2  }
0xba: {  	s31 =	sshll.u32 s1, $0xD;
	s1 =	sshrl.u32 s1, $0x2  }
0xbb: {  	s3 =	sand.u32 $0x4000, s31;
	s1 =	sadd.s32 s1, s30  }
0xbc: {  	s0 =	sor.u32 s3, s0;
	s1 =	sshll.u32 s1, $0x11  }
0xbd: {  	s0 =	sor.u32 s1, s0  }
0xbe: {  	s0 =	sadd.s32 $0x8F2B, s0  }
0xbf: {  	[sflag:s0] =	ssyncadd.remote.s32 $0x1  }
0xc0: {  	_ =	sfence.sel $0xFFFF  }
0xc1: {  	[dreg:$0x0] =	wrdreg $0xFFFFFFFF;
	(pc) =	sbr.abs _section_cstart, $3  }
0xc2: {  	[dreg:$0x1] =	wrdreg $0xFFFFFFFF  }
0xc3: {  	_ =	task.clear_ibuf [dreg:s8], $0x2FFFF;
	_ =	strace $0x9FFFFFFF  }
0xc4: {  	(tm) =	ssettm $0x7FFFFFFF  }
0xc5: {  	_ =	shalt  }
tec
execute0_lowered:
.L_overlay_start_1:
0x0: {  	(tag) =	ssettag $0x1  }
0x1: {  	v0 =	vimm.s32 $0xB80;
	vm14 =	vcmask $0x300  }
0x2: {  	v1 =	vimm.s32 $0xB81;
	vm13 =	vcmask $0x704;
	vm12 =	vcmask $0xB08  }
0x3: {  	vm11 =	vcmask $0xF0C;
	vm10 =	vcmask $0x1310;
	vm9 =	vcmask $0x1714  }
0x4: {  	vm8 =	vcmask $0x1B18;
	vm7 =	vcmask $0x1F1C;
	vm6 =	vcmask $0x2320  }
0x5: {  	vm4 =	vcmask $0x2724;
	vm5 =	vcmask $0x2B28;
	vm3 =	vcmask $0x2F2C  }
0x6: {  	vm2 =	vcmask $0x3330;
	vm1 =	vcmask $0x3734;
	vm0 =	vcmask $0x3B38  }
0x7: {  	v2 =	vimm.s32 $0xB82;
	v3 =	vimm.s32 $0xB83;
	v4 =	vimm.s32 $0xB84  }
0x8: {  	v5 =	vimm.s32 $0xB85;
	v6 =	vimm.s32 $0xB86;
	v7 =	vimm.s32 $0xB87  }
0x9: {  	v0 =	vsel vm14, $0x0, v0;
	v1 =	vsel vm14, $0x1, v1;
	v2 =	vsel vm14, $0x2, v2  }
0xa: {  	v3 =	vsel vm14, $0x3, v3;
	v4 =	vsel vm14, $0x4, v4;
	v5 =	vsel vm14, $0x5, v5  }
0xb: {  	v6 =	vsel vm14, $0x6, v6;
	v7 =	vsel vm14, $0x7, v7;
	v0 =	vsel vm13, $0x80, v0  }
0xc: {  	v1 =	vsel vm13, $0x81, v1;
	v2 =	vsel vm13, $0x82, v2;
	v3 =	vsel vm13, $0x83, v3  }
0xd: {  	v4 =	vsel vm13, $0x84, v4;
	v5 =	vsel vm13, $0x85, v5;
	v6 =	vsel vm13, $0x86, v6  }
0xe: {  	v7 =	vsel vm13, $0x87, v7;
	v0 =	vsel vm12, $0x100, v0;
	v1 =	vsel vm12, $0x101, v1  }
0xf: {  	v2 =	vsel vm12, $0x102, v2;
	v3 =	vsel vm12, $0x103, v3;
	v4 =	vsel vm12, $0x104, v4  }
0x10: {  	v5 =	vsel vm12, $0x105, v5;
	v6 =	vsel vm12, $0x106, v6;
	v7 =	vsel vm12, $0x107, v7  }
0x11: {  	v0 =	vsel vm11, $0x180, v0;
	v1 =	vsel vm11, $0x181, v1;
	v2 =	vsel vm11, $0x182, v2  }
0x12: {  	v3 =	vsel vm11, $0x183, v3;
	v4 =	vsel vm11, $0x184, v4;
	v5 =	vsel vm11, $0x185, v5  }
0x13: {  	v6 =	vsel vm11, $0x186, v6;
	v7 =	vsel vm11, $0x187, v7;
	v0 =	vsel vm10, $0x200, v0  }
0x14: {  	v1 =	vsel vm10, $0x201, v1;
	v2 =	vsel vm10, $0x202, v2;
	v3 =	vsel vm10, $0x203, v3  }
0x15: {  	v4 =	vsel vm10, $0x204, v4;
	v5 =	vsel vm10, $0x205, v5;
	v6 =	vsel vm10, $0x206, v6  }
0x16: {  	v7 =	vsel vm10, $0x207, v7;
	v0 =	vsel vm9, $0x280, v0;
	v1 =	vsel vm9, $0x281, v1  }
0x17: {  	v2 =	vsel vm9, $0x282, v2;
	v3 =	vsel vm9, $0x283, v3;
	v4 =	vsel vm9, $0x284, v4  }
0x18: {  	v5 =	vsel vm9, $0x285, v5;
	v6 =	vsel vm9, $0x286, v6;
	v7 =	vsel vm9, $0x287, v7  }
0x19: {  	v0 =	vsel vm8, $0x300, v0;
	v1 =	vsel vm8, $0x301, v1;
	v2 =	vsel vm8, $0x302, v2  }
0x1a: {  	v3 =	vsel vm8, $0x303, v3;
	v4 =	vsel vm8, $0x304, v4;
	v5 =	vsel vm8, $0x305, v5  }
0x1b: {  	v6 =	vsel vm8, $0x306, v6;
	v7 =	vsel vm8, $0x307, v7;
	v0 =	vsel vm7, $0x380, v0  }
0x1c: {  	v1 =	vsel vm7, $0x381, v1;
	v2 =	vsel vm7, $0x382, v2;
	v3 =	vsel vm7, $0x383, v3  }
0x1d: {  	v4 =	vsel vm7, $0x384, v4;
	v5 =	vsel vm7, $0x385, v5;
	v6 =	vsel vm7, $0x386, v6  }
0x1e: {  	s0 =	rddreg [dreg:$0x0];
	v7 =	vsel vm7, $0x387, v7;
	v0 =	vsel vm6, $0x800, v0;
	v1 =	vsel vm6, $0x801, v1  }
0x1f: {  	s1 =	rddreg [dreg:$0x2];
	s3 =	simm.s32 $0x0;
	v2 =	vsel vm6, $0x802, v2;
	v3 =	vsel vm6, $0x803, v3;
	v4 =	vsel vm6, $0x804, v4  }
0x20: {  	s14 =	stileid.u32;
	s2 =	srdreg.scid;
	s30 =	simm.s32 $0x1;
	v5 =	vsel vm6, $0x805, v5;
	v6 =	vsel vm6, $0x806, v6;
	v7 =	vsel vm6, $0x807, v7  }
0x21: {  	s31 =	simm.s32 $0x2;
	[smem:$0x7FF] =	sst s3;
	s22 =	sand.u32 $0x1, s2;
	v0 =	vsel vm4, $0x880, v0;
	v1 =	vsel vm4, $0x881, v1;
	v2 =	vsel vm4, $0x882, v2  }
0x22: {  	s25 =	sshll.u32 s14, $0x1;
	s5 =	sshll.u32 s14, $0x9;
	s21 =	sadd.s32 $0x1E8E00, s1;
	v3 =	vsel vm4, $0x883, v3;
	v4 =	vsel vm4, $0x884, v4;
	v5 =	vsel vm4, $0x885, v5  }
0x23: {  	p0 =	slt.u32 s14, $0x2;
	s16 =	sshll.u32 s14, $0xB;
	_ =	strace $0x80000047;
	v6 =	vsel vm4, $0x886, v6;
	v7 =	vsel vm4, $0x887, v7;
	v0 =	vsel vm5, $0x900, v0  }
0x24: {  	s4 =	ssub.s32 $0x2, s22;
	s2 =	sor.u32 s22, s25;
	s23 =	sadd.s32 s5, s1;
	v1 =	vsel vm5, $0x901, v1;
	v2 =	vsel vm5, $0x902, v2;
	v3 =	vsel vm5, $0x903, v3  }
0x25: {  	s5 =	simm.s32 $0xF5;
	s17 =	sshll.u32 s22, $0xA;
	s29 =	sshll.u32 s22, $0x8;
	v4 =	vsel vm5, $0x904, v4;
	v5 =	vsel vm5, $0x905, v5;
	v6 =	vsel vm5, $0x906, v6  }
0x26: {  	s1 =	simm.s32 $0x0;
	s6 =	sshrl.u32 s4, $0x1;
	s7 =	sshll.u32 s2, $0x7;
	v7 =	vsel vm5, $0x907, v7;
	v0 =	vsel vm3, $0x980, v0;
	v1 =	vsel vm3, $0x981, v1  }
0x27: {  	s16 =	sor.u32 s17, s16;
	s5 =	simm.s32 @!p0 $0xF4;
	p0 =	sne.s32 s2, $0x4;
	v2 =	vsel vm3, $0x982, v2;
	v3 =	vsel vm3, $0x983, v3;
	v4 =	vsel vm3, $0x984, v4  }
0x28: {  	s24 =	ssub.s32 s4, s6;
	s4 =	sadd.s32 s0, s7;
	s17 =	sadd.s32 $0x7D9400, s16;
	v5 =	vsel vm3, $0x985, v5;
	v6 =	vsel vm3, $0x986, v6;
	v7 =	vsel vm3, $0x987, v7  }
0x29: {  	s18 =	sor.u32 $0x38000, s16;
	s26 =	sadd.s32 $0xF4280, s4;
	s28 =	sadd.s32 $0x1000, s4;
	v0 =	vsel vm2, $0xA00, v0;
	v1 =	vsel vm2, $0xA01, v1;
	v2 =	vsel vm2, $0xA02, v2  }
0x2a: {  	s8 =	sadd.s32 $0xF5280, s4;
	s9 =	sadd.s32 $0x2000, s4;
	s10 =	sadd.s32 $0xF6280, s4;
	v3 =	vsel vm2, $0xA03, v3;
	v4 =	vsel vm2, $0xA04, v4;
	v5 =	vsel vm2, $0xA05, v5  }
0x2b: {  	s11 =	sadd.s32 $0x3000, s4;
	s12 =	sadd.s32 $0xF7280, s4;
	s13 =	sadd.s32 $0x4000, s4;
	v6 =	vsel vm2, $0xA06, v6;
	v7 =	vsel vm2, $0xA07, v7;
	v0 =	vsel vm1, $0xA80, v0  }
0x2c: {  	s14 =	sadd.s32 $0xF8280, s4;
	s15 =	sadd.s32 $0x5000, s4;
	s16 =	sadd.s32 $0xF9280, s4;
	v1 =	vsel vm1, $0xA81, v1;
	v2 =	vsel vm1, $0xA82, v2;
	v3 =	vsel vm1, $0xA83, v3  }
0x2d: {  	s19 =	sshrl.u32 s17, $0x3;
	s20 =	sshrl.u32 s18, $0x3;
	[dreg:$0x4] =	wrdreg s26;
	v4 =	vsel vm1, $0xA84, v4;
	v5 =	vsel vm1, $0xA85, v5;
	v1 =	vsel vm0, $0xB01, v1  }
0x2e: {  	s17 =	sadd.s32 $0x6000, s4;
	s22 =	smax.u32 s24, $0x1;
	[dreg:$0x5] =	wrdreg s28;
	v6 =	vsel vm1, $0xA86, v6;
	v7 =	vsel vm1, $0xA87, v7;
	v0 =	vsel vm0, $0xB00, v0  }
0x2f: {  	s18 =	sadd.s32 s19, s0;
	s19 =	sadd.s32 s20, s0;
	s0 =	sadd.s32 s29, s23;
	v2 =	vsel vm0, $0xB02, v2;
	v3 =	vsel vm0, $0xB03, v3;
	v4 =	vsel vm0, $0xB04, v4  }
0x30: {  	s20 =	sadd.s32 $0xFA280, s4;
	s23 =	sshll.u32 s5, $0xC;
	s26 =	sadd.s32 $0xA00, s0;
	v5 =	vsel vm0, $0xB05, v5;
	v6 =	vsel vm0, $0xB06, v6;
	v7 =	vsel vm0, $0xB07, v7  }
.LBB2_1:
0x31: {  	[tilespmem:s3], [sflag:$0x1] =	stream.linear.gather [hbm4b:s4+s3], $0x400, $0x38;
	[tilespmem:$0xC000] =	vst v63  }
0x32: {  	s0 =	rddreg [dreg:$0x4];
	s2 =	simm.s32 $0x800  }
0x33: {  	[tilespmem:s2], [sflag:$0x1] =	stream.linear.gather [hbm4b:s0+s3], $0x400, $0x38;
	[tilespmem:$0xC000] =	vst v63  }
0x34: {  	s6 =	rddreg [dreg:$0x5];
	s7 =	simm.s32 $0x1000  }
0x35: {  	[tilespmem:s7], [sflag:$0x1] =	stream.linear.gather [hbm4b:s6+s3], $0x400, $0x38;
	[tilespmem:$0xC000] =	vst v63  }
0x36: {  	s24 =	simm.s32 $0x1800  }
0x37: {  	[tilespmem:s24], [sflag:$0x1] =	stream.linear.gather [hbm4b:s8+s3], $0x400, $0x38;
	[tilespmem:$0xC000] =	vst v63  }
0x38: {  	s25 =	simm.s32 $0x2000  }
0x39: {  	[tilespmem:s25], [sflag:$0x1] =	stream.linear.gather [hbm4b:s9+s3], $0x400, $0x38;
	[tilespmem:$0xC000] =	vst v63  }
0x3a: {  	s2 =	simm.s32 $0x2800  }
0x3b: {  	[tilespmem:s2], [sflag:$0x1] =	stream.linear.gather [hbm4b:s10+s3], $0x400, $0x38;
	[tilespmem:$0xC000] =	vst v63  }
0x3c: {  	s6 =	simm.s32 $0x3000  }
0x3d: {  	[tilespmem:s6], [sflag:$0x1] =	stream.linear.gather [hbm4b:s11+s3], $0x400, $0x38;
	[tilespmem:$0xC000] =	vst v63  }
0x3e: {  	s7 =	simm.s32 $0x3800  }
0x3f: {  	[tilespmem:s7], [sflag:$0x1] =	stream.linear.gather [hbm4b:s12+s3], $0x400, $0x38;
	[tilespmem:$0xC000] =	vst v63  }
0x40: {  	s24 =	simm.s32 $0x4000  }
0x41: {  	[tilespmem:s24], [sflag:$0x1] =	stream.linear.gather [hbm4b:s13+s3], $0x400, $0x38;
	[tilespmem:$0xC000] =	vst v63  }
0x42: {  	s25 =	simm.s32 $0x4800  }
0x43: {  	[tilespmem:s25], [sflag:$0x1] =	stream.linear.gather [hbm4b:s14+s3], $0x400, $0x38;
	[tilespmem:$0xC000] =	vst v63  }
0x44: {  	s2 =	simm.s32 $0x5000  }
0x45: {  	[tilespmem:s2], [sflag:$0x1] =	stream.linear.gather [hbm4b:s15+s3], $0x400, $0x38;
	[tilespmem:$0xC000] =	vst v63  }
0x46: {  	s6 =	simm.s32 $0x5800  }
0x47: {  	[tilespmem:s6], [sflag:$0x1] =	stream.linear.gather [hbm4b:s16+s3], $0x400, $0x38;
	[tilespmem:$0xC000] =	vst v63  }
0x48: {  	p1 =	sle.u32 s5, $0x7;
	s7 =	simm.s32 $0x6000  }
0x49: {  	[tilespmem:s7], [sflag:$0x1] =	stream.linear.gather [hbm4b:s17+s3], $0x400, $0x38;
	[tilespmem:$0xC000] =	vst v63  }
0x4a: {  	s0 =	simm.s32 @!p1 $0x7000;
	s24 =	simm.s32 $0x6800  }
0x4b: {  	[tilespmem:s24], [sflag:$0x1] =	stream.linear.gather [hbm4b:s20+s3], $0x400, $0x38;
	[tilespmem:$0xC000] =	vst v63  }
0x4c: {  	s0 =	sand.u32 @!p1 $0x7000, s0;
	s2 =	sadd.s32 @!p1 $0x0, s19;
	s24 =	simm.s32 @!p1 $0x0  }
0x4d: {  	[tilespmem:s0], [sflag:$0x1] =	stream.linear.gather @!p1 [hbm4b:s2+s24], $0x400, $0x38;
	[tilespmem:$0xC000] =	vst v63  }
0x4e: {  	s0 =	sor.u32 @!p1 $0x800, s0;
	s2 =	sadd.s32 @!p1 $0x0, s18  }
0x4f: {  	[tilespmem:s0], [sflag:$0x1] =	stream.linear.gather @!p1 [hbm4b:s2+s24], $0x400, $0x38;
	[tilespmem:$0xC000] =	vst v63  }
0x50: {  	_ =	swait.ge [sflag:s30], $0x400  }
0x51: {  	[sflag:s30] =	ssyncset.done $0x0  }
0x52: {  	[sflag:s30] =	ssyncadd.s32 $0xFFFFFC00  }
0x53: {  	_ =	swait.ge [sflag:s30], $0x400  }
0x54: {  	p1 =	por $0x1, $0x1;
	[sflag:s30] =	ssyncset.done $0x0  }
0x55: {  	s0 =	simm.s32 @!p1 $0x2;
	[sflag:s30] =	ssyncadd.s32 $0xFFFFFC00  }
0x56: {  	_ =	swait.ge @!p1 [sflag:s0], $0x800  }
0x57: {  	s25 =	sand.u32 $0x7, s3;
	[sflag:s0] =	ssyncset.done @!p1 $0x0  }
0x58: {  	s29 =	sshll.u32 s25, $0xC;
	[sflag:s0] =	ssyncadd.s32 @!p1 $0xFFFFF800  }
0x59: {  	v14 =	vld.idx.msk [tilespmem:v7+s29+$0x0], $0xffff  }
0x5a: {  	p1 =	sne.s32 s23, $0x1000;
	v13 =	vld.idx.msk [tilespmem:v5+s29+$0x0], $0xffff  }
.Ltmp0:
0x5b: {  	v8 =	vld.idx.msk [tilespmem:v6+s29+$0x0], $0xffff;
	(pc) =	sbr.rel @!p1 .LBB2_3-.Ltmp0, $4  }
0x5c: {  	v9 =	vld.idx.msk [tilespmem:v3+s29+$0x0], $0xffff  }
0x5d: {  	v10 =	vld.idx.msk [tilespmem:v0+s29+$0x0], $0xffff  }
0x5e: {  	s28 =	sshll.u32 s25, $0xB;
	s25 =	smov.u32 s26;
	v12 =	vld.idx.msk [tilespmem:v4+s29+$0x0], $0xffff  }
0x5f: {  	s2 =	simm.s32 $0x1000;
	s24 =	smov.u32 s26;
	s0 =	simm.s32 $0x0;
	v11 =	vld.idx.msk [tilespmem:v2+s29+$0x0], $0xffff;
	[tilespmem:s28+$0x8070] =	vst v14  }
.LBB2_2:
0x60: {  	s0 =	sadd.s32 $0x1, s0  }
0x61: {  	v14 =	vld.idx.msk [tilespmem:v1+s29+$0x0], $0xffff;
	[tilespmem:s28+$0x8050] =	vst v13;
	s24 =	sadd.s32 $0x2000, s24;
	s29 =	smov.u32 s2;
	s2 =	sadd.s32 $0x1000, s2  }
0x62: {  	p1 =	sne.s32 s23, s2;
	[tilespmem:s28+$0x8060] =	vst v8  }
0x63: {  	[tilespmem:s28+$0x8030] =	vst v9  }
0x64: {  	[tilespmem:s28+$0x8000] =	vst v10  }
0x65: {  	s6 =	sadd.s32 $0x7, s0;
	[tilespmem:s28+$0x8040] =	vst v12  }
0x66: {  	p2 =	sge.u32 s6, s5;
	s6 =	sor.u32 $0x8000, s28;
	[tilespmem:s28+$0x8020] =	vst v11  }
0x67: {  	s7 =	sadd.s32 @!p2 $0x7000, s29;
	[tilespmem:s28+$0x8010] =	vst v14  }
0x68: {  	[hbm4b:s25+s3] =	stream.linear.scatter [tilespmem:s6], [sflag:$0x2], $0x800, $0x38;
	[tilespmem:$0xC000] =	vst v63  }
0x69: {  	s28 =	simm.s32 @!p2 $0x0;
	s6 =	sand.u32 @!p2 $0x7000, s7;
	s7 =	sadd.s32 @!p2 s29, s19  }
0x6a: {  	[tilespmem:s6], [sflag:$0x1] =	stream.linear.gather @!p2 [hbm4b:s7+s28], $0x400, $0x38;
	[tilespmem:$0xC000] =	vst v63  }
0x6b: {  	s25 =	smov.u32 s24;
	s6 =	sor.u32 @!p2 $0x800, s6;
	s7 =	sadd.s32 @!p2 s29, s18  }
0x6c: {  	[tilespmem:s6], [sflag:$0x1] =	stream.linear.gather @!p2 [hbm4b:s7+s28], $0x400, $0x38;
	[tilespmem:$0xC000] =	vst v63  }
0x6d: {  	_ =	swait.ge [sflag:s30], $0x400  }
0x6e: {  	[sflag:s30] =	ssyncset.done $0x0  }
0x6f: {  	[sflag:s30] =	ssyncadd.s32 $0xFFFFFC00  }
0x70: {  	_ =	swait.ge [sflag:s30], $0x400  }
0x71: {  	p2 =	slt.u32 s0, $0x8;
	[sflag:s30] =	ssyncset.done $0x0  }
0x72: {  	s6 =	simm.s32 @!p2 $0x2;
	[sflag:s30] =	ssyncadd.s32 $0xFFFFFC00  }
0x73: {  	_ =	swait.ge @!p2 [sflag:s6], $0x800  }
0x74: {  	s7 =	sand.u32 $0x7, s0;
	[sflag:s6] =	ssyncset.done @!p2 $0x0  }
0x75: {  	s29 =	sshll.u32 s7, $0xC;
	[sflag:s6] =	ssyncadd.s32 @!p2 $0xFFFFF800  }
0x76: {  	v14 =	vld.idx.msk [tilespmem:v7+s29+$0x0], $0xffff  }
0x77: {  	v13 =	vld.idx.msk [tilespmem:v5+s29+$0x0], $0xffff  }
.Ltmp1:
0x78: {  	v8 =	vld.idx.msk [tilespmem:v6+s29+$0x0], $0xffff;
	(pc) =	sbr.rel @p1 .LBB2_2-.Ltmp1, $4  }
0x79: {  	v9 =	vld.idx.msk [tilespmem:v3+s29+$0x0], $0xffff  }
0x7a: {  	v10 =	vld.idx.msk [tilespmem:v0+s29+$0x0], $0xffff  }
0x7b: {  	s28 =	sshll.u32 s7, $0xB;
	v12 =	vld.idx.msk [tilespmem:v4+s29+$0x0], $0xffff  }
0x7c: {  	v11 =	vld.idx.msk [tilespmem:v2+s29+$0x0], $0xffff;
	[tilespmem:s28+$0x8070] =	vst v14  }
.LBB2_3:
0x7d: {  	_ =	sdelay $0x2  }
0x7e: {  	[tilespmem:s28+$0x8050] =	vst v13  }
0x7f: {  	v63 =	vld.idx.msk [tilespmem:v1+s29+$0x0], $0xffff;
	[tilespmem:s28+$0x8060] =	vst v8  }
0x80: {  	[tilespmem:s28+$0x8030] =	vst v9  }
0x81: {  	[tilespmem:s28+$0x8000] =	vst v10  }
0x82: {  	[tilespmem:s28+$0x8040] =	vst v12  }
0x83: {  	[tilespmem:s28+$0x8020] =	vst v11  }
0x84: {  	s0 =	sor.u32 $0x8000, s28;
	[tilespmem:s28+$0x8010] =	vst v63  }
0x85: {  	[hbm4b:s25+s3] =	stream.linear.scatter [tilespmem:s0], [sflag:$0x2], $0x800, $0x38;
	[tilespmem:$0xC000] =	vst v63  }
0x86: {  	_ =	swait.ge [sflag:s31], $0x800  }
0x87: {  	[sflag:s31] =	ssyncset.done $0x0  }
0x88: {  	[sflag:s31] =	ssyncadd.s32 $0xFFFFF800  }
0x89: {  	_ =	swait.ge [sflag:s31], $0x800  }
0x8a: {  	[sflag:s31] =	ssyncset.done $0x0  }
0x8b: {  	[sflag:s31] =	ssyncadd.s32 $0xFFFFF800  }
0x8c: {  	_ =	swait.ge [sflag:s31], $0x800  }
0x8d: {  	[sflag:s31] =	ssyncset.done $0x0  }
0x8e: {  	[sflag:s31] =	ssyncadd.s32 $0xFFFFF800  }
0x8f: {  	_ =	swait.ge [sflag:s31], $0x800  }
0x90: {  	[sflag:s31] =	ssyncset.done $0x0  }
0x91: {  	[sflag:s31] =	ssyncadd.s32 $0xFFFFF800  }
0x92: {  	_ =	swait.ge [sflag:s31], $0x800  }
0x93: {  	[sflag:s31] =	ssyncset.done $0x0  }
0x94: {  	[sflag:s31] =	ssyncadd.s32 $0xFFFFF800  }
0x95: {  	_ =	swait.ge [sflag:s31], $0x800  }
0x96: {  	[sflag:s31] =	ssyncset.done $0x0  }
0x97: {  	[sflag:s31] =	ssyncadd.s32 $0xFFFFF800  }
0x98: {  	_ =	swait.ge [sflag:s31], $0x800  }
0x99: {  	[sflag:s31] =	ssyncset.done $0x0  }
0x9a: {  	[sflag:s31] =	ssyncadd.s32 $0xFFFFF800  }
0x9b: {  	_ =	swait.ge [sflag:s31], $0x800  }
0x9c: {  	[sflag:s31] =	ssyncset.done $0x0  }
0x9d: {  	[sflag:s31] =	ssyncadd.s32 $0xFFFFF800  }
0x9e: {  	s2 =	simm.s32 @!p0 $0x8000;
	s0 =	simm.s32 @!p0 $0x0;
	s6 =	rddreg [dreg:$0x1]  }
0x9f: {  	[tilespmem:s2], [sflag:$0x3] =	stream.linear.gather @!p0 [hbm4b:s6+s0], $0x400, $0x38;
	[tilespmem:$0xC000] =	vst v63  }
0xa0: {  	s6 =	simm.s32 @!p0 $0x3  }
0xa1: {  	s1 =	sadd.s32 $0x1, s1;
	_ =	swait.ge @!p0 [sflag:s6], $0x400  }
0xa2: {  	p1 =	sne.s32 s1, s22;
	[sflag:s6] =	ssyncset.done @!p0 $0x0  }
.Ltmp2:
0xa3: {  	[sflag:s6] =	ssyncadd.s32 @!p0 $0xFFFFFC00;
	(pc) =	sbr.rel @p1 .LBB2_1-.Ltmp2, $4  }
0xa4: {  	[hbm4b:s21+s0] =	stream.linear.scatter @!p0 [tilespmem:s2], [sflag:$0x3], $0x400, $0x38;
	[tilespmem:$0xC000] =	vst v63  }
0xa5: {  	_ =	swait.ge @!p0 [sflag:s6], $0x400  }
0xa6: {  	[sflag:s6] =	ssyncset.done @!p0 $0x0  }
0xa7: {  	[sflag:s6] =	ssyncadd.s32 @!p0 $0xFFFFFC00  }
0xa8: {  	_ =	sfence.sel $0x180000  }
0xa9: {  	[bflag:$0x0] =	sbarrier.arrive $0xFFFF  }
0xaa: {  	_ =	strace $0x90000047  }
0xab: {  	s0 =	stileid.u32;
	[bflag:$0x2] =	sbarrier.arrive $0xFFFF  }
0xac: {  	p0 =	sne.s32 s0, $0x0;
	s0 =	rddreg [dreg:$0x3]  }
0xad: {  	s0 =	sadd.s32 @!p0 $0x100000, s0  }
0xae: {  	[sflag:s0] =	ssyncadd.tile.s32 @!p0 $0x1;
	_ =	shalt  }
.Lfunc_end2:
_tile_overlayer_lowered:
.L_overlay_start_2:
0xaf: {  	(tag) =	ssettag $0x2  }
0xb0: {  	s0 =	rddreg [dreg:$0x0];
	s2 =	stileid.u32  }
0xb1: {  	s1 =	rddreg [dreg:$0x1];
	p0 =	sne.s32 s2, $0x0  }
0xb2: {  	s3 =	rddreg [dreg:$0x2];
	[bflag:$0x3] =	sbarrier.arrive $0xFFFF;
	s2 =	simm.s32 @!p0 $0x1C03  }
0xb3: {  	[timem:s3], [sflag:s2] =	dma.local @!p0 [hbm:s0], s1  }
0xb4: {  	s0 =	simm.s32 @!p0 $0x3  }
0xb5: {  	_ =	swait.ge @!p0 [sflag:s0], s1  }
0xb6: {  	s1 =	ssub.s32 @!p0 $0x0, s1;
	[sflag:s0] =	ssyncset.done @!p0 $0x0  }
0xb7: {  	[sflag:s0] =	ssyncadd.s32 @!p0 s1  }
0xb8: {  	[bflag:$0x3] =	sbarrier.arrive $0xFFFF  }
0xb9: {  	_ =	shalt  }

// kernel: kernel.7.cloned.1.call-start
scs
__scs_entry_jumppad:
0x0: {  	(pc) =	sbr.rel $0x88, $3  }
0x1: {  	(tag) =	ssettag $0x0;
	lr =	simm.s32 $0x1  }
0x2: {  	[smem:$0x3F9F] =	sst lr;
	_ =	strace $0xD0000000  }
0x3: {  	_ = 	snop  }
0x4: {  	_ = 	snop  }
0x5: {  	_ = 	snop  }
0x6: {  	_ = 	snop  }
0x7: {  	_ = 	snop  }
__scs_overlays_trampoline_lowered:
0x8: {  	[smem:$0x3FAE] =	sst s0  }
0x9: {  	[smem:$0x3FAF] =	sst s1  }
0xa: {  	[smem:$0x3FB0] =	sst s2  }
0xb: {  	[smem:$0x3FB1] =	sst s3  }
0xc: {  	[smem:$0x3FB2] =	sst s4  }
0xd: {  	[smem:$0x3FB3] =	sst s5  }
0xe: {  	[smem:$0x3FB4] =	sst s6  }
0xf: {  	[smem:$0x3FB5] =	sst s7  }
0x10: {  	[smem:$0x3FB6] =	sst s8  }
0x11: {  	[smem:$0x3FB7] =	sst s9;
	s0 =	simm.s32 @!p0 $0x0  }
0x12: {  	s1 =	sld [smem:$0x3F9D];
	s0 =	simm.s32 @p0 $0x1  }
0x13: {  	[smem:$0x3FB8] =	sst s0;
	s0 =	simm.s32 @!p1 $0x0  }
0x14: {  	s2 =	sld [smem:$0x3F9C];
	s0 =	simm.s32 @p1 $0x1  }
0x15: {  	[smem:$0x3FB9] =	sst s0;
	s0 =	simm.s32 @!p2 $0x0  }
0x16: {  	s3 =	sld [smem:$0x3FDB];
	s0 =	simm.s32 @p2 $0x1  }
0x17: {  	s4 =	simm.s32 $0x1BF5;
	[smem:$0x3FBB] =	sst s0  }
0x18: {  	s0 =	sld [smem:$0x3F9E];
	_ =	swait.ge [sflag:s4], $0x0  }
0x19: {  	s7 =	sld [smem:$0x3F9F]  }
0x1a: {  	s8 =	sadd.s32 $0xFFFFE003, lr  }
0x1b: {  	s9 =	sadd.s32 $0xFFFFFEF7, lr;
	s5 =	simm.s32 $0xFFFFFFFF;
	p2 =	slt.u32 s8, $0xFFFFF086  }
0x1c: {  	p1 =	slt.u32 s9, $0xF7A;
	s5 =	simm.s32 @!p2 $0x0  }
0x1d: {  	s5 =	simm.s32 @p1 $0x1;
	p0 =	seq.s32 s7, s2  }
0x1e: {  	s7 =	smul.u32 @!p0 $0xF7A, s2;
	p2 =	seq.s32 @!p0 s5, $0x0  }
0x1f: {  	s9 =	smul.u32 $0xF7A, s1;
	s8 =	simm.s32 @!p0 $0x1BF5;
	p2 =	por !p2, p0  }
0x20: {  	[sflag:s8] =	ssyncset.s32 @!p0 $0xFFFFF086;
	s6 =	sadd.s32 @!p0 s3, s7;
	s7 =	simm.s32 @!p0 $0x108  }
0x21: {  	s3 =	sadd.s32 s3, s9;
	s6 =	sadd.s32 @!p0 $0x88, s6;
	s7 =	simm.s32 @p2 $0x1082  }
0x22: {  	[simem:s7], [sflag:s8] =	dma.local @!p0 [hbm:s6], $0xF7A  }
0x23: {  	s9 =	sor.u32 $0xD0000000, s2;
	s6 =	simm.s32 $0x108;
	_ =	swait.ge @!p0 [sflag:s8], $0x0  }
0x24: {  	s3 =	sadd.s32 $0x88, s3;
	s6 =	simm.s32 @!p1 $0x1082;
	[sflag:s4] =	ssyncset.s32 $0xFFFFF086  }
0x25: {  	[simem:s6], [sflag:s4] =	dma.local [hbm:s3], $0xF7A  }
0x26: {  	[smem:$0x3F9F] =	sst s1;
	(tag) =	ssettag s2;
	_ =	strace s9  }
0x27: {  	s1 =	sld [smem:$0x3FAF]  }
0x28: {  	s2 =	sld [smem:$0x3FB0]  }
0x29: {  	s4 =	sld [smem:$0x3FB2]  }
0x2a: {  	p0 =	seq.s32 s5, $0x0;
	s5 =	sld [smem:$0x3FB3]  }
0x2b: {  	s6 =	sld [smem:$0x3FB4]  }
0x2c: {  	s7 =	sld [smem:$0x3FB5]  }
0x2d: {  	s3 =	simm.s32 $0x108;
	s8 =	sld [smem:$0x3FB6]  }
0x2e: {  	s3 =	simm.s32 @!p0 $0x1082;
	s9 =	sld [smem:$0x3FB7]  }
0x2f: {  	lr =	sadd.s32 s0, s3;
	s0 =	sld [smem:$0x3FAE]  }
0x30: {  	s3 =	sld [smem:$0x3FB1]  }
0x31: {  	[smem:$0x3FBA] =	sst s10  }
0x32: {  	s10 =	sld [smem:$0x3FB8];
	_ =	sdelay $0x3  }
0x33: {  	p0 =	seq.s32 s10, $0x1;
	s10 =	sld [smem:$0x3FBA];
	_ =	sdelay $0x3  }
0x34: {  	[smem:$0x3FBA] =	sst s10  }
0x35: {  	s10 =	sld [smem:$0x3FB9];
	_ =	sdelay $0x3  }
0x36: {  	p1 =	seq.s32 s10, $0x1;
	s10 =	sld [smem:$0x3FBA];
	_ =	sdelay $0x3  }
0x37: {  	[smem:$0x3FBA] =	sst s10  }
0x38: {  	s10 =	sld [smem:$0x3FBB]  }
0x39: {  	_ = 	snop;
	(pc) =	sbr.ind lr, $3  }
0x3a: {  	_ = 	snop  }
0x3b: {  	_ = 	snop  }
0x3c: {  	p2 =	seq.s32 s10, $0x1;
	s10 =	sld [smem:$0x3FBA]  }
0x3d: {  	_ =	shalt  }
0x3e: {  	_ =	shalt  }
0x3f: {  	_ =	shalt  }
0x40: {  	_ =	shalt  }
0x41: {  	_ =	shalt  }
0x42: {  	_ =	shalt  }
0x43: {  	_ =	shalt  }
0x44: {  	_ =	shalt  }
0x45: {  	_ =	shalt  }
0x46: {  	_ =	shalt  }
0x47: {  	_ =	shalt  }
0x48: {  	_ =	shalt  }
0x49: {  	_ =	shalt  }
0x4a: {  	_ =	shalt  }
0x4b: {  	_ =	shalt  }
0x4c: {  	_ =	shalt  }
0x4d: {  	_ =	shalt  }
0x4e: {  	_ =	shalt  }
0x4f: {  	_ =	shalt  }
0x50: {  	_ =	shalt  }
0x51: {  	_ =	shalt  }
0x52: {  	_ =	shalt  }
0x53: {  	_ =	shalt  }
0x54: {  	_ =	shalt  }
0x55: {  	_ =	shalt  }
0x56: {  	_ =	shalt  }
0x57: {  	_ =	shalt  }
0x58: {  	_ =	shalt  }
0x59: {  	_ =	shalt  }
0x5a: {  	_ =	shalt  }
0x5b: {  	_ =	shalt  }
0x5c: {  	_ =	shalt  }
0x5d: {  	_ =	shalt  }
0x5e: {  	_ =	shalt  }
0x5f: {  	_ =	shalt  }
0x60: {  	_ =	shalt  }
0x61: {  	_ =	shalt  }
0x62: {  	_ =	shalt  }
0x63: {  	_ =	shalt  }
0x64: {  	_ =	shalt  }
0x65: {  	_ =	shalt  }
0x66: {  	_ =	shalt  }
0x67: {  	_ =	shalt  }
0x68: {  	_ =	shalt  }
0x69: {  	_ =	shalt  }
0x6a: {  	_ =	shalt  }
0x6b: {  	_ =	shalt  }
0x6c: {  	_ =	shalt  }
0x6d: {  	_ =	shalt  }
0x6e: {  	_ =	shalt  }
0x6f: {  	_ =	shalt  }
0x70: {  	_ =	shalt  }
0x71: {  	_ =	shalt  }
0x72: {  	_ =	shalt  }
0x73: {  	_ =	shalt  }
0x74: {  	_ =	shalt  }
0x75: {  	_ =	shalt  }
0x76: {  	_ =	shalt  }
0x77: {  	_ =	shalt  }
0x78: {  	_ =	shalt  }
0x79: {  	_ =	shalt  }
0x7a: {  	_ =	shalt  }
0x7b: {  	_ =	shalt  }
0x7c: {  	_ =	shalt  }
0x7d: {  	_ =	shalt  }
0x7e: {  	_ =	shalt  }
0x7f: {  	_ =	shalt  }
0x80: {  	_ =	shalt  }
0x81: {  	_ =	shalt  }
0x82: {  	_ =	shalt  }
0x83: {  	_ =	shalt  }
0x84: {  	_ =	shalt  }
0x85: {  	_ =	shalt  }
0x86: {  	_ =	shalt  }
0x87: {  	_ =	shalt  }
.Lfunc_end0:
.L_simem_size_0:
called_computation.1_lowered:
.L_overlay_start_0:
0x88: {  	s2 =	sld [smem:$0x3FD9]  }
0x89: {  	s3 =	sld [smem:$0x3FFE];
	_ =	sdelay $0x1  }
0x8a: {  	s1 =	srdreg.scid  }
0x8b: {  	s0 =	sand.u32 $0x1, s1  }
0x8c: {  	s17 =	sshll.u32 s0, $0xA;
	s2 =	sadd.s32 s3, s2  }
0x8d: {  	s2 =	sadd.s32 s2, s17  }
0x8e: {  	[smem:$0x3FC6] =	sst s2  }
0x8f: {  	_ = 	snop  }
0x90: {  	s2 =	sld [smem:$0x3FD0];
	(tm) =	ssettm $0x1  }
0x91: {  	s18 =	sld [smem:$0x3FFB];
	_ =	sdelay $0x3  }
0x92: {  	_ =	strace s18  }
0x93: {  	s3 =	sld [smem:$0x3FFC];
	_ =	sdelay $0x3  }
0x94: {  	_ =	strace s3  }
0x95: {  	s3 =	sld [smem:$0x3FFD];
	_ =	sdelay $0x3  }
0x96: {  	_ =	strace s3  }
0x97: {  	_ =	strace $0x8FFFFFFF  }
0x98: {  	s19 =	sld [smem:$0x3FDB];
	_ =	sdelay $0x1  }
0x99: {  	s4 =	simm.s32 $_scs_section_size  }
0x9a: {  	s5 =	simm.s32 $_size__tile_overlayer_lowered;
	s6 =	simm.s32 $_tile_overlayer_lowered  }
0x9b: {  	s22 =	simm.s32 $0x1BFF;
	s21 =	sshll.u32 s6, $0x1;
	s3 =	sadd.s32 s4, s19  }
0x9c: {  	s7 =	simm.s32 $0x0;
	s20 =	sshll.u32 s5, $0x1;
	s5 =	sadd.s32 s21, s3  }
0x9d: {  	[timem:s7], [sflag:s22] =	dma.local [hbm:s5], s20  }
0x9e: {  	_ =	swait.ge [sflag:s22], s20  }
0x9f: {  	s4 =	ssub.s32 $0x0, s20;
	[sflag:s22] =	ssyncset.done $0x0  }
0xa0: {  	[sflag:s22] =	ssyncadd.s32 s4;
	_ =	sdelay $0x1  }
0xa1: {  	s23 =	simm.s32 $0x1B8B  }
0xa2: {  	_ =	swait.ge [sflag:s23], $0x1  }
0xa3: {  	[sflag:s23] =	ssyncset.done $0x0  }
0xa4: {  	s25 =	simm.s32 $0x1B8E;
	s24 =	sld [smem:$0x3FFE];
	[sflag:s23] =	ssyncadd.s32 $0xFFFFFFFF  }
0xa5: {  	s26 =	simm.s32 $execute0_lowered;
	[smem:$0x3FD2] =	sst s25  }
0xa6: {  	s5 =	sshll.u32 s26, $0x1;
	_ =	strace $0x80000049;
	[dreg:$0x1] =	wrdreg $0xFFFFFFFF  }
0xa7: {  	s28 =	simm.s32 $_size_execute0_lowered;
	s3 =	sadd.s32 s3, s5;
	[dreg:$0x0] =	wrdreg $0x0  }
0xa8: {  	s5 =	sshll.u32 s28, $0x1;
	[dreg:$0x2] =	wrdreg s3  }
0xa9: {  	[dreg:$0x3] =	wrdreg s5  }
0xaa: {  	[dreg:$0x4] =	wrdreg $0xC0  }
0xab: {  	_ =	task [dreg:s7], $0x5FFFF  }
0xac: {  	[dreg:$0x1] =	wrdreg $0xFFFFFFFF  }
0xad: {  	[dreg:$0x0] =	wrdreg $0x60  }
0xae: {  	[dreg:$0x2] =	wrdreg s24  }
0xaf: {  	[dreg:$0x3] =	wrdreg s2  }
0xb0: {  	[dreg:$0x4] =	wrdreg $0x9  }
0xb1: {  	_ =	task.clear_ibuf [dreg:s7], $0x5FFFF;
	_ =	strace $0x90000049  }
0xb2: {  	s29 =	simm.s32 $0x9;
	_ =	strace $0x8000004B  }
0xb3: {  	_ =	swait.ge [sflag:s29], $0x1  }
0xb4: {  	[sflag:s29] =	ssyncadd.s32 $0xFFFFFFFF  }
0xb5: {  	_ =	strace $0x9000004B  }
0xb6: {  	_ =	sfence  }
0xb7: {  	s30 =	sld [smem:$0x0];
	_ =	sdelay $0x2  }
0xb8: {  	s31 =	sshll.u32 s1, $0xD;
	s1 =	sshrl.u32 s1, $0x2  }
0xb9: {  	s3 =	sand.u32 $0x4000, s31;
	s1 =	sadd.s32 s1, s30  }
0xba: {  	s0 =	sor.u32 s3, s0;
	s1 =	sshll.u32 s1, $0x11  }
0xbb: {  	s0 =	sor.u32 s1, s0  }
0xbc: {  	s0 =	sadd.s32 $0x8F2B, s0  }
0xbd: {  	[sflag:s0] =	ssyncadd.remote.s32 $0x1  }
0xbe: {  	_ =	sfence.sel $0xFFFF  }
0xbf: {  	[dreg:$0x0] =	wrdreg $0xFFFFFFFF;
	(pc) =	sbr.abs _section_cstart, $3  }
0xc0: {  	[dreg:$0x1] =	wrdreg $0xFFFFFFFF  }
0xc1: {  	_ =	task.clear_ibuf [dreg:s7], $0x2FFFF;
	_ =	strace $0x9FFFFFFF  }
0xc2: {  	(tm) =	ssettm $0x7FFFFFFF  }
0xc3: {  	_ =	shalt  }
tec
execute0_lowered:
.L_overlay_start_1:
0x0: {  	(tag) =	ssettag $0x1  }
0x1: {  	s5 =	rddreg [dreg:$0x0]  }
0x2: {  	s2 =	rddreg [dreg:$0x1]  }
0x3: {  	s0 =	rddreg [dreg:$0x2];
	s4 =	srdreg.scid  }
0x4: {  	s1 =	stileid.u32;
	s3 =	simm.s32 $0x0;
	s9 =	simm.s32 $0x80  }
0x5: {  	s10 =	simm.s32 $0x1000;
	s11 =	simm.s32 $0x3;
	s12 =	simm.s32 $0x1900  }
0x6: {  	s13 =	simm.s32 $0x2100;
	s14 =	simm.s32 $0x100;
	s15 =	simm.s32 $0x2900  }
0x7: {  	v0 =	vlaneseq.u32;
	v2 =	vimm.f32 $0.0e+00;
	s16 =	simm.s32 $0x1;
	s17 =	simm.s32 $0x2;
	s18 =	simm.s32 $0x0  }
0x8: {  	s4 =	sand.u32 $0x1, s4;
	s6 =	sshll.u32 s1, $0x1;
	[smem:$0x7FF] =	sst s3;
	v1 =	vmul.u32 $0x10, v0;
	v4 =	vor.u32 $0x10, v0;
	v6 =	vor.u32 $0x20, v0  }
0x9: {  	v8 =	vor.u32 $0x30, v0;
	v10 =	vor.u32 $0x40, v0;
	v12 =	vor.u32 $0x50, v0;
	s6 =	sor.u32 s4, s6;
	_ =	strace $0x8000004A;
	s8 =	ssub.s32 $0x2, s4  }
0xa: {  	v14 =	vor.u32 $0x60, v0;
	v16 =	vor.u32 $0x70, v0;
	s4 =	sadd.s32 $0xA00, s5;
	s7 =	sshll.u32 s6, $0x4;
	s31 =	sshrl.u32 s8, $0x1;
	v3 =	vor.u32 $0x100, v1  }
0xb: {  	s6 =	sshll.u32 s6, $0xA;
	v5 =	vor.u32 $0x200, v1;
	v7 =	vor.u32 $0x300, v1;
	v9 =	vor.u32 $0x400, v1;
	s5 =	sadd.s32 s7, s5;
	s8 =	ssub.s32 s8, s31  }
0xc: {  	v11 =	vor.u32 $0x500, v1;
	v13 =	vor.u32 $0x600, v1;
	v15 =	vor.u32 $0x700, v1;
	s7 =	sadd.s32 $0x1000, s2;
	s5 =	sadd.s32 $0x1E9000, s5;
	s8 =	smax.u32 s8, $0x1  }
.LBB2_1:
0xd: {  	[tilespmem:s3], [sflag:$0x3] =	stream.strided.gather [hbm4b:s5+s9], $0x1900, s10, s9, $0x38;
	[tilespmem:$0xB900] =	vst v63  }
0xe: {  	_ =	swait.ge [sflag:s11], $0x1900  }
0xf: {  	[sflag:s11] =	ssyncset.done $0x0  }
0x10: {  	[sflag:s11] =	ssyncadd.s32 $0xFFFFE700  }
0x11: {  	[tilespmem:s12], [sflag:$0x1] =	stream.indirect.gather [hbm4b:s4+s9], $0x10, s3, s9, $0xb8;
	[tilespmem:$0xB900] =	vst v63  }
0x12: {  	_ = 	snop  }
0x13: {  	[tilespmem:s13], [sflag:$0x1] =	stream.indirect.gather [hbm4b:s4+s9], $0x10, s9, s9, $0xb8;
	[tilespmem:$0xB900] =	vst v63  }
0x14: {  	s19 =	simm.s32 $0x0  }
0x15: {  	[tilespmem:s15], [sflag:$0x1] =	stream.indirect.gather [hbm4b:s4+s9], $0x10, s14, s9, $0xb8;
	[tilespmem:$0xB900] =	vst v63  }
.LBB2_2:
0x16: {  	p0 =	sgt.u32 s19, $0x2E  }
0x17: {  	s20 =	sadd.s32 @!p0 $0x3, s19  }
0x18: {  	s21 =	sshll.u32 @!p0 s20, $0xB  }
0x19: {  	s20 =	sshll.u32 @!p0 s20, $0x7;
	s21 =	sand.u32 @!p0 $0x1800, s21  }
0x1a: {  	s22 =	simm.s32 @!p0 $0x80;
	s20 =	sand.u32 @!p0 $0x3FFFFF80, s20;
	s21 =	sadd.s32 @!p0 $0x1900, s21  }
0x1b: {  	[tilespmem:s21], [sflag:$0x1] =	stream.indirect.gather @!p0 [hbm4b:s4+s22], $0x10, s20, s22, $0xb8;
	[tilespmem:$0xB900] =	vst v63  }
0x1c: {  	_ =	swait.ge [sflag:s16], $0x800  }
0x1d: {  	p0 =	slt.u32 s19, $0x4;
	[sflag:s16] =	ssyncset.done $0x0  }
0x1e: {  	s21 =	simm.s32 @!p0 $0x2;
	[sflag:s16] =	ssyncadd.s32 $0xFFFFF800  }
0x1f: {  	_ =	swait.ge @!p0 [sflag:s21], $0x400  }
0x20: {  	[sflag:s21] =	ssyncset.done @!p0 $0x0  }
0x21: {  	[sflag:s21] =	ssyncadd.s32 @!p0 $0xFFFFFC00  }
0x22: {  	_ =	swait.ge @!p0 [sflag:s21], $0x400  }
0x23: {  	[sflag:s21] =	ssyncset.done @!p0 $0x0  }
0x24: {  	[sflag:s21] =	ssyncadd.s32 @!p0 $0xFFFFFC00  }
0x25: {  	_ =	swait.ge @!p0 [sflag:s21], $0x400  }
0x26: {  	[sflag:s21] =	ssyncset.done @!p0 $0x0  }
0x27: {  	[sflag:s21] =	ssyncadd.s32 @!p0 $0xFFFFFC00  }
0x28: {  	_ =	swait.ge @!p0 [sflag:s21], $0x400  }
0x29: {  	[sflag:s21] =	ssyncset.done @!p0 $0x0  }
0x2a: {  	[sflag:s21] =	ssyncadd.s32 @!p0 $0xFFFFFC00  }
0x2b: {  	_ =	swait.ge @!p0 [sflag:s21], $0x400  }
0x2c: {  	[sflag:s21] =	ssyncset.done @!p0 $0x0  }
0x2d: {  	[sflag:s21] =	ssyncadd.s32 @!p0 $0xFFFFFC00  }
0x2e: {  	_ =	swait.ge @!p0 [sflag:s21], $0x400  }
0x2f: {  	s29 =	simm.s32 $0x0;
	[sflag:s21] =	ssyncset.done @!p0 $0x0  }
0x30: {  	v17 =	vadd.s32 s29, v0;
	[sflag:s21] =	ssyncadd.s32 @!p0 $0xFFFFFC00  }
0x31: {  	v18 =	vand.u32 $0xF, v17;
	_ =	swait.ge @!p0 [sflag:s21], $0x400  }
0x32: {  	v19 =	vor.u32 v1, v18;
	[sflag:s21] =	ssyncset.done @!p0 $0x0  }
0x33: {  	s30 =	sand.u32 $0x3, s19;
	v20 =	vor.u32 v5, v18;
	[sflag:s21] =	ssyncadd.s32 @!p0 $0xFFFFFC00  }
0x34: {  	s20 =	sshll.u32 s30, $0xD;
	_ =	swait.ge @!p0 [sflag:s21], $0x400  }
0x35: {  	s31 =	sshrl.u32 s20, $0x2;
	[sflag:s21] =	ssyncset.done @!p0 $0x0  }
0x36: {  	s25 =	sadd.s32 $0x1900, s31;
	[sflag:s21] =	ssyncadd.s32 @!p0 $0xFFFFFC00  }
0x37: {  	v24 =	vld.idx.msk [tilespmem:v19+s25+$0x0], $0xffff  }
0x38: {  	v25 =	vld.idx.msk [tilespmem:v20+s25+$0x0], $0xffff  }
0x39: {  	v23 =	vor.u32 v15, v18  }
0x3a: {  	v29 =	vor.u32 v11, v18  }
0x3b: {  	v31 =	vor.u32 v13, v18  }
0x3c: {  	v20 =	vor.u32 v9, v18;
	vm0 =	vge.f32 v24, $1.000000000e+00  }
0x3d: {  	v28 =	vor.u32 v7, v18;
	v26 =	vsel vm0, $0x3F800000, v2;
	vm0 =	vge.f32 v25, $1.000000000e+00  }
0x3e: {  	v35 =	vld.idx.msk [tilespmem:v23+s25+$0x0], $0xffff;
	v21 =	vsub.f32 v24, v26;
	v27 =	vsel vm0, $0x3F800000, v2  }
0x3f: {  	v29 =	vld.idx.msk [tilespmem:v29+s25+$0x0], $0xffff;
	v22 =	vsub.f32 v25, v27  }
0x40: {  	v17 =	vshll.u32 v17, $0x7;
	v23 =	vld.idx.msk [tilespmem:v31+s25+$0x0], $0xffff;
	v21 =	vmul.f32 $5.000000000e-01, v21  }
0x41: {  	v32 =	vand.u32 $0x780, v17;
	v19 =	vor.u32 v3, v18;
	v33 =	vld.idx.msk [tilespmem:v20+s25+$0x0], $0xffff;
	v30 =	vmul.f32 $5.000000000e-01, v22  }
0x42: {  	v17 =	vor.u32 v14, v32;
	v34 =	vor.u32 v0, v32;
	v20 =	vld.idx.msk [tilespmem:v28+s25+$0x0], $0xffff;
	v21 =	vadd.f32 v21, v24  }
0x43: {  	v37 =	vor.u32 v10, v32;
	v42 =	vor.u32 v12, v32;
	v30 =	vadd.f32 v30, v25  }
0x44: {  	v39 =	vor.u32 v6, v32;
	v18 =	vor.u32 v8, v32;
	vm0 =	vge.f32 v21, $1.000000000e+00  }
0x45: {  	vm3 =	vge.f32 v29, $1.000000000e+00;
	v28 =	vsel vm0, $0x3F800000, v2;
	vm0 =	vge.f32 v30, $1.000000000e+00  }
0x46: {  	vm4 =	vge.f32 v23, $1.000000000e+00;
	v22 =	vld.idx.msk [tilespmem:v19+s25+$0x0], $0xffff;
	v36 =	vsub.f32 v21, v28;
	v38 =	vsel vm0, $0x3F800000, v2  }
0x47: {  	v50 =	vsel vm3, $0x3F800000, v2;
	vm2 =	vge.f32 v20, $1.000000000e+00;
	v30 =	vsub.f32 v30, v38  }
0x48: {  	v47 =	vsel vm2, $0x3F800000, v2;
	vm0 =	vge.f32 v33, $1.000000000e+00;
	v31 =	vmul.f32 $5.000000000e-01, v36  }
0x49: {  	v51 =	vsub.f32 v20, v47;
	v57 =	vsel vm0, $0x3F800000, v2;
	v30 =	vmul.f32 $5.000000000e-01, v30  }
0x4a: {  	v41 =	vsel vm4, $0x3F800000, v2;
	v58 =	vsub.f32 v33, v57;
	v31 =	vadd.f32 v31, v24  }
0x4b: {  	vm1 =	vge.f32 v22, $1.000000000e+00;
	vm0 =	vge.f32 v35, $1.000000000e+00;
	v30 =	vadd.f32 v30, v25  }
0x4c: {  	v45 =	vsel vm1, $0x3F800000, v2;
	v36 =	vmul.f32 $5.000000000e-01, v58;
	vm5 =	vge.f32 v31, $1.000000000e+00  }
0x4d: {  	v43 =	vsel vm0, $0x3F800000, v2;
	v40 =	vsel vm5, $0x3F800000, v2;
	vm0 =	vge.f32 v30, $1.000000000e+00  }
0x4e: {  	v36 =	vadd.f32 v36, v33;
	v31 =	vsub.f32 v31, v40;
	v44 =	vsel vm0, $0x3F800000, v2  }
0x4f: {  	v19 =	vor.u32 v4, v32;
	v48 =	vsub.f32 v22, v45;
	v30 =	vsub.f32 v30, v44  }
0x50: {  	v46 =	vsub.f32 v35, v43;
	vm0 =	vge.f32 v36, $1.000000000e+00;
	v31 =	vmul.f32 $5.000000000e-01, v31  }
0x51: {  	v59 =	vmul.f32 $5.000000000e-01, v48;
	v49 =	vsel vm0, $0x3F800000, v2;
	v30 =	vmul.f32 $5.000000000e-01, v30  }
0x52: {  	v51 =	vmul.f32 $5.000000000e-01, v51;
	v24 =	vadd.f32 v31, v24;
	v31 =	vsub.f32 v36, v49  }
0x53: {  	v21 =	vor.u32 v16, v32;
	v36 =	vadd.f32 v59, v22;
	v25 =	vadd.f32 v30, v25  }
0x54: {  	s22 =	sadd.s32 $0x3900, s20;
	v30 =	vsub.f32 v29, v50;
	vm0 =	vge.f32 v24, $1.000000000e+00;
	v24 =	vmul.f32 $5.000000000e-01, v31  }
0x55: {  	[tilespmem:v34+s22+$0x0] =	vst.idx.msk $0xffff, v26;
	v48 =	vsel vm0, $0x3F800000, v2;
	vm0 =	vge.f32 v25, $1.000000000e+00;
	v25 =	vmul.f32 $5.000000000e-01, v46  }
0x56: {  	[tilespmem:v42+s22+$0x0] =	vst.idx.msk $0xffff, v50;
	v60 =	vadd.f32 v51, v20;
	v30 =	vmul.f32 $5.000000000e-01, v30;
	v24 =	vadd.f32 v24, v33  }
0x57: {  	[tilespmem:v39+s22+$0x0] =	vst.idx.msk $0xffff, v27;
	v46 =	vsel vm0, $0x3F800000, v2;
	vm0 =	vge.f32 v36, $1.000000000e+00;
	v25 =	vadd.f32 v25, v35  }
0x58: {  	s21 =	sadd.s32 $0x4100, s20;
	[tilespmem:v18+s22+$0x0] =	vst.idx.msk $0xffff, v47;
	v30 =	vadd.f32 v30, v29;
	v27 =	vsel vm0, $0x3F800000, v2;
	vm1 =	vge.f32 v24, $1.000000000e+00  }
0x59: {  	[tilespmem:v34+s21+$0x0] =	vst.idx.msk $0xffff, v28;
	v31 =	vsub.f32 v23, v41;
	v36 =	vsub.f32 v36, v27;
	v52 =	vsel vm1, $0x3F800000, v2  }
0x5a: {  	[tilespmem:v39+s21+$0x0] =	vst.idx.msk $0xffff, v38;
	vm0 =	vge.f32 v25, $1.000000000e+00;
	vm1 =	vge.f32 v30, $1.000000000e+00;
	v24 =	vsub.f32 v24, v52  }
0x5b: {  	[tilespmem:v37+s22+$0x0] =	vst.idx.msk $0xffff, v57;
	v51 =	vsel vm0, $0x3F800000, v2;
	v53 =	vsel vm1, $0x3F800000, v2;
	v28 =	vmul.f32 $5.000000000e-01, v36  }
0x5c: {  	s23 =	sadd.s32 $0x4900, s20;
	[tilespmem:v19+s22+$0x0] =	vst.idx.msk $0xffff, v45;
	vm0 =	vge.f32 v60, $1.000000000e+00;
	v25 =	vsub.f32 v25, v51;
	v26 =	vsub.f32 v30, v53  }
0x5d: {  	s26 =	simm.s32 $0x1;
	[tilespmem:v39+s23+$0x0] =	vst.idx.msk $0xffff, v44;
	v30 =	vmul.f32 $5.000000000e-01, v31;
	v44 =	vsel vm0, $0x3F800000, v2;
	v24 =	vmul.f32 $5.000000000e-01, v24  }
0x5e: {  	[tilespmem:v37+s21+$0x0] =	vst.idx.msk $0xffff, v49;
	v31 =	vadd.s32 s26, v0;
	v38 =	vsub.f32 v60, v44;
	v49 =	vadd.f32 v28, v22  }
0x5f: {  	s24 =	sadd.s32 $0x5100, s20;
	[tilespmem:v34+s23+$0x0] =	vst.idx.msk $0xffff, v40;
	v25 =	vmul.f32 $5.000000000e-01, v25;
	v24 =	vadd.f32 v24, v33;
	v33 =	vand.u32 $0xF, v31  }
0x60: {  	[tilespmem:v34+s24+$0x0] =	vst.idx.msk $0xffff, v48;
	v26 =	vmul.f32 $5.000000000e-01, v26;
	v58 =	vadd.f32 v30, v23;
	v61 =	vor.u32 v1, v33  }
0x61: {  	v62 =	vor.u32 v3, v33;
	v63 =	vor.u32 v5, v33;
	v54 =	vor.u32 v7, v33  }
0x62: {  	v60 =	vor.u32 v9, v33;
	v55 =	vor.u32 v11, v33;
	v56 =	vor.u32 v13, v33  }
0x63: {  	[tilespmem:v39+s24+$0x0] =	vst.idx.msk $0xffff, v46;
	v33 =	vor.u32 v15, v33;
	vm0 =	vge.f32 v24, $1.000000000e+00;
	v24 =	vadd.f32 v26, v29  }
0x64: {  	[tilespmem:v19+s21+$0x0] =	vst.idx.msk $0xffff, v27;
	v57 =	vadd.f32 v25, v35;
	v25 =	vmul.f32 $5.000000000e-01, v38;
	vm8 =	vge.f32 v58, $1.000000000e+00  }
0x65: {  	[tilespmem:v37+s23+$0x0] =	vst.idx.msk $0xffff, v52;
	v26 =	vshll.u32 v31, $0x7;
	v48 =	vsel vm0, $0x3F800000, v2;
	vm2 =	vge.f32 v24, $1.000000000e+00;
	v45 =	vld.idx.msk [tilespmem:v61+s25+$0x0], $0xffff  }
0x66: {  	[tilespmem:v42+s21+$0x0] =	vst.idx.msk $0xffff, v53;
	vm1 =	vge.f32 v57, $1.000000000e+00;
	v36 =	vand.u32 $0x780, v26;
	v46 =	vsel vm2, $0x3F800000, v2  }
0x67: {  	vm0 =	vge.f32 v49, $1.000000000e+00;
	v38 =	vadd.f32 v25, v20;
	v50 =	vld.idx.msk [tilespmem:v63+s25+$0x0], $0xffff;
	v24 =	vsub.f32 v24, v46  }
0x68: {  	v59 =	vsel vm1, $0x3F800000, v2;
	v26 =	vor.u32 v8, v36;
	v27 =	vor.u32 v14, v36;
	v31 =	vld.idx.msk [tilespmem:v62+s25+$0x0], $0xffff  }
0x69: {  	v40 =	vor.u32 v0, v36;
	v28 =	vor.u32 v10, v36;
	v25 =	vld.idx.msk [tilespmem:v33+s25+$0x0], $0xffff;
	v61 =	vmul.f32 $5.000000000e-01, v24  }
0x6a: {  	[tilespmem:v18+s21+$0x0] =	vst.idx.msk $0xffff, v44;
	v30 =	vor.u32 v4, v36;
	v53 =	vsel vm0, $0x3F800000, v2;
	v34 =	vld.idx.msk [tilespmem:v60+s25+$0x0], $0xffff;
	vm1 =	vge.f32 v45, $1.000000000e+00  }
0x6b: {  	v44 =	vsub.f32 v49, v53;
	v32 =	vld.idx.msk [tilespmem:v54+s25+$0x0], $0xffff;
	v54 =	vadd.f32 v61, v29;
	v52 =	vsel vm1, $0x3F800000, v2  }
0x6c: {  	v29 =	vld.idx.msk [tilespmem:v55+s25+$0x0], $0xffff;
	v55 =	vsub.f32 v57, v59;
	vm1 =	vge.f32 v50, $1.000000000e+00;
	v57 =	vsub.f32 v45, v52  }
0x6d: {  	v39 =	vor.u32 v6, v36;
	v33 =	vor.u32 v16, v36;
	v60 =	vsel vm1, $0x3F800000, v2  }
0x6e: {  	v44 =	vmul.f32 $5.000000000e-01, v44;
	v62 =	vsub.f32 v50, v60;
	v63 =	vmul.f32 $5.000000000e-01, v57  }
0x6f: {  	v24 =	vor.u32 v12, v36;
	v36 =	vld.idx.msk [tilespmem:v56+s25+$0x0], $0xffff;
	vm13 =	vge.f32 v31, $1.000000000e+00;
	vm6 =	vge.f32 v25, $1.000000000e+00  }
0x70: {  	[tilespmem:v17+s22+$0x0] =	vst.idx.msk $0xffff, v41;
	vm7 =	vge.f32 v34, $1.000000000e+00;
	v57 =	vmul.f32 $5.000000000e-01, v62;
	v61 =	vadd.f32 v63, v45  }
0x71: {  	[tilespmem:v37+s24+$0x0] =	vst.idx.msk $0xffff, v48;
	vm14 =	vge.f32 v32, $1.000000000e+00;
	v47 =	vmul.f32 $5.000000000e-01, v55;
	v37 =	vsel vm6, $0x3F800000, v2  }
0x72: {  	[tilespmem:v21+s22+$0x0] =	vst.idx.msk $0xffff, v43;
	v43 =	vsel vm13, $0x3F800000, v2;
	v62 =	vadd.f32 v57, v50;
	vm0 =	vge.f32 v61, $1.000000000e+00  }
0x73: {  	[tilespmem:v21+s21+$0x0] =	vst.idx.msk $0xffff, v51;
	v41 =	vsel vm14, $0x3F800000, v2;
	vm1 =	vge.f32 v54, $1.000000000e+00;
	v48 =	vsel vm0, $0x3F800000, v2  }
0x74: {  	[tilespmem:v21+s23+$0x0] =	vst.idx.msk $0xffff, v59;
	vm3 =	vge.f32 v36, $1.000000000e+00;
	vm0 =	vge.f32 v62, $1.000000000e+00;
	v63 =	vsub.f32 v61, v48  }
0x75: {  	[tilespmem:v42+s23+$0x0] =	vst.idx.msk $0xffff, v46;
	v54 =	vsel vm7, $0x3F800000, v2;
	v46 =	vsub.f32 v25, v37;
	v57 =	vsel vm0, $0x3F800000, v2  }
0x76: {  	v56 =	vsub.f32 v31, v43;
	[tilespmem:v40+s22+$0x0] =	vst.idx.msk $0xffff, v52;
	v59 =	vsub.f32 v62, v57;
	v49 =	vmul.f32 $5.000000000e-01, v63  }
0x77: {  	v47 =	vadd.f32 v47, v35;
	v35 =	vsel vm8, $0x3F800000, v2;
	[tilespmem:v39+s22+$0x0] =	vst.idx.msk $0xffff, v60;
	vm2 =	vge.f32 v29, $1.000000000e+00  }
0x78: {  	v61 =	vsub.f32 v34, v54;
	[tilespmem:v40+s21+$0x0] =	vst.idx.msk $0xffff, v48;
	v62 =	vmul.f32 $5.000000000e-01, v59;
	v49 =	vadd.f32 v49, v45  }
0x79: {  	vm0 =	vge.f32 v38, $1.000000000e+00;
	v48 =	vmul.f32 $5.000000000e-01, v56;
	[tilespmem:v39+s21+$0x0] =	vst.idx.msk $0xffff, v57;
	v57 =	vsel vm1, $0x3F800000, v2  }
0x7a: {  	[tilespmem:v19+s23+$0x0] =	vst.idx.msk $0xffff, v53;
	v63 =	vsub.f32 v58, v35;
	v53 =	vadd.f32 v62, v50;
	vm15 =	vge.f32 v49, $1.000000000e+00  }
0x7b: {  	[tilespmem:v17+s21+$0x0] =	vst.idx.msk $0xffff, v35;
	v51 =	vmul.f32 $5.000000000e-01, v61;
	v35 =	vsel vm3, $0x3F800000, v2;
	v59 =	vsel vm15, $0x3F800000, v2  }
0x7c: {  	v60 =	vmul.f32 $5.000000000e-01, v63;
	vm1 =	vge.f32 v53, $1.000000000e+00;
	v61 =	vsub.f32 v49, v59  }
0x7d: {  	[tilespmem:v28+s22+$0x0] =	vst.idx.msk $0xffff, v54;
	v63 =	vsel vm2, $0x3F800000, v2;
	v58 =	vadd.f32 v51, v34;
	v62 =	vsel vm1, $0x3F800000, v2  }
0x7e: {  	[tilespmem:v42+s24+$0x0] =	vst.idx.msk $0xffff, v57;
	v52 =	vadd.f32 v60, v23;
	v49 =	vsub.f32 v53, v62;
	v60 =	vmul.f32 $5.000000000e-01, v61  }
0x7f: {  	[tilespmem:v24+s22+$0x0] =	vst.idx.msk $0xffff, v63;
	vm2 =	vge.f32 v58, $1.000000000e+00;
	vm1 =	vge.f32 v47, $1.000000000e+00;
	v47 =	vsub.f32 v29, v63  }
0x80: {  	[tilespmem:v40+s23+$0x0] =	vst.idx.msk $0xffff, v59;
	vm3 =	vge.f32 v52, $1.000000000e+00;
	v49 =	vmul.f32 $5.000000000e-01, v49;
	v61 =	vadd.f32 v60, v45  }
0x81: {  	[tilespmem:v39+s23+$0x0] =	vst.idx.msk $0xffff, v62;
	v62 =	vsel vm2, $0x3F800000, v2;
	v63 =	vsel vm3, $0x3F800000, v2;
	v42 =	vsel vm1, $0x3F800000, v2  }
0x82: {  	[tilespmem:v17+s23+$0x0] =	vst.idx.msk $0xffff, v63;
	v52 =	vsub.f32 v52, v63;
	v51 =	vadd.f32 v49, v50;
	vm2 =	vge.f32 v61, $1.000000000e+00  }
0x83: {  	s28 =	simm.s32 $0x8;
	[tilespmem:v28+s21+$0x0] =	vst.idx.msk $0xffff, v62;
	v45 =	vsub.f32 v36, v35;
	v50 =	vsub.f32 v58, v62;
	v49 =	vsel vm2, $0x3F800000, v2  }
.LBB2_3:
0x84: {  	s28 =	sadd.s32 $0x8, s28;
	[tilespmem:v40+s24+$0x0] =	vst.idx.msk $0xffff, v49;
	vm1 =	vge.f32 v51, $1.000000000e+00;
	v40 =	vmul.f32 $5.000000000e-01, v46;
	s26 =	sadd.s32 $0x1, s26;
	v46 =	vmul.f32 $5.000000000e-01, v52  }
0x85: {  	v48 =	vadd.f32 v48, v31;
	v51 =	vsub.f32 v32, v41;
	p0 =	slt.u32 s28, $0x78;
	v49 =	vsel vm1, $0x3F800000, v2  }
0x86: {  	[tilespmem:v30+s22+$0x0] =	vst.idx.msk $0xffff, v43;
	v43 =	vmul.f32 $5.000000000e-01, v50;
	v50 =	vsel vm0, $0x3F800000, v2;
	v46 =	vadd.f32 v46, v23;
	v23 =	vmovc v36  }
0x87: {  	v44 =	vadd.f32 v44, v22;
	vm0 =	vge.f32 v48, $1.000000000e+00;
	v36 =	vadd.f32 v40, v25;
	[tilespmem:v18+s23+$0x0] =	vst.idx.msk $0xffff, v50  }
0x88: {  	v40 =	vsel vm0, $0x3F800000, v2;
	v38 =	vsub.f32 v38, v50;
	[tilespmem:v39+s24+$0x0] =	vst.idx.msk $0xffff, v49;
	v39 =	vadd.f32 v43, v34  }
0x89: {  	v22 =	vmovc v31;
	vm0 =	vge.f32 v44, $1.000000000e+00;
	v43 =	vmul.f32 $5.000000000e-01, v47;
	vm1 =	vge.f32 v36, $1.000000000e+00;
	[tilespmem:v21+s24+$0x0] =	vst.idx.msk $0xffff, v42;
	v21 =	vmovc v33  }
0x8a: {  	v31 =	vmul.f32 $5.000000000e-01, v51;
	v33 =	vmul.f32 $5.000000000e-01, v38;
	[tilespmem:v30+s21+$0x0] =	vst.idx.msk $0xffff, v40;
	vm2 =	vge.f32 v39, $1.000000000e+00  }
0x8b: {  	v38 =	vsub.f32 v48, v40;
	v42 =	vadd.f32 v43, v29;
	v40 =	vsel vm2, $0x3F800000, v2  }
0x8c: {  	v31 =	vadd.f32 v31, v32;
	v43 =	vsel vm1, $0x3F800000, v2;
	v33 =	vadd.f32 v33, v20;
	[tilespmem:v28+s23+$0x0] =	vst.idx.msk $0xffff, v40  }
0x8d: {  	vm2 =	vge.f32 v46, $1.000000000e+00;
	v20 =	vmovc v32;
	v39 =	vsub.f32 v39, v40;
	vm1 =	vge.f32 v42, $1.000000000e+00  }
0x8e: {  	v36 =	vsub.f32 v36, v43;
	v32 =	vsel vm1, $0x3F800000, v2;
	vm1 =	vge.f32 v33, $1.000000000e+00  }
0x8f: {  	v33 =	vmul.f32 $5.000000000e-01, v39;
	v39 =	vsub.f32 v42, v32;
	v40 =	vsel vm1, $0x3F800000, v2  }
0x90: {  	v44 =	vmul.f32 $5.000000000e-01, v45;
	v38 =	vmul.f32 $5.000000000e-01, v38;
	v42 =	vsel vm0, $0x3F800000, v2;
	[tilespmem:v18+s24+$0x0] =	vst.idx.msk $0xffff, v40;
	v18 =	vmovc v26  }
0x91: {  	v40 =	vadd.s32 s26, v0;
	v33 =	vadd.f32 v33, v34;
	v34 =	vsel vm2, $0x3F800000, v2;
	[tilespmem:v19+s24+$0x0] =	vst.idx.msk $0xffff, v42;
	v19 =	vmovc v30  }
0x92: {  	v36 =	vmul.f32 $5.000000000e-01, v36;
	vm0 =	vge.f32 v31, $1.000000000e+00;
	v30 =	vand.u32 $0xF, v40;
	[tilespmem:v17+s24+$0x0] =	vst.idx.msk $0xffff, v34;
	v17 =	vmovc v27  }
0x93: {  	v27 =	vor.u32 v1, v30;
	v34 =	vor.u32 v3, v30;
	[tilespmem:v26+s22+$0x0] =	vst.idx.msk $0xffff, v41;
	v26 =	vsel vm0, $0x3F800000, v2  }
0x94: {  	v46 =	vor.u32 v7, v30;
	v41 =	vor.u32 v5, v30;
	v31 =	vsub.f32 v31, v26  }
0x95: {  	v47 =	vor.u32 v9, v30;
	v48 =	vor.u32 v11, v30;
	[tilespmem:v18+s21+$0x0] =	vst.idx.msk $0xffff, v26;
	v26 =	vmul.f32 $5.000000000e-01, v39  }
0x96: {  	v50 =	vadd.f32 v36, v25;
	v49 =	vor.u32 v13, v30;
	v30 =	vor.u32 v15, v30  }
0x97: {  	v51 =	vadd.f32 v38, v22;
	vm0 =	vge.f32 v33, $1.000000000e+00;
	[tilespmem:v24+s21+$0x0] =	vst.idx.msk $0xffff, v32;
	v33 =	vadd.f32 v26, v29  }
0x98: {  	vm1 =	vge.f32 v50, $1.000000000e+00;
	v32 =	vmul.f32 $5.000000000e-01, v31;
	v26 =	vsel vm0, $0x3F800000, v2;
	v45 =	vld.idx.msk [tilespmem:v27+s25+$0x0], $0xffff;
	[tilespmem:v21+s22+$0x0] =	vst.idx.msk $0xffff, v37  }
0x99: {  	v52 =	vadd.f32 v44, v23;
	v27 =	vshll.u32 v40, $0x7;
	v42 =	vld.idx.msk [tilespmem:v41+s25+$0x0], $0xffff;
	vm2 =	vge.f32 v33, $1.000000000e+00;
	[tilespmem:v21+s21+$0x0] =	vst.idx.msk $0xffff, v43  }
0x9a: {  	vm0 =	vge.f32 v51, $1.000000000e+00;
	v37 =	vsel vm1, $0x3F800000, v2;
	v36 =	vand.u32 $0x780, v27;
	v31 =	vld.idx.msk [tilespmem:v34+s25+$0x0], $0xffff;
	[tilespmem:v28+s24+$0x0] =	vst.idx.msk $0xffff, v26  }
0x9b: {  	v38 =	vadd.f32 v32, v20;
	v26 =	vor.u32 v8, v36;
	v27 =	vor.u32 v14, v36;
	v41 =	vld.idx.msk [tilespmem:v30+s25+$0x0], $0xffff  }
0x9c: {  	v40 =	vor.u32 v0, v36;
	v28 =	vor.u32 v10, v36;
	v43 =	vsel vm2, $0x3F800000, v2;
	v32 =	vld.idx.msk [tilespmem:v46+s25+$0x0], $0xffff  }
0x9d: {  	v30 =	vor.u32 v4, v36;
	v44 =	vsub.f32 v33, v43;
	v34 =	vld.idx.msk [tilespmem:v47+s25+$0x0], $0xffff;
	v47 =	vor.u32 v12, v36  }
0x9e: {  	v39 =	vor.u32 v6, v36;
	v33 =	vor.u32 v16, v36;
	vm1 =	vge.f32 v45, $1.000000000e+00;
	v46 =	vld.idx.msk [tilespmem:v48+s25+$0x0], $0xffff  }
0x9f: {  	v48 =	vsel vm1, $0x3F800000, v2;
	vm1 =	vge.f32 v42, $1.000000000e+00;
	v36 =	vld.idx.msk [tilespmem:v49+s25+$0x0], $0xffff;
	[tilespmem:v21+s23+$0x0] =	vst.idx.msk $0xffff, v37;
	v37 =	vsub.f32 v50, v37  }
0xa0: {  	v49 =	vsub.f32 v45, v48;
	v50 =	vsel vm1, $0x3F800000, v2;
	[tilespmem:v24+s23+$0x0] =	vst.idx.msk $0xffff, v43;
	v43 =	vmul.f32 $5.000000000e-01, v44  }
0xa1: {  	vm5 =	vge.f32 v31, $1.000000000e+00;
	v44 =	vsub.f32 v42, v50;
	v37 =	vmul.f32 $5.000000000e-01, v37  }
0xa2: {  	vm6 =	vge.f32 v41, $1.000000000e+00;
	v49 =	vmul.f32 $5.000000000e-01, v49;
	v53 =	vadd.f32 v43, v29  }
0xa3: {  	v43 =	vmul.f32 $5.000000000e-01, v44;
	vm7 =	vge.f32 v34, $1.000000000e+00;
	v44 =	vsel vm0, $0x3F800000, v2  }
0xa4: {  	vm4 =	vge.f32 v32, $1.000000000e+00;
	v49 =	vadd.f32 v49, v45;
	v29 =	vmovc v46;
	[tilespmem:v19+s23+$0x0] =	vst.idx.msk $0xffff, v44;
	vm3 =	vge.f32 v53, $1.000000000e+00  }
0xa5: {  	v43 =	vadd.f32 v43, v42;
	vm1 =	vge.f32 v29, $1.000000000e+00;
	v44 =	vsub.f32 v51, v44  }
0xa6: {  	vm8 =	vge.f32 v52, $1.000000000e+00;
	vm2 =	vge.f32 v36, $1.000000000e+00;
	vm0 =	vge.f32 v49, $1.000000000e+00  }
0xa7: {  	v53 =	vsel vm8, $0x3F800000, v2;
	v51 =	vsel vm0, $0x3F800000, v2;
	vm0 =	vge.f32 v43, $1.000000000e+00  }
0xa8: {  	v46 =	vsub.f32 v49, v51;
	v49 =	vsel vm0, $0x3F800000, v2;
	[tilespmem:v39+s22+$0x0] =	vst.idx.msk $0xffff, v50;
	v50 =	vadd.f32 v37, v25  }
0xa9: {  	v54 =	vsel vm7, $0x3F800000, v2;
	v37 =	vsel vm6, $0x3F800000, v2;
	v25 =	vmovc v41;
	[tilespmem:v39+s21+$0x0] =	vst.idx.msk $0xffff, v49;
	v49 =	vsub.f32 v43, v49  }
0xaa: {  	v55 =	vsub.f32 v34, v54;
	v41 =	vmul.f32 $5.000000000e-01, v46;
	v43 =	vsel vm5, $0x3F800000, v2;
	[tilespmem:v17+s22+$0x0] =	vst.idx.msk $0xffff, v35  }
0xab: {  	v44 =	vmul.f32 $5.000000000e-01, v44;
	v46 =	vsub.f32 v25, v37;
	v35 =	vmul.f32 $5.000000000e-01, v49;
	[tilespmem:v17+s21+$0x0] =	vst.idx.msk $0xffff, v53  }
0xac: {  	v55 =	vmul.f32 $5.000000000e-01, v55;
	vm0 =	vge.f32 v38, $1.000000000e+00;
	v49 =	vadd.f32 v41, v45  }
0xad: {  	v41 =	vsel vm4, $0x3F800000, v2;
	[tilespmem:v40+s22+$0x0] =	vst.idx.msk $0xffff, v48;
	v48 =	vadd.f32 v35, v42;
	v35 =	vsub.f32 v52, v53  }
0xae: {  	vm4 =	vge.f32 v49, $1.000000000e+00;
	v52 =	vsub.f32 v31, v43;
	v53 =	vsel vm3, $0x3F800000, v2  }
0xaf: {  	[tilespmem:v40+s21+$0x0] =	vst.idx.msk $0xffff, v51;
	v51 =	vsel vm4, $0x3F800000, v2;
	vm3 =	vge.f32 v48, $1.000000000e+00;
	v56 =	vmul.f32 $5.000000000e-01, v35  }
0xb0: {  	v57 =	vsel vm1, $0x3F800000, v2;
	[tilespmem:v40+s23+$0x0] =	vst.idx.msk $0xffff, v51;
	v49 =	vsub.f32 v49, v51;
	v51 =	vsel vm3, $0x3F800000, v2  }
0xb1: {  	v55 =	vadd.f32 v55, v34;
	v35 =	vsel vm2, $0x3F800000, v2;
	[tilespmem:v39+s23+$0x0] =	vst.idx.msk $0xffff, v51;
	v56 =	vadd.f32 v56, v23  }
0xb2: {  	vm1 =	vge.f32 v50, $1.000000000e+00;
	v51 =	vsub.f32 v48, v51;
	v49 =	vmul.f32 $5.000000000e-01, v49;
	[tilespmem:v24+s24+$0x0] =	vst.idx.msk $0xffff, v53;
	v24 =	vmovc v47  }
.Ltmp0:
0xb3: {  	vm2 =	vge.f32 v55, $1.000000000e+00;
	v48 =	vmul.f32 $5.000000000e-01, v52;
	[tilespmem:v47+s22+$0x0] =	vst.idx.msk $0xffff, v57;
	v47 =	vsub.f32 v29, v57;
	(pc) =	sbr.rel @p0 .LBB2_3-.Ltmp0, $4  }
0xb4: {  	v50 =	vmul.f32 $5.000000000e-01, v51;
	vm3 =	vge.f32 v56, $1.000000000e+00;
	v49 =	vadd.f32 v49, v45  }
0xb5: {  	v53 =	vsel vm2, $0x3F800000, v2;
	v45 =	vsub.f32 v36, v35;
	v52 =	vsel vm3, $0x3F800000, v2;
	[tilespmem:v28+s22+$0x0] =	vst.idx.msk $0xffff, v54  }
0xb6: {  	v51 =	vadd.f32 v50, v42;
	vm2 =	vge.f32 v49, $1.000000000e+00;
	[tilespmem:v17+s23+$0x0] =	vst.idx.msk $0xffff, v52;
	v52 =	vsub.f32 v56, v52  }
0xb7: {  	v50 =	vsub.f32 v55, v53;
	v42 =	vsel vm1, $0x3F800000, v2;
	v49 =	vsel vm2, $0x3F800000, v2;
	[tilespmem:v28+s21+$0x0] =	vst.idx.msk $0xffff, v53  }
0xb8: {  	_ =	sdelay $0x1  }
0xb9: {  	v52 =	vmul.f32 $5.000000000e-01, v52;
	vm1 =	vge.f32 v51, $1.000000000e+00;
	v48 =	vadd.f32 v48, v31  }
0xba: {  	v46 =	vmul.f32 $5.000000000e-01, v46;
	v61 =	vsub.f32 v32, v41;
	v22 =	vadd.f32 v44, v22  }
0xbb: {  	v62 =	vsel vm0, $0x3F800000, v2;
	v47 =	vmul.f32 $5.000000000e-01, v47;
	[tilespmem:v40+s24+$0x0] =	vst.idx.msk $0xffff, v49;
	v49 =	vmul.f32 $5.000000000e-01, v45  }
0xbc: {  	v51 =	vsel vm1, $0x3F800000, v2;
	v50 =	vmul.f32 $5.000000000e-01, v50;
	v38 =	vsub.f32 v38, v62  }
0xbd: {  	v23 =	vadd.f32 v52, v23;
	vm9 =	vge.f32 v48, $1.000000000e+00;
	v46 =	vadd.f32 v46, v25  }
0xbe: {  	vm10 =	vge.f32 v22, $1.000000000e+00;
	v52 =	vmul.f32 $5.000000000e-01, v61;
	v54 =	vadd.f32 v47, v29  }
0xbf: {  	v50 =	vadd.f32 v50, v34;
	v63 =	vsel vm9, $0x3F800000, v2;
	v38 =	vmul.f32 $5.000000000e-01, v38  }
0xc0: {  	[tilespmem:v39+s24+$0x0] =	vst.idx.msk $0xffff, v51;
	v51 =	vsel vm10, $0x3F800000, v2;
	vm11 =	vge.f32 v46, $1.000000000e+00;
	v55 =	vsub.f32 v48, v63  }
0xc1: {  	v57 =	vadd.f32 v52, v32;
	vm12 =	vge.f32 v54, $1.000000000e+00;
	vm13 =	vge.f32 v23, $1.000000000e+00  }
0xc2: {  	[tilespmem:v30+s22+$0x0] =	vst.idx.msk $0xffff, v43;
	v52 =	vadd.f32 v49, v36;
	vm2 =	vge.f32 v50, $1.000000000e+00;
	v58 =	vsel vm11, $0x3F800000, v2  }
0xc3: {  	[tilespmem:v21+s24+$0x0] =	vst.idx.msk $0xffff, v42;
	v20 =	vadd.f32 v38, v20;
	v60 =	vsel vm12, $0x3F800000, v2;
	v56 =	vsel vm2, $0x3F800000, v2  }
0xc4: {  	[tilespmem:v18+s23+$0x0] =	vst.idx.msk $0xffff, v62;
	v61 =	vsub.f32 v46, v58;
	v62 =	vsub.f32 v54, v60;
	vm15 =	vge.f32 v57, $1.000000000e+00  }
0xc5: {  	[tilespmem:v30+s21+$0x0] =	vst.idx.msk $0xffff, v63;
	vm4 =	vge.f32 v52, $1.000000000e+00;
	v59 =	vsub.f32 v50, v56;
	vm14 =	vge.f32 v20, $1.000000000e+00  }
0xc6: {  	[tilespmem:v19+s24+$0x0] =	vst.idx.msk $0xffff, v51;
	v50 =	vmul.f32 $5.000000000e-01, v55;
	v53 =	vsel vm15, $0x3F800000, v2;
	v20 =	vmul.f32 $5.000000000e-01, v62  }
0xc7: {  	[tilespmem:v28+s23+$0x0] =	vst.idx.msk $0xffff, v56;
	v46 =	vsel vm14, $0x3F800000, v2;
	v19 =	vmul.f32 $5.000000000e-01, v61;
	v63 =	vmul.f32 $5.000000000e-01, v59  }
0xc8: {  	[tilespmem:v18+s24+$0x0] =	vst.idx.msk $0xffff, v46;
	v18 =	vsel vm13, $0x3F800000, v2;
	v56 =	vadd.f32 v50, v31;
	v20 =	vadd.f32 v20, v29  }
0xc9: {  	[tilespmem:v17+s24+$0x0] =	vst.idx.msk $0xffff, v18;
	v17 =	vsub.f32 v57, v53;
	v18 =	vadd.f32 v19, v25;
	v19 =	vsel vm4, $0x3F800000, v2  }
0xca: {  	[tilespmem:v26+s22+$0x0] =	vst.idx.msk $0xffff, v41;
	v22 =	vadd.f32 v63, v34;
	v55 =	vsub.f32 v52, v19  }
0xcb: {  	[tilespmem:v33+s22+$0x0] =	vst.idx.msk $0xffff, v37;
	vm8 =	vge.f32 v56, $1.000000000e+00;
	vm5 =	vge.f32 v20, $1.000000000e+00;
	v17 =	vmul.f32 $5.000000000e-01, v17  }
0xcc: {  	[tilespmem:v24+s21+$0x0] =	vst.idx.msk $0xffff, v60;
	vm7 =	vge.f32 v18, $1.000000000e+00;
	v60 =	vsel vm8, $0x3F800000, v2;
	v54 =	vsel vm5, $0x3F800000, v2  }
0xcd: {  	[tilespmem:v33+s21+$0x0] =	vst.idx.msk $0xffff, v58;
	v57 =	vmul.f32 $5.000000000e-01, v55;
	v58 =	vsel vm7, $0x3F800000, v2;
	v20 =	vsub.f32 v20, v54  }
0xce: {  	[tilespmem:v27+s22+$0x0] =	vst.idx.msk $0xffff, v35;
	vm6 =	vge.f32 v22, $1.000000000e+00;
	v17 =	vadd.f32 v17, v32;
	v18 =	vsub.f32 v18, v58  }
0xcf: {  	[tilespmem:v26+s21+$0x0] =	vst.idx.msk $0xffff, v53;
	v21 =	vsub.f32 v56, v60;
	v23 =	vadd.f32 v57, v36;
	v20 =	vmul.f32 $5.000000000e-01, v20  }
0xd0: {  	[tilespmem:v27+s21+$0x0] =	vst.idx.msk $0xffff, v19;
	v22 =	vsel vm6, $0x3F800000, v2;
	vm9 =	vge.f32 v17, $1.000000000e+00;
	v18 =	vmul.f32 $5.000000000e-01, v18  }
0xd1: {  	[tilespmem:v30+s23+$0x0] =	vst.idx.msk $0xffff, v60;
	v59 =	vsel vm9, $0x3F800000, v2;
	vm10 =	vge.f32 v23, $1.000000000e+00;
	v20 =	vadd.f32 v20, v29  }
0xd2: {  	[tilespmem:v33+s23+$0x0] =	vst.idx.msk $0xffff, v58;
	v21 =	vmul.f32 $5.000000000e-01, v21;
	v17 =	vsub.f32 v17, v59;
	v61 =	vsel vm10, $0x3F800000, v2  }
0xd3: {  	[tilespmem:v24+s23+$0x0] =	vst.idx.msk $0xffff, v54;
	v18 =	vadd.f32 v18, v25;
	v62 =	vsub.f32 v23, v61;
	vm11 =	vge.f32 v20, $1.000000000e+00  }
0xd4: {  	[tilespmem:v28+s24+$0x0] =	vst.idx.msk $0xffff, v22;
	v17 =	vmul.f32 $5.000000000e-01, v17;
	v19 =	vsel vm11, $0x3F800000, v2  }
0xd5: {  	vm12 =	vge.f32 v18, $1.000000000e+00;
	v18 =	vadd.f32 v21, v31;
	[tilespmem:v24+s24+$0x0] =	vst.idx.msk $0xffff, v19;
	v19 =	vmul.f32 $5.000000000e-01, v62  }
0xd6: {  	[tilespmem:v26+s23+$0x0] =	vst.idx.msk $0xffff, v59;
	v17 =	vadd.f32 v17, v32  }
0xd7: {  	[tilespmem:v27+s23+$0x0] =	vst.idx.msk $0xffff, v61;
	v63 =	vsel vm12, $0x3F800000, v2;
	vm14 =	vge.f32 v18, $1.000000000e+00;
	v19 =	vadd.f32 v19, v36  }
0xd8: {  	s25 =	sshll.u32 s19, $0x10;
	[tilespmem:v33+s24+$0x0] =	vst.idx.msk $0xffff, v63;
	v18 =	vsel vm14, $0x3F800000, v2;
	vm13 =	vge.f32 v17, $1.000000000e+00  }
0xd9: {  	s25 =	sor.u32 s6, s25;
	[tilespmem:v30+s24+$0x0] =	vst.idx.msk $0xffff, v18;
	v17 =	vsel vm13, $0x3F800000, v2;
	vm15 =	vge.f32 v19, $1.000000000e+00  }
0xda: {  	s25 =	sshrl.u32 s25, $0x3;
	[tilespmem:v26+s24+$0x0] =	vst.idx.msk $0xffff, v17;
	v17 =	vsel vm15, $0x3F800000, v2  }
0xdb: {  	s26 =	sadd.s32 s2, s25;
	[tilespmem:v27+s24+$0x0] =	vst.idx.msk $0xffff, v17  }
0xdc: {  	[hbm4b:s26+s3] =	stream.linear.scatter [tilespmem:s22], [sflag:$0x2], $0x400, $0x38;
	[tilespmem:$0xB900] =	vst v63  }
0xdd: {  	s28 =	sadd.s32 $0x3D00, s20;
	s25 =	sadd.s32 s25, s7  }
0xde: {  	[hbm4b:s25+s3] =	stream.linear.scatter [tilespmem:s28], [sflag:$0x2], $0x400, $0x38;
	[tilespmem:$0xB900] =	vst v63  }
0xdf: {  	s29 =	sadd.s32 $0x64000, s26  }
0xe0: {  	[hbm4b:s29+s3] =	stream.linear.scatter [tilespmem:s21], [sflag:$0x2], $0x400, $0x38;
	[tilespmem:$0xB900] =	vst v63  }
0xe1: {  	s31 =	sadd.s32 $0x4500, s20;
	s30 =	sadd.s32 $0x65000, s26  }
0xe2: {  	[hbm4b:s30+s3] =	stream.linear.scatter [tilespmem:s31], [sflag:$0x2], $0x400, $0x38;
	[tilespmem:$0xB900] =	vst v63  }
0xe3: {  	s19 =	sadd.s32 $0x1, s19;
	s22 =	sadd.s32 $0xC8000, s26  }
0xe4: {  	[hbm4b:s22+s3] =	stream.linear.scatter [tilespmem:s23], [sflag:$0x2], $0x400, $0x38;
	[tilespmem:$0xB900] =	vst v63  }
0xe5: {  	p0 =	sne.s32 s19, $0x32;
	s25 =	sadd.s32 $0xC9000, s26;
	s28 =	sadd.s32 $0x4D00, s20  }
0xe6: {  	[hbm4b:s25+s3] =	stream.linear.scatter [tilespmem:s28], [sflag:$0x2], $0x400, $0x38;
	[tilespmem:$0xB900] =	vst v63  }
.Ltmp1:
0xe7: {  	_ = 	snop;
	(pc) =	sbr.rel @p0 .LBB2_2-.Ltmp1, $4  }
0xe8: {  	s29 =	sadd.s32 $0x12C000, s26  }
0xe9: {  	[hbm4b:s29+s3] =	stream.linear.scatter [tilespmem:s24], [sflag:$0x2], $0x400, $0x38;
	[tilespmem:$0xB900] =	vst v63  }
0xea: {  	s30 =	sadd.s32 $0x12D000, s26;
	s31 =	sadd.s32 $0x5500, s20  }
0xeb: {  	[hbm4b:s30+s3] =	stream.linear.scatter [tilespmem:s31], [sflag:$0x2], $0x400, $0x38;
	[tilespmem:$0xB900] =	vst v63  }
0xec: {  	_ =	swait.ge [sflag:s17], $0x400  }
0xed: {  	[sflag:s17] =	ssyncset.done $0x0  }
0xee: {  	[sflag:s17] =	ssyncadd.s32 $0xFFFFFC00  }
0xef: {  	_ =	swait.ge [sflag:s17], $0x400  }
0xf0: {  	[sflag:s17] =	ssyncset.done $0x0  }
0xf1: {  	[sflag:s17] =	ssyncadd.s32 $0xFFFFFC00  }
0xf2: {  	_ =	swait.ge [sflag:s17], $0x400  }
0xf3: {  	[sflag:s17] =	ssyncset.done $0x0  }
0xf4: {  	[sflag:s17] =	ssyncadd.s32 $0xFFFFFC00  }
0xf5: {  	_ =	swait.ge [sflag:s17], $0x400  }
0xf6: {  	[sflag:s17] =	ssyncset.done $0x0  }
0xf7: {  	[sflag:s17] =	ssyncadd.s32 $0xFFFFFC00  }
0xf8: {  	_ =	swait.ge [sflag:s17], $0x400  }
0xf9: {  	[sflag:s17] =	ssyncset.done $0x0  }
0xfa: {  	[sflag:s17] =	ssyncadd.s32 $0xFFFFFC00  }
0xfb: {  	_ =	swait.ge [sflag:s17], $0x400  }
0xfc: {  	[sflag:s17] =	ssyncset.done $0x0  }
0xfd: {  	[sflag:s17] =	ssyncadd.s32 $0xFFFFFC00  }
0xfe: {  	_ =	swait.ge [sflag:s17], $0x400  }
0xff: {  	[sflag:s17] =	ssyncset.done $0x0  }
0x100: {  	[sflag:s17] =	ssyncadd.s32 $0xFFFFFC00  }
0x101: {  	_ =	swait.ge [sflag:s17], $0x400  }
0x102: {  	[sflag:s17] =	ssyncset.done $0x0  }
0x103: {  	[sflag:s17] =	ssyncadd.s32 $0xFFFFFC00  }
0x104: {  	_ =	swait.ge [sflag:s17], $0x400  }
0x105: {  	[sflag:s17] =	ssyncset.done $0x0  }
0x106: {  	[sflag:s17] =	ssyncadd.s32 $0xFFFFFC00  }
0x107: {  	_ =	swait.ge [sflag:s17], $0x400  }
0x108: {  	[sflag:s17] =	ssyncset.done $0x0  }
0x109: {  	[sflag:s17] =	ssyncadd.s32 $0xFFFFFC00  }
0x10a: {  	_ =	swait.ge [sflag:s17], $0x400  }
0x10b: {  	[sflag:s17] =	ssyncset.done $0x0  }
0x10c: {  	[sflag:s17] =	ssyncadd.s32 $0xFFFFFC00  }
0x10d: {  	_ =	swait.ge [sflag:s17], $0x400  }
0x10e: {  	[sflag:s17] =	ssyncset.done $0x0  }
0x10f: {  	[sflag:s17] =	ssyncadd.s32 $0xFFFFFC00  }
0x110: {  	_ =	swait.ge [sflag:s17], $0x400  }
0x111: {  	[sflag:s17] =	ssyncset.done $0x0  }
0x112: {  	[sflag:s17] =	ssyncadd.s32 $0xFFFFFC00  }
0x113: {  	_ =	swait.ge [sflag:s17], $0x400  }
0x114: {  	[sflag:s17] =	ssyncset.done $0x0  }
0x115: {  	[sflag:s17] =	ssyncadd.s32 $0xFFFFFC00  }
0x116: {  	_ =	swait.ge [sflag:s17], $0x400  }
0x117: {  	[sflag:s17] =	ssyncset.done $0x0  }
0x118: {  	[sflag:s17] =	ssyncadd.s32 $0xFFFFFC00  }
0x119: {  	_ =	swait.ge [sflag:s17], $0x400  }
0x11a: {  	[sflag:s17] =	ssyncset.done $0x0  }
0x11b: {  	[sflag:s17] =	ssyncadd.s32 $0xFFFFFC00  }
0x11c: {  	_ =	swait.ge [sflag:s17], $0x400  }
0x11d: {  	[sflag:s17] =	ssyncset.done $0x0  }
0x11e: {  	[sflag:s17] =	ssyncadd.s32 $0xFFFFFC00  }
0x11f: {  	_ =	swait.ge [sflag:s17], $0x400  }
0x120: {  	[sflag:s17] =	ssyncset.done $0x0  }
0x121: {  	[sflag:s17] =	ssyncadd.s32 $0xFFFFFC00  }
0x122: {  	_ =	swait.ge [sflag:s17], $0x400  }
0x123: {  	[sflag:s17] =	ssyncset.done $0x0  }
0x124: {  	[sflag:s17] =	ssyncadd.s32 $0xFFFFFC00  }
0x125: {  	_ =	swait.ge [sflag:s17], $0x400  }
0x126: {  	[sflag:s17] =	ssyncset.done $0x0  }
0x127: {  	[sflag:s17] =	ssyncadd.s32 $0xFFFFFC00  }
0x128: {  	_ =	swait.ge [sflag:s17], $0x400  }
0x129: {  	[sflag:s17] =	ssyncset.done $0x0  }
0x12a: {  	[sflag:s17] =	ssyncadd.s32 $0xFFFFFC00  }
0x12b: {  	_ =	swait.ge [sflag:s17], $0x400  }
0x12c: {  	[sflag:s17] =	ssyncset.done $0x0  }
0x12d: {  	[sflag:s17] =	ssyncadd.s32 $0xFFFFFC00  }
0x12e: {  	_ =	swait.ge [sflag:s17], $0x400  }
0x12f: {  	[sflag:s17] =	ssyncset.done $0x0  }
0x130: {  	[sflag:s17] =	ssyncadd.s32 $0xFFFFFC00  }
0x131: {  	_ =	swait.ge [sflag:s17], $0x400  }
0x132: {  	[sflag:s17] =	ssyncset.done $0x0  }
0x133: {  	[sflag:s17] =	ssyncadd.s32 $0xFFFFFC00  }
0x134: {  	_ =	swait.ge [sflag:s17], $0x400  }
0x135: {  	[sflag:s17] =	ssyncset.done $0x0  }
0x136: {  	[sflag:s17] =	ssyncadd.s32 $0xFFFFFC00  }
0x137: {  	_ =	swait.ge [sflag:s17], $0x400  }
0x138: {  	[sflag:s17] =	ssyncset.done $0x0  }
0x139: {  	[sflag:s17] =	ssyncadd.s32 $0xFFFFFC00  }
0x13a: {  	_ =	swait.ge [sflag:s17], $0x400  }
0x13b: {  	[sflag:s17] =	ssyncset.done $0x0  }
0x13c: {  	[sflag:s17] =	ssyncadd.s32 $0xFFFFFC00  }
0x13d: {  	_ =	swait.ge [sflag:s17], $0x400  }
0x13e: {  	[sflag:s17] =	ssyncset.done $0x0  }
0x13f: {  	[sflag:s17] =	ssyncadd.s32 $0xFFFFFC00  }
0x140: {  	_ =	swait.ge [sflag:s17], $0x400  }
0x141: {  	[sflag:s17] =	ssyncset.done $0x0  }
0x142: {  	[sflag:s17] =	ssyncadd.s32 $0xFFFFFC00  }
0x143: {  	_ =	swait.ge [sflag:s17], $0x400  }
0x144: {  	[sflag:s17] =	ssyncset.done $0x0  }
0x145: {  	s18 =	sadd.s32 $0x1, s18;
	[sflag:s17] =	ssyncadd.s32 $0xFFFFFC00  }
0x146: {  	p0 =	sne.s32 s18, s8;
	_ =	swait.ge [sflag:s17], $0x400  }
.Ltmp2:
0x147: {  	[sflag:s17] =	ssyncset.done $0x0;
	(pc) =	sbr.rel @p0 .LBB2_1-.Ltmp2, $4  }
0x148: {  	[sflag:s17] =	ssyncadd.s32 $0xFFFFFC00  }
0x149: {  	_ =	swait.ge [sflag:s17], $0x400  }
0x14a: {  	[sflag:s17] =	ssyncset.done $0x0  }
0x14b: {  	[sflag:s17] =	ssyncadd.s32 $0xFFFFFC00  }
0x14c: {  	_ =	sfence.sel $0x180000  }
0x14d: {  	[bflag:$0x0] =	sbarrier.arrive $0xFFFF  }
0x14e: {  	p0 =	sne.s32 s1, $0x0;
	_ =	strace $0x9000004A  }
0x14f: {  	s0 =	sadd.s32 @!p0 $0x100000, s0;
	[bflag:$0x2] =	sbarrier.arrive $0xFFFF  }
0x150: {  	[sflag:s0] =	ssyncadd.tile.s32 @!p0 $0x1;
	_ =	shalt  }
.Lfunc_end2:
_tile_overlayer_lowered:
.L_overlay_start_2:
0x151: {  	(tag) =	ssettag $0x2  }
0x152: {  	s0 =	rddreg [dreg:$0x0];
	s2 =	stileid.u32  }
0x153: {  	s1 =	rddreg [dreg:$0x1];
	p0 =	sne.s32 s2, $0x0  }
0x154: {  	s3 =	rddreg [dreg:$0x2];
	[bflag:$0x3] =	sbarrier.arrive $0xFFFF;
	s2 =	simm.s32 @!p0 $0x1C03  }
0x155: {  	[timem:s3], [sflag:s2] =	dma.local @!p0 [hbm:s0], s1  }
0x156: {  	s0 =	simm.s32 @!p0 $0x3  }
0x157: {  	_ =	swait.ge @!p0 [sflag:s0], s1  }
0x158: {  	s1 =	ssub.s32 @!p0 $0x0, s1;
	[sflag:s0] =	ssyncset.done @!p0 $0x0  }
0x159: {  	[sflag:s0] =	ssyncadd.s32 @!p0 s1  }
0x15a: {  	[bflag:$0x3] =	sbarrier.arrive $0xFFFF  }
0x15b: {  	_ =	shalt  }

</sc_bundles>
